<compile_context>
chip_gen: v7x
topology: tpu7x:2x2x1
jax: 0.10.2.dev20260603
libtpu: 0.0.44.dev20260713+nightly
codegen_flags: <defaults>
</compile_context>

<pallas_src>
import functools

import jax
import jax.numpy as jnp
from jax import lax
from jax.experimental import pallas as pl
from jax.experimental.pallas import tpu as pltpu
from jax.experimental.pallas import tpu_sc as plsc

NSAMPLE = 32
RADIUS2 = 0.8 * 0.8
_BIG = 3.0e38

_NC, _NS = 2, 16
_L = 16


def _dist_kernel(kp_ref, xt_ref, d2_ref):
    kp = kp_ref[...]
    k0 = kp[:, 0:1]
    k1 = kp[:, 1:2]
    k2 = kp[:, 2:3]
    x0 = xt_ref[0:1, :]
    x1 = xt_ref[1:2, :]
    x2 = xt_ref[2:3, :]
    kk = k0 * k0 + k1 * k1 + k2 * k2
    xx = x0 * x0 + x1 * x1 + x2 * x2
    kx = jax.lax.dot(kp, xt_ref[...])
    d2 = (kk - 2.0 * kx) + xx
    d2_ref[...] = jnp.where(d2 <= RADIUS2, d2, _BIG)


def _dist(keypoints, xt, QB):
    Q = keypoints.shape[0]
    N = xt.shape[1]
    return pl.pallas_call(
        _dist_kernel,
        grid=(Q // QB,),
        in_specs=[
            pl.BlockSpec((QB, 3), lambda i: (i, 0)),
            pl.BlockSpec((3, N), lambda i: (0, 0)),
        ],
        out_specs=pl.BlockSpec((QB, N), lambda i: (i, 0)),
        out_shape=jax.ShapeDtypeStruct((Q, N), jnp.float32),
    )(keypoints, xt)


def _treemin16(load):
    v = [load(c) for c in range(16)]
    for st in (8, 4, 2, 1):
        v = [jnp.minimum(v[i], v[i + st]) for i in range(st)]
    return v[0]


def _sc_kernel(d2_hbm, table_hbm, rows_hbm, msel_hbm,
               row_v, sv_v, l2_v, idx_v, msel_v, rows_v, tmp_v, tmpi,
               sem, sem2):
    wid = lax.axis_index("s") * _NC + lax.axis_index("c")
    iota = lax.iota(jnp.int32, _L)

    def bfmin_f(v):
        for sh in (8, 4, 2, 1):
            tmp_v[pl.ds(0, _L)] = v
            tmp_v[pl.ds(_L, _L)] = v
            v = jnp.minimum(v, tmp_v[pl.ds(sh, _L)])
        return v

    def bfmin_i(v):
        for sh in (8, 4, 2, 1):
            tmpi[pl.ds(0, _L)] = v
            tmpi[pl.ds(_L, _L)] = v
            v = jnp.minimum(v, tmpi[pl.ds(sh, _L)])
        return v

    pltpu.async_copy(d2_hbm.at[wid * 32], row_v.at[pl.ds(0, 32768)], sem2)

    def per_query(qlocal, _):
        bb = (qlocal % 2) * 32768
        pltpu.make_async_copy(
            d2_hbm.at[0], row_v.at[pl.ds(bb, 32768)], sem2).wait()
        qn = wid * 32 + jnp.minimum(qlocal + 1, 31)
        bbn = ((qlocal + 1) % 2) * 32768
        pltpu.async_copy(d2_hbm.at[qn], row_v.at[pl.ds(bbn, 32768)], sem2)

        def build_sv(s4, _):
            for u in range(4):
                s = s4 * 4 + u
                base = s * 256
                sv_v[pl.ds(s * 16, _L)] = _treemin16(
                    lambda c, b=base: row_v[pl.ds(bb + b + c * 16, _L)])
            return 0
        lax.fori_loop(0, 32, build_sv, 0)

        def build_l2(k, _):
            base = k * 256
            l2_v[pl.ds(k * 16, _L)] = _treemin16(
                lambda s2, b=base: sv_v[pl.ds(b + s2 * 16, _L)])
            return 0
        lax.fori_loop(0, 8, build_l2, 0)

        ib0 = qlocal * 32

        def extract(t, _):
            l2 = [l2_v[pl.ds(k * 16, _L)] for k in range(8)]
            g = l2
            for st in (4, 2, 1):
                g = [jnp.minimum(g[i], g[i + st]) for i in range(st)]
            m = bfmin_f(g[0])[0]
            enc1 = [jnp.where(l2[k] == m, iota + k * 16, 9999)
                    for k in range(8)]
            for st in (4, 2, 1):
                enc1 = [jnp.minimum(enc1[i], enc1[i + st])
                        for i in range(st)]
            ks = bfmin_i(enc1[0])[0] // 16

            enc2 = _treemin16(
                lambda s2: jnp.where(
                    sv_v[pl.ds(ks * 256 + s2 * 16, _L)] == m,
                    iota + s2 * 16, 9999))
            sstar = ks * 16 + bfmin_i(enc2)[0] // 16

            enc3 = _treemin16(
                lambda c2: jnp.where(
                    row_v[pl.ds(bb + sstar * 256 + c2 * 16, _L)] == m,
                    iota + c2 * 16, 9999))
            e3 = bfmin_i(enc3)[0]
            lane = e3 % 16
            nstar = sstar * 256 + e3

            cb = bb + sstar * 256 + e3 - lane
            row_v[pl.ds(cb, _L)] = jnp.where(
                iota == lane, _BIG, row_v[pl.ds(cb, _L)])
            sv_v[pl.ds(sstar * 16, _L)] = _treemin16(
                lambda c: row_v[pl.ds(bb + sstar * 256 + c * 16, _L)])
            l2_v[pl.ds(ks * 16, _L)] = _treemin16(
                lambda s2: sv_v[pl.ds(ks * 256 + s2 * 16, _L)])

            idx_v[pl.ds(ib0, _L)] = jnp.where(
                iota == t, nstar, idx_v[pl.ds(ib0, _L)])
            idx_v[pl.ds(ib0 + 16, _L)] = jnp.where(
                iota == t - 16, nstar, idx_v[pl.ds(ib0 + 16, _L)])
            msel_v[pl.ds(ib0, _L)] = jnp.where(
                iota == t, m, msel_v[pl.ds(ib0, _L)])
            msel_v[pl.ds(ib0 + 16, _L)] = jnp.where(
                iota == t - 16, m, msel_v[pl.ds(ib0 + 16, _L)])
            return 0

        lax.fori_loop(0, NSAMPLE, extract, 0)
        return 0

    lax.fori_loop(0, 32, per_query, 0)
    pltpu.make_async_copy(
        d2_hbm.at[0], row_v.at[pl.ds(0, 32768)], sem2).wait()

    base = wid * 1024
    half = rows_v.shape[0]
    for h in range(1024 // half):
        copies = []
        for j in range(half // 128):
            copies.append(pltpu.async_copy(
                table_hbm.at[idx_v.at[pl.ds(h * half + j * 128, 128)]],
                rows_v.at[pl.ds(j * 128, 128)], sem))
        for c in copies:
            c.wait()
        pltpu.sync_copy(rows_v, rows_hbm.at[pl.ds(base + h * half, half)])
    pltpu.sync_copy(msel_v, msel_hbm.at[pl.ds(base, 1024)])


def _sc_select_gather(d2m, table):
    N, D = table.shape
    B = 1024 * NSAMPLE
    mesh = plsc.VectorSubcoreMesh(core_axis_name="c", subcore_axis_name="s")
    k = functools.partial(
        pl.kernel,
        mesh=mesh,
        out_type=[
            jax.ShapeDtypeStruct((B, D), jnp.float32),
            jax.ShapeDtypeStruct((B,), jnp.float32),
        ],
        scratch_types=[
            pltpu.VMEM((2 * 32768,), jnp.float32),
            pltpu.VMEM((2048,), jnp.float32),
            pltpu.VMEM((128,), jnp.float32),
            pltpu.VMEM((1024,), jnp.int32),
            pltpu.VMEM((1024,), jnp.float32),
            pltpu.VMEM((256, 128), jnp.float32),
            pltpu.VMEM((2 * _L,), jnp.float32),
            pltpu.VMEM((2 * _L,), jnp.int32),
            pltpu.SemaphoreType.DMA,
            pltpu.SemaphoreType.DMA,
        ],
    )(_sc_kernel)
    return k(d2m, table)


def _mlp_kernel(rows_ref, kprep_ref, mselv_ref, w1_ref, b1_ref, w2_ref,
                b2_ref, out_ref):
    R = rows_ref.shape[0]
    D = rows_ref.shape[1]
    H = w1_ref.shape[1]
    kpad = jnp.concatenate(
        [kprep_ref[...], jnp.zeros((R, D - 3), jnp.float32)], axis=1)
    maskv = (mselv_ref[...] <= RADIUS2)
    g = (rows_ref[...] - kpad) * maskv.astype(jnp.float32)
    h = jax.lax.dot(g, w1_ref[...],
                    precision=jax.lax.Precision.HIGHEST) + b1_ref[...]
    h = jnp.maximum(h, 0.0)
    h = jax.lax.dot(h, w2_ref[...],
                    precision=jax.lax.Precision.HIGHEST) + b2_ref[...]
    h = jnp.maximum(h, 0.0)
    h = jnp.where(maskv, h, -jnp.inf)
    h3 = h.reshape(R // NSAMPLE, NSAMPLE, H)
    out = jnp.max(h3, axis=1)
    out_ref[...] = jnp.where(jnp.isfinite(out), out, 0.0)


def _mlp(rows, kprep, mselv, w1p, b1, W2, b2, QB):
    Q = kprep.shape[0] // NSAMPLE
    D = rows.shape[1]
    H = w1p.shape[1]
    RB = QB * NSAMPLE
    return pl.pallas_call(
        _mlp_kernel,
        grid=(Q // QB,),
        in_specs=[
            pl.BlockSpec((RB, D), lambda i: (i, 0)),
            pl.BlockSpec((RB, 3), lambda i: (i, 0)),
            pl.BlockSpec((RB, 1), lambda i: (i, 0)),
            pl.BlockSpec((D, H), lambda i: (0, 0)),
            pl.BlockSpec((1, H), lambda i: (0, 0)),
            pl.BlockSpec((H, H), lambda i: (0, 0)),
            pl.BlockSpec((1, H), lambda i: (0, 0)),
        ],
        out_specs=pl.BlockSpec((QB, H), lambda i: (i, 0)),
        out_shape=jax.ShapeDtypeStruct((Q, H), jnp.float32),
    )(rows, kprep, mselv, w1p, b1.reshape(1, H), W2, b2.reshape(1, H))


def kernel(keypoints, xyz, features, W1, b1, W2, b2):
    Q = keypoints.shape[0]
    N = xyz.shape[0]
    C = features.shape[1]
    H = W1.shape[1]
    QB = 64 if Q % 64 == 0 else Q
    D = 128

    xt = xyz.T
    table = jnp.concatenate(
        [xyz, features, jnp.zeros((N, D - 3 - C), features.dtype)], axis=1)
    w1p = jnp.concatenate(
        [W1, jnp.zeros((D - 3 - C, H), W1.dtype)], axis=0)

    d2m = _dist(keypoints, xt, QB)
    rows, mself = _sc_select_gather(d2m, table)
    kprep = jnp.repeat(keypoints, NSAMPLE, axis=0)
    return _mlp(rows, kprep, mself.reshape(-1, 1), w1p, b1, W2, b2, QB)

# --- scband reference (transcript-rebuilt; emitter-appended) ---
"""Pipeline reference for scband-voxel-set-abstraction-59407987638871 (READ-ONLY COPY).

The authoritative reference and input builder live on the scoring server;
editing this copy changes nothing except your own understanding.
"""

import jax, jax.numpy as jnp
import numpy as np

NSAMPLE = 32
RADIUS = 0.8

def setup_inputs(seed: int = 0) -> dict:
    key = jax.random.key(seed)
    k1, k2, k3, k4, k5 = jax.random.split(key, 5)
    keypoints = jax.random.normal(k1, (1024, 3), dtype=jnp.float32)
    xyz = jax.random.normal(k2, (32768, 3), dtype=jnp.float32)
    features = jax.random.normal(k3, (32768, 32), dtype=jnp.float32)
    W1 = jax.random.normal(k4, (35, 64), dtype=jnp.float32) * 0.1
    b1 = jnp.zeros((64,), dtype=jnp.float32)
    W2 = jax.random.normal(k5, (64, 64), dtype=jnp.float32) * 0.1
    b2 = jnp.zeros((64,), dtype=jnp.float32)
    return {"keypoints": keypoints, "xyz": xyz, "features": features,
            "W1": W1, "b1": b1, "W2": W2, "b2": b2}

def reference(keypoints, xyz, features, W1, b1, W2, b2):
    # VoxelSetAbstraction core: for each keypoint, radius-limited kNN retrieval
    # over source points (ball query), gather xyz + features, shared MLP, max-pool.
    # squared distances [Q, N]
    d2 = (jnp.sum(keypoints * keypoints, axis=1, keepdims=True)
          - 2.0 * keypoints @ xyz.T
          + jnp.sum(xyz * xyz, axis=1)[None, :])
    neg_vals, idx = jax.lax.top_k(-d2, NSAMPLE)          # nearest NSAMPLE neighbors
    d2_sel = -neg_vals                                    # [Q, nsample]
    grouped_xyz = jnp.take(xyz, idx, axis=0) - keypoints[:, None, :]   # [Q, ns, 3]
    grouped_feat = jnp.take(features, idx, axis=0)                     # [Q, ns, C]
    mask = (d2_sel <= RADIUS * RADIUS)[..., None].astype(grouped_feat.dtype)
    g = jnp.concatenate([grouped_xyz, grouped_feat], axis=-1) * mask   # [Q, ns, 3+C]
    h = jax.nn.relu(g @ W1 + b1)
    h = jax.nn.relu(h @ W2 + b2)
    # masked max pool over neighbors (empty/ball-outside slots suppressed)
    h = jnp.where(mask > 0, h, -jnp.inf)
    out = jnp.max(h, axis=1)
    out = jnp.where(jnp.isfinite(out), out, 0.0)
    return out

if __name__ == "__main__":
    import jax
    _d = setup_inputs()
    print(jax.jit(kernel)(*tuple(_d.values())))

</pallas_src>

<mosaic_0001>
#map = affine_map<(d0, d1) -> (0, 0)>
#map1 = affine_map<(d0, d1) -> (0)>
module attributes {stable_mosaic.version = 14 : i64} {
  func.func @_sc_kernel(%arg0: i32, %arg1: i32, %arg2: memref<1024x32768xf32, #tpu.memory_space<hbm>>, %arg3: memref<32768x128xf32, #tpu.memory_space<hbm>>, %arg4: memref<32768x128xf32, #tpu.memory_space<hbm>>, %arg5: memref<32768xf32, #tpu.memory_space<hbm>>, %arg6: memref<65536xf32, #tpu.memory_space<vmem>>, %arg7: memref<2048xf32, #tpu.memory_space<vmem>>, %arg8: memref<128xf32, #tpu.memory_space<vmem>>, %arg9: memref<1024xi32, #tpu.memory_space<vmem>>, %arg10: memref<1024xf32, #tpu.memory_space<vmem>>, %arg11: memref<256x128xf32, #tpu.memory_space<vmem>>, %arg12: memref<32xf32, #tpu.memory_space<vmem>>, %arg13: memref<32xi32, #tpu.memory_space<vmem>>, %arg14: memref<!tpu.dma_semaphore, #tpu.memory_space<semaphore_mem>>, %arg15: memref<!tpu.dma_semaphore, #tpu.memory_space<semaphore_mem>>) attributes {dimension_semantics = [#tpu.dimension_semantics<core_parallel>, #tpu.dimension_semantics<subcore_parallel>], iteration_bounds = array<i64: 2, 16>, scalar_prefetch = 0 : i64, scratch_operands = 10 : i64, tpu.core_type = #tpu.core_type<sc_vector_subcore>, window_params = [{transform_indices = #map}, {transform_indices = #map}, {transform_indices = #map}, {transform_indices = #map1}]} {
    %mul3A = arith.constant 2 : i32
    %mul3A_0 = arith.muli %arg1, %mul3A : i32
    %add3A = arith.addi %mul3A_0, %arg0 : i32
    %iota3A = tpu.iota {dimensions = array<i32: 0>} : vector<16xi32>
    %mul3A_1 = arith.constant 32 : i32
    %mul3A_2 = arith.muli %add3A, %mul3A_1 : i32
    %dma_start3A = arith.constant 0 : i32
    %dma_start3A_3 = tpu.memref_slice %arg6[%dma_start3A] : memref<65536xf32, #tpu.memory_space<vmem>> -> memref<32768xf32, #tpu.memory_space<vmem>>
    %dma_start3A_4 = arith.constant 0 : i32
    %dma_start3A_5 = tpu.memref_slice %arg2[%mul3A_2, %dma_start3A_4] : memref<1024x32768xf32, #tpu.memory_space<hbm>> -> memref<1x32768xf32, #tpu.memory_space<hbm>>
    %dma_start3A_6 = tpu.memref_squeeze %dma_start3A_5 : memref<1x32768xf32, #tpu.memory_space<hbm>> -> memref<32768xf32, #tpu.memory_space<hbm>>
    %dma_start3A_7 = arith.constant 0 : i32
    %dma_start3A_8 = tpu.memref_slice %arg6[%dma_start3A_7] : memref<65536xf32, #tpu.memory_space<vmem>> -> memref<32768xf32, #tpu.memory_space<vmem>>
    %dma_start3A_9 = arith.constant 0 : i32
    %dma_start3A_10 = tpu.memref_slice %arg2[%mul3A_2, %dma_start3A_9] : memref<1024x32768xf32, #tpu.memory_space<hbm>> -> memref<1x32768xf32, #tpu.memory_space<hbm>>
    %dma_start3A_11 = tpu.memref_squeeze %dma_start3A_10 : memref<1x32768xf32, #tpu.memory_space<hbm>> -> memref<32768xf32, #tpu.memory_space<hbm>>
    tpu.enqueue_dma source(%dma_start3A_11 : memref<32768xf32, #tpu.memory_space<hbm>>) target(%dma_start3A_8 : memref<32768xf32, #tpu.memory_space<vmem>>) target_semaphore(%arg15 : memref<!tpu.dma_semaphore, #tpu.memory_space<semaphore_mem>>)
    %scan3A = arith.constant 0 : i32
    %scan3A_12 = arith.constant 0 : i32
    %scan3A_13 = arith.constant 32 : i32
    %scan3A_14 = arith.addi %scan3A_12, %scan3A_13 : i32
    %scan3A_15 = arith.constant 1 : i32
    %scan3A_16 = scf.for %scan3A_166 = %scan3A_12 to %scan3A_14 step %scan3A_15 iter_args(%scan3A_167 = %scan3A) -> (i32)  : i32 {
      %jit3A = arith.constant 2 : i32
      %eq3A = arith.constant 0 : i32
      %eq3A_168 = arith.cmpi eq, %jit3A, %eq3A : i32
      %jit3A_169 = arith.constant 1 : i32
      %select_n3A = arith.select %eq3A_168, %jit3A_169, %jit3A : i32
      %rem3A = arith.remsi %scan3A_166, %select_n3A : i32
      %ne3A = arith.constant 0 : i32
      %ne3A_170 = arith.cmpi ne, %rem3A, %ne3A : i32
      %lt3A = arith.constant 0 : i32
      %lt3A_171 = arith.cmpi slt, %rem3A, %lt3A : i32
      %lt3A_172 = arith.constant 0 : i32
      %lt3A_173 = arith.cmpi slt, %select_n3A, %lt3A_172 : i32
      %ne3A_174 = arith.xori %lt3A_171, %lt3A_173 : i1
      %and3A = arith.andi %ne3A_174, %ne3A_170 : i1
      %add3A_175 = arith.addi %rem3A, %select_n3A : i32
      %select_n3A_176 = arith.select %and3A, %add3A_175, %rem3A : i32
      %mul3A_177 = arith.constant 32768 : i32
      %mul3A_178 = arith.muli %select_n3A_176, %mul3A_177 : i32
      %dma_wait3A_179 = arith.constant 0 : i32
      %dma_wait3A_180 = tpu.memref_slice %arg6[%mul3A_178] : memref<65536xf32, #tpu.memory_space<vmem>> -> memref<32768xf32, #tpu.memory_space<vmem>>
      %dma_wait3A_181 = arith.constant 0 : i32
      %dma_wait3A_182 = tpu.memref_slice %arg2[%dma_wait3A_179, %dma_wait3A_181] : memref<1024x32768xf32, #tpu.memory_space<hbm>> -> memref<1x32768xf32, #tpu.memory_space<hbm>>
      %dma_wait3A_183 = tpu.memref_squeeze %dma_wait3A_182 : memref<1x32768xf32, #tpu.memory_space<hbm>> -> memref<32768xf32, #tpu.memory_space<hbm>>
      %dma_wait3A_184 = tpu.memref_slice %arg6[%mul3A_178] : memref<65536xf32, #tpu.memory_space<vmem>> -> memref<32768xf32, #tpu.memory_space<vmem>>
      %dma_wait3A_185 = arith.constant 0 : i32
      %dma_wait3A_186 = tpu.memref_slice %arg2[%dma_wait3A_179, %dma_wait3A_185] : memref<1024x32768xf32, #tpu.memory_space<hbm>> -> memref<1x32768xf32, #tpu.memory_space<hbm>>
      %dma_wait3A_187 = tpu.memref_squeeze %dma_wait3A_186 : memref<1x32768xf32, #tpu.memory_space<hbm>> -> memref<32768xf32, #tpu.memory_space<hbm>>
      tpu.wait_dma2 semaphore(%arg15 : memref<!tpu.dma_semaphore, #tpu.memory_space<semaphore_mem>>) src(%dma_wait3A_187 : memref<32768xf32, #tpu.memory_space<hbm>>) dst(%dma_wait3A_184 : memref<32768xf32, #tpu.memory_space<vmem>>)
      %mul3A_188 = arith.constant 32 : i32
      %mul3A_189 = arith.muli %add3A, %mul3A_188 : i32
      %add3A_190 = arith.constant 1 : i32
      %add3A_191 = arith.addi %scan3A_166, %add3A_190 : i32
      %min3A = arith.constant 31 : i32
      %min3A_192 = arith.minsi %add3A_191, %min3A : i32
      %add3A_193 = arith.addi %mul3A_189, %min3A_192 : i32
      %add3A_194 = arith.constant 1 : i32
      %add3A_195 = arith.addi %scan3A_166, %add3A_194 : i32
      %jit3A_196 = arith.constant 2 : i32
      %eq3A_197 = arith.constant 0 : i32
      %eq3A_198 = arith.cmpi eq, %jit3A_196, %eq3A_197 : i32
      %jit3A_199 = arith.constant 1 : i32
      %select_n3A_200 = arith.select %eq3A_198, %jit3A_199, %jit3A_196 : i32
      %rem3A_201 = arith.remsi %add3A_195, %select_n3A_200 : i32
      %ne3A_202 = arith.constant 0 : i32
      %ne3A_203 = arith.cmpi ne, %rem3A_201, %ne3A_202 : i32
      %lt3A_204 = arith.constant 0 : i32
      %lt3A_205 = arith.cmpi slt, %rem3A_201, %lt3A_204 : i32
      %lt3A_206 = arith.constant 0 : i32
      %lt3A_207 = arith.cmpi slt, %select_n3A_200, %lt3A_206 : i32
      %ne3A_208 = arith.xori %lt3A_205, %lt3A_207 : i1
      %and3A_209 = arith.andi %ne3A_208, %ne3A_203 : i1
      %add3A_210 = arith.addi %rem3A_201, %select_n3A_200 : i32
      %select_n3A_211 = arith.select %and3A_209, %add3A_210, %rem3A_201 : i32
      %mul3A_212 = arith.constant 32768 : i32
      %mul3A_213 = arith.muli %select_n3A_211, %mul3A_212 : i32
      %dma_start3A_214 = tpu.memref_slice %arg6[%mul3A_213] : memref<65536xf32, #tpu.memory_space<vmem>> -> memref<32768xf32, #tpu.memory_space<vmem>>
      %dma_start3A_215 = arith.constant 0 : i32
      %dma_start3A_216 = tpu.memref_slice %arg2[%add3A_193, %dma_start3A_215] : memref<1024x32768xf32, #tpu.memory_space<hbm>> -> memref<1x32768xf32, #tpu.memory_space<hbm>>
      %dma_start3A_217 = tpu.memref_squeeze %dma_start3A_216 : memref<1x32768xf32, #tpu.memory_space<hbm>> -> memref<32768xf32, #tpu.memory_space<hbm>>
      %dma_start3A_218 = tpu.memref_slice %arg6[%mul3A_213] : memref<65536xf32, #tpu.memory_space<vmem>> -> memref<32768xf32, #tpu.memory_space<vmem>>
      %dma_start3A_219 = arith.constant 0 : i32
      %dma_start3A_220 = tpu.memref_slice %arg2[%add3A_193, %dma_start3A_219] : memref<1024x32768xf32, #tpu.memory_space<hbm>> -> memref<1x32768xf32, #tpu.memory_space<hbm>>
      %dma_start3A_221 = tpu.memref_squeeze %dma_start3A_220 : memref<1x32768xf32, #tpu.memory_space<hbm>> -> memref<32768xf32, #tpu.memory_space<hbm>>
      tpu.enqueue_dma source(%dma_start3A_221 : memref<32768xf32, #tpu.memory_space<hbm>>) target(%dma_start3A_218 : memref<32768xf32, #tpu.memory_space<vmem>>) target_semaphore(%arg15 : memref<!tpu.dma_semaphore, #tpu.memory_space<semaphore_mem>>)
      %scan3A_222 = arith.constant 0 : i32
      %scan3A_223 = arith.constant 0 : i32
      %scan3A_224 = arith.constant 32 : i32
      %scan3A_225 = arith.addi %scan3A_223, %scan3A_224 : i32
      %scan3A_226 = arith.constant 1 : i32
      %scan3A_227 = scf.for %scan3A_246 = %scan3A_223 to %scan3A_225 step %scan3A_226 iter_args(%scan3A_247 = %scan3A_222) -> (i32)  : i32 {
        %mul3A_248 = arith.constant 4 : i32
        %mul3A_249 = arith.muli %scan3A_246, %mul3A_248 : i32
        %add3A_250 = arith.constant 0 : i32
        %add3A_251 = arith.addi %mul3A_249, %add3A_250 : i32
        %mul3A_252 = arith.constant 256 : i32
        %mul3A_253 = arith.muli %add3A_251, %mul3A_252 : i32
        %add3A_254 = arith.addi %mul3A_178, %mul3A_253 : i32
        %add3A_255 = arith.constant 0 : i32
        %add3A_256 = arith.addi %add3A_254, %add3A_255 : i32
        %get3A = arith.index_cast %add3A_256 : i32 to index
        %get3A_257 = tpu.vector_load %arg6[%get3A] {strides = array<i32>} : memref<65536xf32, #tpu.memory_space<vmem>>, vector<16xf32>,
        %get3A_258 = vector.shape_cast %get3A_257 : vector<16xf32> to vector<16xf32>
        %add3A_259 = arith.addi %mul3A_178, %mul3A_253 : i32
        %add3A_260 = arith.constant 16 : i32
        %add3A_261 = arith.addi %add3A_259, %add3A_260 : i32
        %get3A_262 = arith.index_cast %add3A_261 : i32 to index
        %get3A_263 = tpu.vector_load %arg6[%get3A_262] {strides = array<i32>} : memref<65536xf32, #tpu.memory_space<vmem>>, vector<16xf32>,
        %get3A_264 = vector.shape_cast %get3A_263 : vector<16xf32> to vector<16xf32>
        %add3A_265 = arith.addi %mul3A_178, %mul3A_253 : i32
        %add3A_266 = arith.constant 32 : i32
        %add3A_267 = arith.addi %add3A_265, %add3A_266 : i32
        %get3A_268 = arith.index_cast %add3A_267 : i32 to index
        %get3A_269 = tpu.vector_load %arg6[%get3A_268] {strides = array<i32>} : memref<65536xf32, #tpu.memory_space<vmem>>, vector<16xf32>,
        %get3A_270 = vector.shape_cast %get3A_269 : vector<16xf32> to vector<16xf32>
        %add3A_271 = arith.addi %mul3A_178, %mul3A_253 : i32
        %add3A_272 = arith.constant 48 : i32
        %add3A_273 = arith.addi %add3A_271, %add3A_272 : i32
        %get3A_274 = arith.index_cast %add3A_273 : i32 to index
        %get3A_275 = tpu.vector_load %arg6[%get3A_274] {strides = array<i32>} : memref<65536xf32, #tpu.memory_space<vmem>>, vector<16xf32>,
        %get3A_276 = vector.shape_cast %get3A_275 : vector<16xf32> to vector<16xf32>
        %add3A_277 = arith.addi %mul3A_178, %mul3A_253 : i32
        %add3A_278 = arith.constant 64 : i32
        %add3A_279 = arith.addi %add3A_277, %add3A_278 : i32
        %get3A_280 = arith.index_cast %add3A_279 : i32 to index
        %get3A_281 = tpu.vector_load %arg6[%get3A_280] {strides = array<i32>} : memref<65536xf32, #tpu.memory_space<vmem>>, vector<16xf32>,
        %get3A_282 = vector.shape_cast %get3A_281 : vector<16xf32> to vector<16xf32>
        %add3A_283 = arith.addi %mul3A_178, %mul3A_253 : i32
        %add3A_284 = arith.constant 80 : i32
        %add3A_285 = arith.addi %add3A_283, %add3A_284 : i32
        %get3A_286 = arith.index_cast %add3A_285 : i32 to index
        %get3A_287 = tpu.vector_load %arg6[%get3A_286] {strides = array<i32>} : memref<65536xf32, #tpu.memory_space<vmem>>, vector<16xf32>,
        %get3A_288 = vector.shape_cast %get3A_287 : vector<16xf32> to vector<16xf32>
        %add3A_289 = arith.addi %mul3A_178, %mul3A_253 : i32
        %add3A_290 = arith.constant 96 : i32
        %add3A_291 = arith.addi %add3A_289, %add3A_290 : i32
        %get3A_292 = arith.index_cast %add3A_291 : i32 to index
        %get3A_293 = tpu.vector_load %arg6[%get3A_292] {strides = array<i32>} : memref<65536xf32, #tpu.memory_space<vmem>>, vector<16xf32>,
        %get3A_294 = vector.shape_cast %get3A_293 : vector<16xf32> to vector<16xf32>
        %add3A_295 = arith.addi %mul3A_178, %mul3A_253 : i32
        %add3A_296 = arith.constant 112 : i32
        %add3A_297 = arith.addi %add3A_295, %add3A_296 : i32
        %get3A_298 = arith.index_cast %add3A_297 : i32 to index
        %get3A_299 = tpu.vector_load %arg6[%get3A_298] {strides = array<i32>} : memref<65536xf32, #tpu.memory_space<vmem>>, vector<16xf32>,
        %get3A_300 = vector.shape_cast %get3A_299 : vector<16xf32> to vector<16xf32>
        %add3A_301 = arith.addi %mul3A_178, %mul3A_253 : i32
        %add3A_302 = arith.constant 128 : i32
        %add3A_303 = arith.addi %add3A_301, %add3A_302 : i32
        %get3A_304 = arith.index_cast %add3A_303 : i32 to index
        %get3A_305 = tpu.vector_load %arg6[%get3A_304] {strides = array<i32>} : memref<65536xf32, #tpu.memory_space<vmem>>, vector<16xf32>,
        %get3A_306 = vector.shape_cast %get3A_305 : vector<16xf32> to vector<16xf32>
        %add3A_307 = arith.addi %mul3A_178, %mul3A_253 : i32
        %add3A_308 = arith.constant 144 : i32
        %add3A_309 = arith.addi %add3A_307, %add3A_308 : i32
        %get3A_310 = arith.index_cast %add3A_309 : i32 to index
        %get3A_311 = tpu.vector_load %arg6[%get3A_310] {strides = array<i32>} : memref<65536xf32, #tpu.memory_space<vmem>>, vector<16xf32>,
        %get3A_312 = vector.shape_cast %get3A_311 : vector<16xf32> to vector<16xf32>
        %add3A_313 = arith.addi %mul3A_178, %mul3A_253 : i32
        %add3A_314 = arith.constant 160 : i32
        %add3A_315 = arith.addi %add3A_313, %add3A_314 : i32
        %get3A_316 = arith.index_cast %add3A_315 : i32 to index
        %get3A_317 = tpu.vector_load %arg6[%get3A_316] {strides = array<i32>} : memref<65536xf32, #tpu.memory_space<vmem>>, vector<16xf32>,
        %get3A_318 = vector.shape_cast %get3A_317 : vector<16xf32> to vector<16xf32>
        %add3A_319 = arith.addi %mul3A_178, %mul3A_253 : i32
        %add3A_320 = arith.constant 176 : i32
        %add3A_321 = arith.addi %add3A_319, %add3A_320 : i32
        %get3A_322 = arith.index_cast %add3A_321 : i32 to index
        %get3A_323 = tpu.vector_load %arg6[%get3A_322] {strides = array<i32>} : memref<65536xf32, #tpu.memory_space<vmem>>, vector<16xf32>,
        %get3A_324 = vector.shape_cast %get3A_323 : vector<16xf32> to vector<16xf32>
        %add3A_325 = arith.addi %mul3A_178, %mul3A_253 : i32
        %add3A_326 = arith.constant 192 : i32
        %add3A_327 = arith.addi %add3A_325, %add3A_326 : i32
        %get3A_328 = arith.index_cast %add3A_327 : i32 to index
        %get3A_329 = tpu.vector_load %arg6[%get3A_328] {strides = array<i32>} : memref<65536xf32, #tpu.memory_space<vmem>>, vector<16xf32>,
        %get3A_330 = vector.shape_cast %get3A_329 : vector<16xf32> to vector<16xf32>
        %add3A_331 = arith.addi %mul3A_178, %mul3A_253 : i32
        %add3A_332 = arith.constant 208 : i32
        %add3A_333 = arith.addi %add3A_331, %add3A_332 : i32
        %get3A_334 = arith.index_cast %add3A_333 : i32 to index
        %get3A_335 = tpu.vector_load %arg6[%get3A_334] {strides = array<i32>} : memref<65536xf32, #tpu.memory_space<vmem>>, vector<16xf32>,
        %get3A_336 = vector.shape_cast %get3A_335 : vector<16xf32> to vector<16xf32>
        %add3A_337 = arith.addi %mul3A_178, %mul3A_253 : i32
        %add3A_338 = arith.constant 224 : i32
        %add3A_339 = arith.addi %add3A_337, %add3A_338 : i32
        %get3A_340 = arith.index_cast %add3A_339 : i32 to index
        %get3A_341 = tpu.vector_load %arg6[%get3A_340] {strides = array<i32>} : memref<65536xf32, #tpu.memory_space<vmem>>, vector<16xf32>,
        %get3A_342 = vector.shape_cast %get3A_341 : vector<16xf32> to vector<16xf32>
        %add3A_343 = arith.addi %mul3A_178, %mul3A_253 : i32
        %add3A_344 = arith.constant 240 : i32
        %add3A_345 = arith.addi %add3A_343, %add3A_344 : i32
        %get3A_346 = arith.index_cast %add3A_345 : i32 to index
        %get3A_347 = tpu.vector_load %arg6[%get3A_346] {strides = array<i32>} : memref<65536xf32, #tpu.memory_space<vmem>>, vector<16xf32>,
        %get3A_348 = vector.shape_cast %get3A_347 : vector<16xf32> to vector<16xf32>
        %min3A_349 = arith.minimumf %get3A_258, %get3A_306 : vector<16xf32>
        %min3A_350 = arith.minimumf %get3A_264, %get3A_312 : vector<16xf32>
        %min3A_351 = arith.minimumf %get3A_270, %get3A_318 : vector<16xf32>
        %min3A_352 = arith.minimumf %get3A_276, %get3A_324 : vector<16xf32>
        %min3A_353 = arith.minimumf %get3A_282, %get3A_330 : vector<16xf32>
        %min3A_354 = arith.minimumf %get3A_288, %get3A_336 : vector<16xf32>
        %min3A_355 = arith.minimumf %get3A_294, %get3A_342 : vector<16xf32>
        %min3A_356 = arith.minimumf %get3A_300, %get3A_348 : vector<16xf32>
        %min3A_357 = arith.minimumf %min3A_349, %min3A_353 : vector<16xf32>
        %min3A_358 = arith.minimumf %min3A_350, %min3A_354 : vector<16xf32>
        %min3A_359 = arith.minimumf %min3A_351, %min3A_355 : vector<16xf32>
        %min3A_360 = arith.minimumf %min3A_352, %min3A_356 : vector<16xf32>
        %min3A_361 = arith.minimumf %min3A_357, %min3A_359 : vector<16xf32>
        %min3A_362 = arith.minimumf %min3A_358, %min3A_360 : vector<16xf32>
        %min3A_363 = arith.minimumf %min3A_361, %min3A_362 : vector<16xf32>
        %mul3A_364 = arith.constant 16 : i32
        %mul3A_365 = arith.muli %add3A_251, %mul3A_364 : i32
        %swap3A = arith.index_cast %mul3A_365 : i32 to index
        %swap3A_366 = tpu.vector_load %arg7[%swap3A] {strides = array<i32>} : memref<2048xf32, #tpu.memory_space<vmem>>, vector<16xf32>,
        %swap3A_367 = vector.shape_cast %swap3A_366 : vector<16xf32> to vector<16xf32>
        %swap3A_368 = vector.shape_cast %min3A_363 : vector<16xf32> to vector<16xf32>
        tpu.vector_store %arg7[%swap3A], %swap3A_368 {strides = array<i32>} : memref<2048xf32, #tpu.memory_space<vmem>>, vector<16xf32>,
        %mul3A_369 = arith.constant 4 : i32
        %mul3A_370 = arith.muli %scan3A_246, %mul3A_369 : i32
        %add3A_371 = arith.constant 1 : i32
        %add3A_372 = arith.addi %mul3A_370, %add3A_371 : i32
        %mul3A_373 = arith.constant 256 : i32
        %mul3A_374 = arith.muli %add3A_372, %mul3A_373 : i32
        %add3A_375 = arith.addi %mul3A_178, %mul3A_374 : i32
        %add3A_376 = arith.constant 0 : i32
        %add3A_377 = arith.addi %add3A_375, %add3A_376 : i32
        %get3A_378 = arith.index_cast %add3A_377 : i32 to index
        %get3A_379 = tpu.vector_load %arg6[%get3A_378] {strides = array<i32>} : memref<65536xf32, #tpu.memory_space<vmem>>, vector<16xf32>,
        %get3A_380 = vector.shape_cast %get3A_379 : vector<16xf32> to vector<16xf32>
        %add3A_381 = arith.addi %mul3A_178, %mul3A_374 : i32
        %add3A_382 = arith.constant 16 : i32
        %add3A_383 = arith.addi %add3A_381, %add3A_382 : i32
        %get3A_384 = arith.index_cast %add3A_383 : i32 to index
        %get3A_385 = tpu.vector_load %arg6[%get3A_384] {strides = array<i32>} : memref<65536xf32, #tpu.memory_space<vmem>>, vector<16xf32>,
        %get3A_386 = vector.shape_cast %get3A_385 : vector<16xf32> to vector<16xf32>
        %add3A_387 = arith.addi %mul3A_178, %mul3A_374 : i32
        %add3A_388 = arith.constant 32 : i32
        %add3A_389 = arith.addi %add3A_387, %add3A_388 : i32
        %get3A_390 = arith.index_cast %add3A_389 : i32 to index
        %get3A_391 = tpu.vector_load %arg6[%get3A_390] {strides = array<i32>} : memref<65536xf32, #tpu.memory_space<vmem>>, vector<16xf32>,
        %get3A_392 = vector.shape_cast %get3A_391 : vector<16xf32> to vector<16xf32>
        %add3A_393 = arith.addi %mul3A_178, %mul3A_374 : i32
        %add3A_394 = arith.constant 48 : i32
        %add3A_395 = arith.addi %add3A_393, %add3A_394 : i32
        %get3A_396 = arith.index_cast %add3A_395 : i32 to index
        %get3A_397 = tpu.vector_load %arg6[%get3A_396] {strides = array<i32>} : memref<65536xf32, #tpu.memory_space<vmem>>, vector<16xf32>,
        %get3A_398 = vector.shape_cast %get3A_397 : vector<16xf32> to vector<16xf32>
        %add3A_399 = arith.addi %mul3A_178, %mul3A_374 : i32
        %add3A_400 = arith.constant 64 : i32
        %add3A_401 = arith.addi %add3A_399, %add3A_400 : i32
        %get3A_402 = arith.index_cast %add3A_401 : i32 to index
        %get3A_403 = tpu.vector_load %arg6[%get3A_402] {strides = array<i32>} : memref<65536xf32, #tpu.memory_space<vmem>>, vector<16xf32>,
        %get3A_404 = vector.shape_cast %get3A_403 : vector<16xf32> to vector<16xf32>
        %add3A_405 = arith.addi %mul3A_178, %mul3A_374 : i32
        %add3A_406 = arith.constant 80 : i32
        %add3A_407 = arith.addi %add3A_405, %add3A_406 : i32
        %get3A_408 = arith.index_cast %add3A_407 : i32 to index
        %get3A_409 = tpu.vector_load %arg6[%get3A_408] {strides = array<i32>} : memref<65536xf32, #tpu.memory_space<vmem>>, vector<16xf32>,
        %get3A_410 = vector.shape_cast %get3A_409 : vector<16xf32> to vector<16xf32>
        %add3A_411 = arith.addi %mul3A_178, %mul3A_374 : i32
        %add3A_412 = arith.constant 96 : i32
        %add3A_413 = arith.addi %add3A_411, %add3A_412 : i32
        %get3A_414 = arith.index_cast %add3A_413 : i32 to index
        %get3A_415 = tpu.vector_load %arg6[%get3A_414] {strides = array<i32>} : memref<65536xf32, #tpu.memory_space<vmem>>, vector<16xf32>,
        %get3A_416 = vector.shape_cast %get3A_415 : vector<16xf32> to vector<16xf32>
        %add3A_417 = arith.addi %mul3A_178, %mul3A_374 : i32
        %add3A_418 = arith.constant 112 : i32
        %add3A_419 = arith.addi %add3A_417, %add3A_418 : i32
        %get3A_420 = arith.index_cast %add3A_419 : i32 to index
        %get3A_421 = tpu.vector_load %arg6[%get3A_420] {strides = array<i32>} : memref<65536xf32, #tpu.memory_space<vmem>>, vector<16xf32>,
        %get3A_422 = vector.shape_cast %get3A_421 : vector<16xf32> to vector<16xf32>
        %add3A_423 = arith.addi %mul3A_178, %mul3A_374 : i32
        %add3A_424 = arith.constant 128 : i32
        %add3A_425 = arith.addi %add3A_423, %add3A_424 : i32
        %get3A_426 = arith.index_cast %add3A_425 : i32 to index
        %get3A_427 = tpu.vector_load %arg6[%get3A_426] {strides = array<i32>} : memref<65536xf32, #tpu.memory_space<vmem>>, vector<16xf32>,
        %get3A_428 = vector.shape_cast %get3A_427 : vector<16xf32> to vector<16xf32>
        %add3A_429 = arith.addi %mul3A_178, %mul3A_374 : i32
        %add3A_430 = arith.constant 144 : i32
        %add3A_431 = arith.addi %add3A_429, %add3A_430 : i32
        %get3A_432 = arith.index_cast %add3A_431 : i32 to index
        %get3A_433 = tpu.vector_load %arg6[%get3A_432] {strides = array<i32>} : memref<65536xf32, #tpu.memory_space<vmem>>, vector<16xf32>,
        %get3A_434 = vector.shape_cast %get3A_433 : vector<16xf32> to vector<16xf32>
        %add3A_435 = arith.addi %mul3A_178, %mul3A_374 : i32
        %add3A_436 = arith.constant 160 : i32
        %add3A_437 = arith.addi %add3A_435, %add3A_436 : i32
        %get3A_438 = arith.index_cast %add3A_437 : i32 to index
        %get3A_439 = tpu.vector_load %arg6[%get3A_438] {strides = array<i32>} : memref<65536xf32, #tpu.memory_space<vmem>>, vector<16xf32>,
        %get3A_440 = vector.shape_cast %get3A_439 : vector<16xf32> to vector<16xf32>
        %add3A_441 = arith.addi %mul3A_178, %mul3A_374 : i32
        %add3A_442 = arith.constant 176 : i32
        %add3A_443 = arith.addi %add3A_441, %add3A_442 : i32
        %get3A_444 = arith.index_cast %add3A_443 : i32 to index
        %get3A_445 = tpu.vector_load %arg6[%get3A_444] {strides = array<i32>} : memref<65536xf32, #tpu.memory_space<vmem>>, vector<16xf32>,
        %get3A_446 = vector.shape_cast %get3A_445 : vector<16xf32> to vector<16xf32>
        %add3A_447 = arith.addi %mul3A_178, %mul3A_374 : i32
        %add3A_448 = arith.constant 192 : i32
        %add3A_449 = arith.addi %add3A_447, %add3A_448 : i32
        %get3A_450 = arith.index_cast %add3A_449 : i32 to index
        %get3A_451 = tpu.vector_load %arg6[%get3A_450] {strides = array<i32>} : memref<65536xf32, #tpu.memory_space<vmem>>, vector<16xf32>,
        %get3A_452 = vector.shape_cast %get3A_451 : vector<16xf32> to vector<16xf32>
        %add3A_453 = arith.addi %mul3A_178, %mul3A_374 : i32
        %add3A_454 = arith.constant 208 : i32
        %add3A_455 = arith.addi %add3A_453, %add3A_454 : i32
        %get3A_456 = arith.index_cast %add3A_455 : i32 to index
        %get3A_457 = tpu.vector_load %arg6[%get3A_456] {strides = array<i32>} : memref<65536xf32, #tpu.memory_space<vmem>>, vector<16xf32>,
        %get3A_458 = vector.shape_cast %get3A_457 : vector<16xf32> to vector<16xf32>
        %add3A_459 = arith.addi %mul3A_178, %mul3A_374 : i32
        %add3A_460 = arith.constant 224 : i32
        %add3A_461 = arith.addi %add3A_459, %add3A_460 : i32
        %get3A_462 = arith.index_cast %add3A_461 : i32 to index
        %get3A_463 = tpu.vector_load %arg6[%get3A_462] {strides = array<i32>} : memref<65536xf32, #tpu.memory_space<vmem>>, vector<16xf32>,
        %get3A_464 = vector.shape_cast %get3A_463 : vector<16xf32> to vector<16xf32>
        %add3A_465 = arith.addi %mul3A_178, %mul3A_374 : i32
        %add3A_466 = arith.constant 240 : i32
        %add3A_467 = arith.addi %add3A_465, %add3A_466 : i32
        %get3A_468 = arith.index_cast %add3A_467 : i32 to index
        %get3A_469 = tpu.vector_load %arg6[%get3A_468] {strides = array<i32>} : memref<65536xf32, #tpu.memory_space<vmem>>, vector<16xf32>,
        %get3A_470 = vector.shape_cast %get3A_469 : vector<16xf32> to vector<16xf32>
        %min3A_471 = arith.minimumf %get3A_380, %get3A_428 : vector<16xf32>
        %min3A_472 = arith.minimumf %get3A_386, %get3A_434 : vector<16xf32>
        %min3A_473 = arith.minimumf %get3A_392, %get3A_440 : vector<16xf32>
        %min3A_474 = arith.minimumf %get3A_398, %get3A_446 : vector<16xf32>
        %min3A_475 = arith.minimumf %get3A_404, %get3A_452 : vector<16xf32>
        %min3A_476 = arith.minimumf %get3A_410, %get3A_458 : vector<16xf32>
        %min3A_477 = arith.minimumf %get3A_416, %get3A_464 : vector<16xf32>
        %min3A_478 = arith.minimumf %get3A_422, %get3A_470 : vector<16xf32>
        %min3A_479 = arith.minimumf %min3A_471, %min3A_475 : vector<16xf32>
        %min3A_480 = arith.minimumf %min3A_472, %min3A_476 : vector<16xf32>
        %min3A_481 = arith.minimumf %min3A_473, %min3A_477 : vector<16xf32>
        %min3A_482 = arith.minimumf %min3A_474, %min3A_478 : vector<16xf32>
        %min3A_483 = arith.minimumf %min3A_479, %min3A_481 : vector<16xf32>
        %min3A_484 = arith.minimumf %min3A_480, %min3A_482 : vector<16xf32>
        %min3A_485 = arith.minimumf %min3A_483, %min3A_484 : vector<16xf32>
        %mul3A_486 = arith.constant 16 : i32
        %mul3A_487 = arith.muli %add3A_372, %mul3A_486 : i32
        %swap3A_488 = arith.index_cast %mul3A_487 : i32 to index
        %swap3A_489 = tpu.vector_load %arg7[%swap3A_488] {strides = array<i32>} : memref<2048xf32, #tpu.memory_space<vmem>>, vector<16xf32>,
        %swap3A_490 = vector.shape_cast %swap3A_489 : vector<16xf32> to vector<16xf32>
        %swap3A_491 = vector.shape_cast %min3A_485 : vector<16xf32> to vector<16xf32>
        tpu.vector_store %arg7[%swap3A_488], %swap3A_491 {strides = array<i32>} : memref<2048xf32, #tpu.memory_space<vmem>>, vector<16xf32>,
        %mul3A_492 = arith.constant 4 : i32
        %mul3A_493 = arith.muli %scan3A_246, %mul3A_492 : i32
        %add3A_494 = arith.constant 2 : i32
        %add3A_495 = arith.addi %mul3A_493, %add3A_494 : i32
        %mul3A_496 = arith.constant 256 : i32
        %mul3A_497 = arith.muli %add3A_495, %mul3A_496 : i32
        %add3A_498 = arith.addi %mul3A_178, %mul3A_497 : i32
        %add3A_499 = arith.constant 0 : i32
        %add3A_500 = arith.addi %add3A_498, %add3A_499 : i32
        %get3A_501 = arith.index_cast %add3A_500 : i32 to index
        %get3A_502 = tpu.vector_load %arg6[%get3A_501] {strides = array<i32>} : memref<65536xf32, #tpu.memory_space<vmem>>, vector<16xf32>,
        %get3A_503 = vector.shape_cast %get3A_502 : vector<16xf32> to vector<16xf32>
        %add3A_504 = arith.addi %mul3A_178, %mul3A_497 : i32
        %add3A_505 = arith.constant 16 : i32
        %add3A_506 = arith.addi %add3A_504, %add3A_505 : i32
        %get3A_507 = arith.index_cast %add3A_506 : i32 to index
        %get3A_508 = tpu.vector_load %arg6[%get3A_507] {strides = array<i32>} : memref<65536xf32, #tpu.memory_space<vmem>>, vector<16xf32>,
        %get3A_509 = vector.shape_cast %get3A_508 : vector<16xf32> to vector<16xf32>
        %add3A_510 = arith.addi %mul3A_178, %mul3A_497 : i32
        %add3A_511 = arith.constant 32 : i32
        %add3A_512 = arith.addi %add3A_510, %add3A_511 : i32
        %get3A_513 = arith.index_cast %add3A_512 : i32 to index
        %get3A_514 = tpu.vector_load %arg6[%get3A_513] {strides = array<i32>} : memref<65536xf32, #tpu.memory_space<vmem>>, vector<16xf32>,
        %get3A_515 = vector.shape_cast %get3A_514 : vector<16xf32> to vector<16xf32>
        %add3A_516 = arith.addi %mul3A_178, %mul3A_497 : i32
        %add3A_517 = arith.constant 48 : i32
        %add3A_518 = arith.addi %add3A_516, %add3A_517 : i32
        %get3A_519 = arith.index_cast %add3A_518 : i32 to index
        %get3A_520 = tpu.vector_load %arg6[%get3A_519] {strides = array<i32>} : memref<65536xf32, #tpu.memory_space<vmem>>, vector<16xf32>,
        %get3A_521 = vector.shape_cast %get3A_520 : vector<16xf32> to vector<16xf32>
        %add3A_522 = arith.addi %mul3A_178, %mul3A_497 : i32
        %add3A_523 = arith.constant 64 : i32
        %add3A_524 = arith.addi %add3A_522, %add3A_523 : i32
        %get3A_525 = arith.index_cast %add3A_524 : i32 to index
        %get3A_526 = tpu.vector_load %arg6[%get3A_525] {strides = array<i32>} : memref<65536xf32, #tpu.memory_space<vmem>>, vector<16xf32>,
        %get3A_527 = vector.shape_cast %get3A_526 : vector<16xf32> to vector<16xf32>
        %add3A_528 = arith.addi %mul3A_178, %mul3A_497 : i32
        %add3A_529 = arith.constant 80 : i32
        %add3A_530 = arith.addi %add3A_528, %add3A_529 : i32
        %get3A_531 = arith.index_cast %add3A_530 : i32 to index
        %get3A_532 = tpu.vector_load %arg6[%get3A_531] {strides = array<i32>} : memref<65536xf32, #tpu.memory_space<vmem>>, vector<16xf32>,
        %get3A_533 = vector.shape_cast %get3A_532 : vector<16xf32> to vector<16xf32>
        %add3A_534 = arith.addi %mul3A_178, %mul3A_497 : i32
        %add3A_535 = arith.constant 96 : i32
        %add3A_536 = arith.addi %add3A_534, %add3A_535 : i32
        %get3A_537 = arith.index_cast %add3A_536 : i32 to index
        %get3A_538 = tpu.vector_load %arg6[%get3A_537] {strides = array<i32>} : memref<65536xf32, #tpu.memory_space<vmem>>, vector<16xf32>,
        %get3A_539 = vector.shape_cast %get3A_538 : vector<16xf32> to vector<16xf32>
        %add3A_540 = arith.addi %mul3A_178, %mul3A_497 : i32
        %add3A_541 = arith.constant 112 : i32
        %add3A_542 = arith.addi %add3A_540, %add3A_541 : i32
        %get3A_543 = arith.index_cast %add3A_542 : i32 to index
        %get3A_544 = tpu.vector_load %arg6[%get3A_543] {strides = array<i32>} : memref<65536xf32, #tpu.memory_space<vmem>>, vector<16xf32>,
        %get3A_545 = vector.shape_cast %get3A_544 : vector<16xf32> to vector<16xf32>
        %add3A_546 = arith.addi %mul3A_178, %mul3A_497 : i32
        %add3A_547 = arith.constant 128 : i32
        %add3A_548 = arith.addi %add3A_546, %add3A_547 : i32
        %get3A_549 = arith.index_cast %add3A_548 : i32 to index
        %get3A_550 = tpu.vector_load %arg6[%get3A_549] {strides = array<i32>} : memref<65536xf32, #tpu.memory_space<vmem>>, vector<16xf32>,
        %get3A_551 = vector.shape_cast %get3A_550 : vector<16xf32> to vector<16xf32>
        %add3A_552 = arith.addi %mul3A_178, %mul3A_497 : i32
        %add3A_553 = arith.constant 144 : i32
        %add3A_554 = arith.addi %add3A_552, %add3A_553 : i32
        %get3A_555 = arith.index_cast %add3A_554 : i32 to index
        %get3A_556 = tpu.vector_load %arg6[%get3A_555] {strides = array<i32>} : memref<65536xf32, #tpu.memory_space<vmem>>, vector<16xf32>,
        %get3A_557 = vector.shape_cast %get3A_556 : vector<16xf32> to vector<16xf32>
        %add3A_558 = arith.addi %mul3A_178, %mul3A_497 : i32
        %add3A_559 = arith.constant 160 : i32
        %add3A_560 = arith.addi %add3A_558, %add3A_559 : i32
        %get3A_561 = arith.index_cast %add3A_560 : i32 to index
        %get3A_562 = tpu.vector_load %arg6[%get3A_561] {strides = array<i32>} : memref<65536xf32, #tpu.memory_space<vmem>>, vector<16xf32>,
        %get3A_563 = vector.shape_cast %get3A_562 : vector<16xf32> to vector<16xf32>
        %add3A_564 = arith.addi %mul3A_178, %mul3A_497 : i32
        %add3A_565 = arith.constant 176 : i32
        %add3A_566 = arith.addi %add3A_564, %add3A_565 : i32
        %get3A_567 = arith.index_cast %add3A_566 : i32 to index
        %get3A_568 = tpu.vector_load %arg6[%get3A_567] {strides = array<i32>} : memref<65536xf32, #tpu.memory_space<vmem>>, vector<16xf32>,
        %get3A_569 = vector.shape_cast %get3A_568 : vector<16xf32> to vector<16xf32>
        %add3A_570 = arith.addi %mul3A_178, %mul3A_497 : i32
        %add3A_571 = arith.constant 192 : i32
        %add3A_572 = arith.addi %add3A_570, %add3A_571 : i32
        %get3A_573 = arith.index_cast %add3A_572 : i32 to index
        %get3A_574 = tpu.vector_load %arg6[%get3A_573] {strides = array<i32>} : memref<65536xf32, #tpu.memory_space<vmem>>, vector<16xf32>,
        %get3A_575 = vector.shape_cast %get3A_574 : vector<16xf32> to vector<16xf32>
        %add3A_576 = arith.addi %mul3A_178, %mul3A_497 : i32
        %add3A_577 = arith.constant 208 : i32
        %add3A_578 = arith.addi %add3A_576, %add3A_577 : i32
        %get3A_579 = arith.index_cast %add3A_578 : i32 to index
        %get3A_580 = tpu.vector_load %arg6[%get3A_579] {strides = array<i32>} : memref<65536xf32, #tpu.memory_space<vmem>>, vector<16xf32>,
        %get3A_581 = vector.shape_cast %get3A_580 : vector<16xf32> to vector<16xf32>
        %add3A_582 = arith.addi %mul3A_178, %mul3A_497 : i32
        %add3A_583 = arith.constant 224 : i32
        %add3A_584 = arith.addi %add3A_582, %add3A_583 : i32
        %get3A_585 = arith.index_cast %add3A_584 : i32 to index
        %get3A_586 = tpu.vector_load %arg6[%get3A_585] {strides = array<i32>} : memref<65536xf32, #tpu.memory_space<vmem>>, vector<16xf32>,
        %get3A_587 = vector.shape_cast %get3A_586 : vector<16xf32> to vector<16xf32>
        %add3A_588 = arith.addi %mul3A_178, %mul3A_497 : i32
        %add3A_589 = arith.constant 240 : i32
        %add3A_590 = arith.addi %add3A_588, %add3A_589 : i32
        %get3A_591 = arith.index_cast %add3A_590 : i32 to index
        %get3A_592 = tpu.vector_load %arg6[%get3A_591] {strides = array<i32>} : memref<65536xf32, #tpu.memory_space<vmem>>, vector<16xf32>,
        %get3A_593 = vector.shape_cast %get3A_592 : vector<16xf32> to vector<16xf32>
        %min3A_594 = arith.minimumf %get3A_503, %get3A_551 : vector<16xf32>
        %min3A_595 = arith.minimumf %get3A_509, %get3A_557 : vector<16xf32>
        %min3A_596 = arith.minimumf %get3A_515, %get3A_563 : vector<16xf32>
        %min3A_597 = arith.minimumf %get3A_521, %get3A_569 : vector<16xf32>
        %min3A_598 = arith.minimumf %get3A_527, %get3A_575 : vector<16xf32>
        %min3A_599 = arith.minimumf %get3A_533, %get3A_581 : vector<16xf32>
        %min3A_600 = arith.minimumf %get3A_539, %get3A_587 : vector<16xf32>
        %min3A_601 = arith.minimumf %get3A_545, %get3A_593 : vector<16xf32>
        %min3A_602 = arith.minimumf %min3A_594, %min3A_598 : vector<16xf32>
        %min3A_603 = arith.minimumf %min3A_595, %min3A_599 : vector<16xf32>
        %min3A_604 = arith.minimumf %min3A_596, %min3A_600 : vector<16xf32>
        %min3A_605 = arith.minimumf %min3A_597, %min3A_601 : vector<16xf32>
        %min3A_606 = arith.minimumf %min3A_602, %min3A_604 : vector<16xf32>
        %min3A_607 = arith.minimumf %min3A_603, %min3A_605 : vector<16xf32>
        %min3A_608 = arith.minimumf %min3A_606, %min3A_607 : vector<16xf32>
        %mul3A_609 = arith.constant 16 : i32
        %mul3A_610 = arith.muli %add3A_495, %mul3A_609 : i32
        %swap3A_611 = arith.index_cast %mul3A_610 : i32 to index
        %swap3A_612 = tpu.vector_load %arg7[%swap3A_611] {strides = array<i32>} : memref<2048xf32, #tpu.memory_space<vmem>>, vector<16xf32>,
        %swap3A_613 = vector.shape_cast %swap3A_612 : vector<16xf32> to vector<16xf32>
        %swap3A_614 = vector.shape_cast %min3A_608 : vector<16xf32> to vector<16xf32>
        tpu.vector_store %arg7[%swap3A_611], %swap3A_614 {strides = array<i32>} : memref<2048xf32, #tpu.memory_space<vmem>>, vector<16xf32>,
        %mul3A_615 = arith.constant 4 : i32
        %mul3A_616 = arith.muli %scan3A_246, %mul3A_615 : i32
        %add3A_617 = arith.constant 3 : i32
        %add3A_618 = arith.addi %mul3A_616, %add3A_617 : i32
        %mul3A_619 = arith.constant 256 : i32
        %mul3A_620 = arith.muli %add3A_618, %mul3A_619 : i32
        %add3A_621 = arith.addi %mul3A_178, %mul3A_620 : i32
        %add3A_622 = arith.constant 0 : i32
        %add3A_623 = arith.addi %add3A_621, %add3A_622 : i32
        %get3A_624 = arith.index_cast %add3A_623 : i32 to index
        %get3A_625 = tpu.vector_load %arg6[%get3A_624] {strides = array<i32>} : memref<65536xf32, #tpu.memory_space<vmem>>, vector<16xf32>,
        %get3A_626 = vector.shape_cast %get3A_625 : vector<16xf32> to vector<16xf32>
        %add3A_627 = arith.addi %mul3A_178, %mul3A_620 : i32
        %add3A_628 = arith.constant 16 : i32
        %add3A_629 = arith.addi %add3A_627, %add3A_628 : i32
        %get3A_630 = arith.index_cast %add3A_629 : i32 to index
        %get3A_631 = tpu.vector_load %arg6[%get3A_630] {strides = array<i32>} : memref<65536xf32, #tpu.memory_space<vmem>>, vector<16xf32>,
        %get3A_632 = vector.shape_cast %get3A_631 : vector<16xf32> to vector<16xf32>
        %add3A_633 = arith.addi %mul3A_178, %mul3A_620 : i32
        %add3A_634 = arith.constant 32 : i32
        %add3A_635 = arith.addi %add3A_633, %add3A_634 : i32
        %get3A_636 = arith.index_cast %add3A_635 : i32 to index
        %get3A_637 = tpu.vector_load %arg6[%get3A_636] {strides = array<i32>} : memref<65536xf32, #tpu.memory_space<vmem>>, vector<16xf32>,
        %get3A_638 = vector.shape_cast %get3A_637 : vector<16xf32> to vector<16xf32>
        %add3A_639 = arith.addi %mul3A_178, %mul3A_620 : i32
        %add3A_640 = arith.constant 48 : i32
        %add3A_641 = arith.addi %add3A_639, %add3A_640 : i32
        %get3A_642 = arith.index_cast %add3A_641 : i32 to index
        %get3A_643 = tpu.vector_load %arg6[%get3A_642] {strides = array<i32>} : memref<65536xf32, #tpu.memory_space<vmem>>, vector<16xf32>,
        %get3A_644 = vector.shape_cast %get3A_643 : vector<16xf32> to vector<16xf32>
        %add3A_645 = arith.addi %mul3A_178, %mul3A_620 : i32
        %add3A_646 = arith.constant 64 : i32
        %add3A_647 = arith.addi %add3A_645, %add3A_646 : i32
        %get3A_648 = arith.index_cast %add3A_647 : i32 to index
        %get3A_649 = tpu.vector_load %arg6[%get3A_648] {strides = array<i32>} : memref<65536xf32, #tpu.memory_space<vmem>>, vector<16xf32>,
        %get3A_650 = vector.shape_cast %get3A_649 : vector<16xf32> to vector<16xf32>
        %add3A_651 = arith.addi %mul3A_178, %mul3A_620 : i32
        %add3A_652 = arith.constant 80 : i32
        %add3A_653 = arith.addi %add3A_651, %add3A_652 : i32
        %get3A_654 = arith.index_cast %add3A_653 : i32 to index
        %get3A_655 = tpu.vector_load %arg6[%get3A_654] {strides = array<i32>} : memref<65536xf32, #tpu.memory_space<vmem>>, vector<16xf32>,
        %get3A_656 = vector.shape_cast %get3A_655 : vector<16xf32> to vector<16xf32>
        %add3A_657 = arith.addi %mul3A_178, %mul3A_620 : i32
        %add3A_658 = arith.constant 96 : i32
        %add3A_659 = arith.addi %add3A_657, %add3A_658 : i32
        %get3A_660 = arith.index_cast %add3A_659 : i32 to index
        %get3A_661 = tpu.vector_load %arg6[%get3A_660] {strides = array<i32>} : memref<65536xf32, #tpu.memory_space<vmem>>, vector<16xf32>,
        %get3A_662 = vector.shape_cast %get3A_661 : vector<16xf32> to vector<16xf32>
        %add3A_663 = arith.addi %mul3A_178, %mul3A_620 : i32
        %add3A_664 = arith.constant 112 : i32
        %add3A_665 = arith.addi %add3A_663, %add3A_664 : i32
        %get3A_666 = arith.index_cast %add3A_665 : i32 to index
        %get3A_667 = tpu.vector_load %arg6[%get3A_666] {strides = array<i32>} : memref<65536xf32, #tpu.memory_space<vmem>>, vector<16xf32>,
        %get3A_668 = vector.shape_cast %get3A_667 : vector<16xf32> to vector<16xf32>
        %add3A_669 = arith.addi %mul3A_178, %mul3A_620 : i32
        %add3A_670 = arith.constant 128 : i32
        %add3A_671 = arith.addi %add3A_669, %add3A_670 : i32
        %get3A_672 = arith.index_cast %add3A_671 : i32 to index
        %get3A_673 = tpu.vector_load %arg6[%get3A_672] {strides = array<i32>} : memref<65536xf32, #tpu.memory_space<vmem>>, vector<16xf32>,
        %get3A_674 = vector.shape_cast %get3A_673 : vector<16xf32> to vector<16xf32>
        %add3A_675 = arith.addi %mul3A_178, %mul3A_620 : i32
        %add3A_676 = arith.constant 144 : i32
        %add3A_677 = arith.addi %add3A_675, %add3A_676 : i32
        %get3A_678 = arith.index_cast %add3A_677 : i32 to index
        %get3A_679 = tpu.vector_load %arg6[%get3A_678] {strides = array<i32>} : memref<65536xf32, #tpu.memory_space<vmem>>, vector<16xf32>,
        %get3A_680 = vector.shape_cast %get3A_679 : vector<16xf32> to vector<16xf32>
        %add3A_681 = arith.addi %mul3A_178, %mul3A_620 : i32
        %add3A_682 = arith.constant 160 : i32
        %add3A_683 = arith.addi %add3A_681, %add3A_682 : i32
        %get3A_684 = arith.index_cast %add3A_683 : i32 to index
        %get3A_685 = tpu.vector_load %arg6[%get3A_684] {strides = array<i32>} : memref<65536xf32, #tpu.memory_space<vmem>>, vector<16xf32>,
        %get3A_686 = vector.shape_cast %get3A_685 : vector<16xf32> to vector<16xf32>
        %add3A_687 = arith.addi %mul3A_178, %mul3A_620 : i32
        %add3A_688 = arith.constant 176 : i32
        %add3A_689 = arith.addi %add3A_687, %add3A_688 : i32
        %get3A_690 = arith.index_cast %add3A_689 : i32 to index
        %get3A_691 = tpu.vector_load %arg6[%get3A_690] {strides = array<i32>} : memref<65536xf32, #tpu.memory_space<vmem>>, vector<16xf32>,
        %get3A_692 = vector.shape_cast %get3A_691 : vector<16xf32> to vector<16xf32>
        %add3A_693 = arith.addi %mul3A_178, %mul3A_620 : i32
        %add3A_694 = arith.constant 192 : i32
        %add3A_695 = arith.addi %add3A_693, %add3A_694 : i32
        %get3A_696 = arith.index_cast %add3A_695 : i32 to index
        %get3A_697 = tpu.vector_load %arg6[%get3A_696] {strides = array<i32>} : memref<65536xf32, #tpu.memory_space<vmem>>, vector<16xf32>,
        %get3A_698 = vector.shape_cast %get3A_697 : vector<16xf32> to vector<16xf32>
        %add3A_699 = arith.addi %mul3A_178, %mul3A_620 : i32
        %add3A_700 = arith.constant 208 : i32
        %add3A_701 = arith.addi %add3A_699, %add3A_700 : i32
        %get3A_702 = arith.index_cast %add3A_701 : i32 to index
        %get3A_703 = tpu.vector_load %arg6[%get3A_702] {strides = array<i32>} : memref<65536xf32, #tpu.memory_space<vmem>>, vector<16xf32>,
        %get3A_704 = vector.shape_cast %get3A_703 : vector<16xf32> to vector<16xf32>
        %add3A_705 = arith.addi %mul3A_178, %mul3A_620 : i32
        %add3A_706 = arith.constant 224 : i32
        %add3A_707 = arith.addi %add3A_705, %add3A_706 : i32
        %get3A_708 = arith.index_cast %add3A_707 : i32 to index
        %get3A_709 = tpu.vector_load %arg6[%get3A_708] {strides = array<i32>} : memref<65536xf32, #tpu.memory_space<vmem>>, vector<16xf32>,
        %get3A_710 = vector.shape_cast %get3A_709 : vector<16xf32> to vector<16xf32>
        %add3A_711 = arith.addi %mul3A_178, %mul3A_620 : i32
        %add3A_712 = arith.constant 240 : i32
        %add3A_713 = arith.addi %add3A_711, %add3A_712 : i32
        %get3A_714 = arith.index_cast %add3A_713 : i32 to index
        %get3A_715 = tpu.vector_load %arg6[%get3A_714] {strides = array<i32>} : memref<65536xf32, #tpu.memory_space<vmem>>, vector<16xf32>,
        %get3A_716 = vector.shape_cast %get3A_715 : vector<16xf32> to vector<16xf32>
        %min3A_717 = arith.minimumf %get3A_626, %get3A_674 : vector<16xf32>
        %min3A_718 = arith.minimumf %get3A_632, %get3A_680 : vector<16xf32>
        %min3A_719 = arith.minimumf %get3A_638, %get3A_686 : vector<16xf32>
        %min3A_720 = arith.minimumf %get3A_644, %get3A_692 : vector<16xf32>
        %min3A_721 = arith.minimumf %get3A_650, %get3A_698 : vector<16xf32>
        %min3A_722 = arith.minimumf %get3A_656, %get3A_704 : vector<16xf32>
        %min3A_723 = arith.minimumf %get3A_662, %get3A_710 : vector<16xf32>
        %min3A_724 = arith.minimumf %get3A_668, %get3A_716 : vector<16xf32>
        %min3A_725 = arith.minimumf %min3A_717, %min3A_721 : vector<16xf32>
        %min3A_726 = arith.minimumf %min3A_718, %min3A_722 : vector<16xf32>
        %min3A_727 = arith.minimumf %min3A_719, %min3A_723 : vector<16xf32>
        %min3A_728 = arith.minimumf %min3A_720, %min3A_724 : vector<16xf32>
        %min3A_729 = arith.minimumf %min3A_725, %min3A_727 : vector<16xf32>
        %min3A_730 = arith.minimumf %min3A_726, %min3A_728 : vector<16xf32>
        %min3A_731 = arith.minimumf %min3A_729, %min3A_730 : vector<16xf32>
        %mul3A_732 = arith.constant 16 : i32
        %mul3A_733 = arith.muli %add3A_618, %mul3A_732 : i32
        %swap3A_734 = arith.index_cast %mul3A_733 : i32 to index
        %swap3A_735 = tpu.vector_load %arg7[%swap3A_734] {strides = array<i32>} : memref<2048xf32, #tpu.memory_space<vmem>>, vector<16xf32>,
        %swap3A_736 = vector.shape_cast %swap3A_735 : vector<16xf32> to vector<16xf32>
        %swap3A_737 = vector.shape_cast %min3A_731 : vector<16xf32> to vector<16xf32>
        tpu.vector_store %arg7[%swap3A_734], %swap3A_737 {strides = array<i32>} : memref<2048xf32, #tpu.memory_space<vmem>>, vector<16xf32>,
        %scan3A_738 = arith.constant 0 : i32
        scf.yield %scan3A_738 : i32
      }
      %scan3A_228 = arith.constant 32 : i32
      %scan3A_229 = arith.constant 0 : i32
      %scan3A_230 = arith.constant 0 : i32
      %scan3A_231 = arith.constant 8 : i32
      %scan3A_232 = arith.addi %scan3A_230, %scan3A_231 : i32
      %scan3A_233 = arith.constant 1 : i32
      %scan3A_234 = scf.for %scan3A_246 = %scan3A_230 to %scan3A_232 step %scan3A_233 iter_args(%scan3A_247 = %scan3A_229) -> (i32)  : i32 {
        %mul3A_248 = arith.constant 256 : i32
        %mul3A_249 = arith.muli %scan3A_246, %mul3A_248 : i32
        %add3A_250 = arith.constant 0 : i32
        %add3A_251 = arith.addi %mul3A_249, %add3A_250 : i32
        %get3A = arith.index_cast %add3A_251 : i32 to index
        %get3A_252 = tpu.vector_load %arg7[%get3A] {strides = array<i32>} : memref<2048xf32, #tpu.memory_space<vmem>>, vector<16xf32>,
        %get3A_253 = vector.shape_cast %get3A_252 : vector<16xf32> to vector<16xf32>
        %add3A_254 = arith.constant 16 : i32
        %add3A_255 = arith.addi %mul3A_249, %add3A_254 : i32
        %get3A_256 = arith.index_cast %add3A_255 : i32 to index
        %get3A_257 = tpu.vector_load %arg7[%get3A_256] {strides = array<i32>} : memref<2048xf32, #tpu.memory_space<vmem>>, vector<16xf32>,
        %get3A_258 = vector.shape_cast %get3A_257 : vector<16xf32> to vector<16xf32>
        %add3A_259 = arith.constant 32 : i32
        %add3A_260 = arith.addi %mul3A_249, %add3A_259 : i32
        %get3A_261 = arith.index_cast %add3A_260 : i32 to index
        %get3A_262 = tpu.vector_load %arg7[%get3A_261] {strides = array<i32>} : memref<2048xf32, #tpu.memory_space<vmem>>, vector<16xf32>,
        %get3A_263 = vector.shape_cast %get3A_262 : vector<16xf32> to vector<16xf32>
        %add3A_264 = arith.constant 48 : i32
        %add3A_265 = arith.addi %mul3A_249, %add3A_264 : i32
        %get3A_266 = arith.index_cast %add3A_265 : i32 to index
        %get3A_267 = tpu.vector_load %arg7[%get3A_266] {strides = array<i32>} : memref<2048xf32, #tpu.memory_space<vmem>>, vector<16xf32>,
        %get3A_268 = vector.shape_cast %get3A_267 : vector<16xf32> to vector<16xf32>
        %add3A_269 = arith.constant 64 : i32
        %add3A_270 = arith.addi %mul3A_249, %add3A_269 : i32
        %get3A_271 = arith.index_cast %add3A_270 : i32 to index
        %get3A_272 = tpu.vector_load %arg7[%get3A_271] {strides = array<i32>} : memref<2048xf32, #tpu.memory_space<vmem>>, vector<16xf32>,
        %get3A_273 = vector.shape_cast %get3A_272 : vector<16xf32> to vector<16xf32>
        %add3A_274 = arith.constant 80 : i32
        %add3A_275 = arith.addi %mul3A_249, %add3A_274 : i32
        %get3A_276 = arith.index_cast %add3A_275 : i32 to index
        %get3A_277 = tpu.vector_load %arg7[%get3A_276] {strides = array<i32>} : memref<2048xf32, #tpu.memory_space<vmem>>, vector<16xf32>,
        %get3A_278 = vector.shape_cast %get3A_277 : vector<16xf32> to vector<16xf32>
        %add3A_279 = arith.constant 96 : i32
        %add3A_280 = arith.addi %mul3A_249, %add3A_279 : i32
        %get3A_281 = arith.index_cast %add3A_280 : i32 to index
        %get3A_282 = tpu.vector_load %arg7[%get3A_281] {strides = array<i32>} : memref<2048xf32, #tpu.memory_space<vmem>>, vector<16xf32>,
        %get3A_283 = vector.shape_cast %get3A_282 : vector<16xf32> to vector<16xf32>
        %add3A_284 = arith.constant 112 : i32
        %add3A_285 = arith.addi %mul3A_249, %add3A_284 : i32
        %get3A_286 = arith.index_cast %add3A_285 : i32 to index
        %get3A_287 = tpu.vector_load %arg7[%get3A_286] {strides = array<i32>} : memref<2048xf32, #tpu.memory_space<vmem>>, vector<16xf32>,
        %get3A_288 = vector.shape_cast %get3A_287 : vector<16xf32> to vector<16xf32>
        %add3A_289 = arith.constant 128 : i32
        %add3A_290 = arith.addi %mul3A_249, %add3A_289 : i32
        %get3A_291 = arith.index_cast %add3A_290 : i32 to index
        %get3A_292 = tpu.vector_load %arg7[%get3A_291] {strides = array<i32>} : memref<2048xf32, #tpu.memory_space<vmem>>, vector<16xf32>,
        %get3A_293 = vector.shape_cast %get3A_292 : vector<16xf32> to vector<16xf32>
        %add3A_294 = arith.constant 144 : i32
        %add3A_295 = arith.addi %mul3A_249, %add3A_294 : i32
        %get3A_296 = arith.index_cast %add3A_295 : i32 to index
        %get3A_297 = tpu.vector_load %arg7[%get3A_296] {strides = array<i32>} : memref<2048xf32, #tpu.memory_space<vmem>>, vector<16xf32>,
        %get3A_298 = vector.shape_cast %get3A_297 : vector<16xf32> to vector<16xf32>
        %add3A_299 = arith.constant 160 : i32
        %add3A_300 = arith.addi %mul3A_249, %add3A_299 : i32
        %get3A_301 = arith.index_cast %add3A_300 : i32 to index
        %get3A_302 = tpu.vector_load %arg7[%get3A_301] {strides = array<i32>} : memref<2048xf32, #tpu.memory_space<vmem>>, vector<16xf32>,
        %get3A_303 = vector.shape_cast %get3A_302 : vector<16xf32> to vector<16xf32>
        %add3A_304 = arith.constant 176 : i32
        %add3A_305 = arith.addi %mul3A_249, %add3A_304 : i32
        %get3A_306 = arith.index_cast %add3A_305 : i32 to index
        %get3A_307 = tpu.vector_load %arg7[%get3A_306] {strides = array<i32>} : memref<2048xf32, #tpu.memory_space<vmem>>, vector<16xf32>,
        %get3A_308 = vector.shape_cast %get3A_307 : vector<16xf32> to vector<16xf32>
        %add3A_309 = arith.constant 192 : i32
        %add3A_310 = arith.addi %mul3A_249, %add3A_309 : i32
        %get3A_311 = arith.index_cast %add3A_310 : i32 to index
        %get3A_312 = tpu.vector_load %arg7[%get3A_311] {strides = array<i32>} : memref<2048xf32, #tpu.memory_space<vmem>>, vector<16xf32>,
        %get3A_313 = vector.shape_cast %get3A_312 : vector<16xf32> to vector<16xf32>
        %add3A_314 = arith.constant 208 : i32
        %add3A_315 = arith.addi %mul3A_249, %add3A_314 : i32
        %get3A_316 = arith.index_cast %add3A_315 : i32 to index
        %get3A_317 = tpu.vector_load %arg7[%get3A_316] {strides = array<i32>} : memref<2048xf32, #tpu.memory_space<vmem>>, vector<16xf32>,
        %get3A_318 = vector.shape_cast %get3A_317 : vector<16xf32> to vector<16xf32>
        %add3A_319 = arith.constant 224 : i32
        %add3A_320 = arith.addi %mul3A_249, %add3A_319 : i32
        %get3A_321 = arith.index_cast %add3A_320 : i32 to index
        %get3A_322 = tpu.vector_load %arg7[%get3A_321] {strides = array<i32>} : memref<2048xf32, #tpu.memory_space<vmem>>, vector<16xf32>,
        %get3A_323 = vector.shape_cast %get3A_322 : vector<16xf32> to vector<16xf32>
        %add3A_324 = arith.constant 240 : i32
        %add3A_325 = arith.addi %mul3A_249, %add3A_324 : i32
        %get3A_326 = arith.index_cast %add3A_325 : i32 to index
        %get3A_327 = tpu.vector_load %arg7[%get3A_326] {strides = array<i32>} : memref<2048xf32, #tpu.memory_space<vmem>>, vector<16xf32>,
        %get3A_328 = vector.shape_cast %get3A_327 : vector<16xf32> to vector<16xf32>
        %min3A_329 = arith.minimumf %get3A_253, %get3A_293 : vector<16xf32>
        %min3A_330 = arith.minimumf %get3A_258, %get3A_298 : vector<16xf32>
        %min3A_331 = arith.minimumf %get3A_263, %get3A_303 : vector<16xf32>
        %min3A_332 = arith.minimumf %get3A_268, %get3A_308 : vector<16xf32>
        %min3A_333 = arith.minimumf %get3A_273, %get3A_313 : vector<16xf32>
        %min3A_334 = arith.minimumf %get3A_278, %get3A_318 : vector<16xf32>
        %min3A_335 = arith.minimumf %get3A_283, %get3A_323 : vector<16xf32>
        %min3A_336 = arith.minimumf %get3A_288, %get3A_328 : vector<16xf32>
        %min3A_337 = arith.minimumf %min3A_329, %min3A_333 : vector<16xf32>
        %min3A_338 = arith.minimumf %min3A_330, %min3A_334 : vector<16xf32>
        %min3A_339 = arith.minimumf %min3A_331, %min3A_335 : vector<16xf32>
        %min3A_340 = arith.minimumf %min3A_332, %min3A_336 : vector<16xf32>
        %min3A_341 = arith.minimumf %min3A_337, %min3A_339 : vector<16xf32>
        %min3A_342 = arith.minimumf %min3A_338, %min3A_340 : vector<16xf32>
        %min3A_343 = arith.minimumf %min3A_341, %min3A_342 : vector<16xf32>
        %mul3A_344 = arith.constant 16 : i32
        %mul3A_345 = arith.muli %scan3A_246, %mul3A_344 : i32
        %swap3A = arith.index_cast %mul3A_345 : i32 to index
        %swap3A_346 = tpu.vector_load %arg8[%swap3A] {strides = array<i32>} : memref<128xf32, #tpu.memory_space<vmem>>, vector<16xf32>,
        %swap3A_347 = vector.shape_cast %swap3A_346 : vector<16xf32> to vector<16xf32>
        %swap3A_348 = vector.shape_cast %min3A_343 : vector<16xf32> to vector<16xf32>
        tpu.vector_store %arg8[%swap3A], %swap3A_348 {strides = array<i32>} : memref<128xf32, #tpu.memory_space<vmem>>, vector<16xf32>,
        %scan3A_349 = arith.constant 0 : i32
        scf.yield %scan3A_349 : i32
      }
      %scan3A_235 = arith.constant 8 : i32
      %mul3A_236 = arith.constant 32 : i32
      %mul3A_237 = arith.muli %scan3A_166, %mul3A_236 : i32
      %scan3A_238 = arith.constant 0 : i32
      %scan3A_239 = arith.constant 0 : i32
      %scan3A_240 = arith.constant 32 : i32
      %scan3A_241 = arith.addi %scan3A_239, %scan3A_240 : i32
      %scan3A_242 = arith.constant 1 : i32
      %scan3A_243 = scf.for %scan3A_246 = %scan3A_239 to %scan3A_241 step %scan3A_242 iter_args(%scan3A_247 = %scan3A_238) -> (i32)  : i32 {
        %get3A = arith.constant 0 : index
        %get3A_248 = tpu.vector_load %arg8[%get3A] {strides = array<i32>} : memref<128xf32, #tpu.memory_space<vmem>>, vector<16xf32>,
        %get3A_249 = vector.shape_cast %get3A_248 : vector<16xf32> to vector<16xf32>
        %get3A_250 = arith.constant 16 : index
        %get3A_251 = tpu.vector_load %arg8[%get3A_250] {strides = array<i32>} : memref<128xf32, #tpu.memory_space<vmem>>, vector<16xf32>,
        %get3A_252 = vector.shape_cast %get3A_251 : vector<16xf32> to vector<16xf32>
        %get3A_253 = arith.constant 32 : index
        %get3A_254 = tpu.vector_load %arg8[%get3A_253] {strides = array<i32>} : memref<128xf32, #tpu.memory_space<vmem>>, vector<16xf32>,
        %get3A_255 = vector.shape_cast %get3A_254 : vector<16xf32> to vector<16xf32>
        %get3A_256 = arith.constant 48 : index
        %get3A_257 = tpu.vector_load %arg8[%get3A_256] {strides = array<i32>} : memref<128xf32, #tpu.memory_space<vmem>>, vector<16xf32>,
        %get3A_258 = vector.shape_cast %get3A_257 : vector<16xf32> to vector<16xf32>
        %get3A_259 = arith.constant 64 : index
        %get3A_260 = tpu.vector_load %arg8[%get3A_259] {strides = array<i32>} : memref<128xf32, #tpu.memory_space<vmem>>, vector<16xf32>,
        %get3A_261 = vector.shape_cast %get3A_260 : vector<16xf32> to vector<16xf32>
        %get3A_262 = arith.constant 80 : index
        %get3A_263 = tpu.vector_load %arg8[%get3A_262] {strides = array<i32>} : memref<128xf32, #tpu.memory_space<vmem>>, vector<16xf32>,
        %get3A_264 = vector.shape_cast %get3A_263 : vector<16xf32> to vector<16xf32>
        %get3A_265 = arith.constant 96 : index
        %get3A_266 = tpu.vector_load %arg8[%get3A_265] {strides = array<i32>} : memref<128xf32, #tpu.memory_space<vmem>>, vector<16xf32>,
        %get3A_267 = vector.shape_cast %get3A_266 : vector<16xf32> to vector<16xf32>
        %get3A_268 = arith.constant 112 : index
        %get3A_269 = tpu.vector_load %arg8[%get3A_268] {strides = array<i32>} : memref<128xf32, #tpu.memory_space<vmem>>, vector<16xf32>,
        %get3A_270 = vector.shape_cast %get3A_269 : vector<16xf32> to vector<16xf32>
        %min3A_271 = arith.minimumf %get3A_249, %get3A_261 : vector<16xf32>
        %min3A_272 = arith.minimumf %get3A_252, %get3A_264 : vector<16xf32>
        %min3A_273 = arith.minimumf %get3A_255, %get3A_267 : vector<16xf32>
        %min3A_274 = arith.minimumf %get3A_258, %get3A_270 : vector<16xf32>
        %min3A_275 = arith.minimumf %min3A_271, %min3A_273 : vector<16xf32>
        %min3A_276 = arith.minimumf %min3A_272, %min3A_274 : vector<16xf32>
        %min3A_277 = arith.minimumf %min3A_275, %min3A_276 : vector<16xf32>
        %swap3A = arith.constant 0 : index
        %swap3A_278 = tpu.vector_load %arg12[%swap3A] {strides = array<i32>} : memref<32xf32, #tpu.memory_space<vmem>>, vector<16xf32>,
        %swap3A_279 = vector.shape_cast %swap3A_278 : vector<16xf32> to vector<16xf32>
        %swap3A_280 = vector.shape_cast %min3A_277 : vector<16xf32> to vector<16xf32>
        tpu.vector_store %arg12[%swap3A], %swap3A_280 {strides = array<i32>} : memref<32xf32, #tpu.memory_space<vmem>>, vector<16xf32>,
        %swap3A_281 = arith.constant 16 : index
        %swap3A_282 = tpu.vector_load %arg12[%swap3A_281] {strides = array<i32>} : memref<32xf32, #tpu.memory_space<vmem>>, vector<16xf32>,
        %swap3A_283 = vector.shape_cast %swap3A_282 : vector<16xf32> to vector<16xf32>
        %swap3A_284 = vector.shape_cast %min3A_277 : vector<16xf32> to vector<16xf32>
        tpu.vector_store %arg12[%swap3A_281], %swap3A_284 {strides = array<i32>} : memref<32xf32, #tpu.memory_space<vmem>>, vector<16xf32>,
        %get3A_285 = arith.constant 8 : index
        %get3A_286 = tpu.vector_load %arg12[%get3A_285] {strides = array<i32>} : memref<32xf32, #tpu.memory_space<vmem>>, vector<16xf32>,
        %get3A_287 = vector.shape_cast %get3A_286 : vector<16xf32> to vector<16xf32>
        %min3A_288 = arith.minimumf %min3A_277, %get3A_287 : vector<16xf32>
        %swap3A_289 = arith.constant 0 : index
        %swap3A_290 = tpu.vector_load %arg12[%swap3A_289] {strides = array<i32>} : memref<32xf32, #tpu.memory_space<vmem>>, vector<16xf32>,
        %swap3A_291 = vector.shape_cast %swap3A_290 : vector<16xf32> to vector<16xf32>
        %swap3A_292 = vector.shape_cast %min3A_288 : vector<16xf32> to vector<16xf32>
        tpu.vector_store %arg12[%swap3A_289], %swap3A_292 {strides = array<i32>} : memref<32xf32, #tpu.memory_space<vmem>>, vector<16xf32>,
        %swap3A_293 = arith.constant 16 : index
        %swap3A_294 = tpu.vector_load %arg12[%swap3A_293] {strides = array<i32>} : memref<32xf32, #tpu.memory_space<vmem>>, vector<16xf32>,
        %swap3A_295 = vector.shape_cast %swap3A_294 : vector<16xf32> to vector<16xf32>
        %swap3A_296 = vector.shape_cast %min3A_288 : vector<16xf32> to vector<16xf32>
        tpu.vector_store %arg12[%swap3A_293], %swap3A_296 {strides = array<i32>} : memref<32xf32, #tpu.memory_space<vmem>>, vector<16xf32>,
        %get3A_297 = arith.constant 4 : index
        %get3A_298 = tpu.vector_load %arg12[%get3A_297] {strides = array<i32>} : memref<32xf32, #tpu.memory_space<vmem>>, vector<16xf32>,
        %get3A_299 = vector.shape_cast %get3A_298 : vector<16xf32> to vector<16xf32>
        %min3A_300 = arith.minimumf %min3A_288, %get3A_299 : vector<16xf32>
        %swap3A_301 = arith.constant 0 : index
        %swap3A_302 = tpu.vector_load %arg12[%swap3A_301] {strides = array<i32>} : memref<32xf32, #tpu.memory_space<vmem>>, vector<16xf32>,
        %swap3A_303 = vector.shape_cast %swap3A_302 : vector<16xf32> to vector<16xf32>
        %swap3A_304 = vector.shape_cast %min3A_300 : vector<16xf32> to vector<16xf32>
        tpu.vector_store %arg12[%swap3A_301], %swap3A_304 {strides = array<i32>} : memref<32xf32, #tpu.memory_space<vmem>>, vector<16xf32>,
        %swap3A_305 = arith.constant 16 : index
        %swap3A_306 = tpu.vector_load %arg12[%swap3A_305] {strides = array<i32>} : memref<32xf32, #tpu.memory_space<vmem>>, vector<16xf32>,
        %swap3A_307 = vector.shape_cast %swap3A_306 : vector<16xf32> to vector<16xf32>
        %swap3A_308 = vector.shape_cast %min3A_300 : vector<16xf32> to vector<16xf32>
        tpu.vector_store %arg12[%swap3A_305], %swap3A_308 {strides = array<i32>} : memref<32xf32, #tpu.memory_space<vmem>>, vector<16xf32>,
        %get3A_309 = arith.constant 2 : index
        %get3A_310 = tpu.vector_load %arg12[%get3A_309] {strides = array<i32>} : memref<32xf32, #tpu.memory_space<vmem>>, vector<16xf32>,
        %get3A_311 = vector.shape_cast %get3A_310 : vector<16xf32> to vector<16xf32>
        %min3A_312 = arith.minimumf %min3A_300, %get3A_311 : vector<16xf32>
        %swap3A_313 = arith.constant 0 : index
        %swap3A_314 = tpu.vector_load %arg12[%swap3A_313] {strides = array<i32>} : memref<32xf32, #tpu.memory_space<vmem>>, vector<16xf32>,
        %swap3A_315 = vector.shape_cast %swap3A_314 : vector<16xf32> to vector<16xf32>
        %swap3A_316 = vector.shape_cast %min3A_312 : vector<16xf32> to vector<16xf32>
        tpu.vector_store %arg12[%swap3A_313], %swap3A_316 {strides = array<i32>} : memref<32xf32, #tpu.memory_space<vmem>>, vector<16xf32>,
        %swap3A_317 = arith.constant 16 : index
        %swap3A_318 = tpu.vector_load %arg12[%swap3A_317] {strides = array<i32>} : memref<32xf32, #tpu.memory_space<vmem>>, vector<16xf32>,
        %swap3A_319 = vector.shape_cast %swap3A_318 : vector<16xf32> to vector<16xf32>
        %swap3A_320 = vector.shape_cast %min3A_312 : vector<16xf32> to vector<16xf32>
        tpu.vector_store %arg12[%swap3A_317], %swap3A_320 {strides = array<i32>} : memref<32xf32, #tpu.memory_space<vmem>>, vector<16xf32>,
        %get3A_321 = arith.constant 1 : index
        %get3A_322 = tpu.vector_load %arg12[%get3A_321] {strides = array<i32>} : memref<32xf32, #tpu.memory_space<vmem>>, vector<16xf32>,
        %get3A_323 = vector.shape_cast %get3A_322 : vector<16xf32> to vector<16xf32>
        %min3A_324 = arith.minimumf %min3A_312, %get3A_323 : vector<16xf32>
        %slice3A = vector.extract_strided_slice %min3A_324 {offsets = [0], sizes = [1], strides = [1]} : vector<16xf32> to vector<1xf32>
        %squeeze3A = vector.extract %slice3A[0] : f32 from vector<1xf32>
        %eq3A_325 = vector.broadcast %squeeze3A : f32 to vector<16xf32>
        %eq3A_326 = arith.cmpf oeq, %get3A_249, %eq3A_325 : vector<16xf32>
        %add3A_327 = arith.constant 0 : i32
        %add3A_328 = vector.broadcast %add3A_327 : i32 to vector<16xi32>
        %add3A_329 = arith.addi %iota3A, %add3A_328 : vector<16xi32>
        %jit3A_330 = arith.constant 9999 : i32
        %broadcast_in_dim3A = vector.broadcast %jit3A_330 : i32 to vector<16xi32>
        %select_n3A_331 = arith.select %eq3A_326, %add3A_329, %broadcast_in_dim3A : vector<16xi1>, vector<16xi32>
        %eq3A_332 = vector.broadcast %squeeze3A : f32 to vector<16xf32>
        %eq3A_333 = arith.cmpf oeq, %get3A_252, %eq3A_332 : vector<16xf32>
        %add3A_334 = arith.constant 16 : i32
        %add3A_335 = vector.broadcast %add3A_334 : i32 to vector<16xi32>
        %add3A_336 = arith.addi %iota3A, %add3A_335 : vector<16xi32>
        %jit3A_337 = arith.constant 9999 : i32
        %broadcast_in_dim3A_338 = vector.broadcast %jit3A_337 : i32 to vector<16xi32>
        %select_n3A_339 = arith.select %eq3A_333, %add3A_336, %broadcast_in_dim3A_338 : vector<16xi1>, vector<16xi32>
        %eq3A_340 = vector.broadcast %squeeze3A : f32 to vector<16xf32>
        %eq3A_341 = arith.cmpf oeq, %get3A_255, %eq3A_340 : vector<16xf32>
        %add3A_342 = arith.constant 32 : i32
        %add3A_343 = vector.broadcast %add3A_342 : i32 to vector<16xi32>
        %add3A_344 = arith.addi %iota3A, %add3A_343 : vector<16xi32>
        %jit3A_345 = arith.constant 9999 : i32
        %broadcast_in_dim3A_346 = vector.broadcast %jit3A_345 : i32 to vector<16xi32>
        %select_n3A_347 = arith.select %eq3A_341, %add3A_344, %broadcast_in_dim3A_346 : vector<16xi1>, vector<16xi32>
        %eq3A_348 = vector.broadcast %squeeze3A : f32 to vector<16xf32>
        %eq3A_349 = arith.cmpf oeq, %get3A_258, %eq3A_348 : vector<16xf32>
        %add3A_350 = arith.constant 48 : i32
        %add3A_351 = vector.broadcast %add3A_350 : i32 to vector<16xi32>
        %add3A_352 = arith.addi %iota3A, %add3A_351 : vector<16xi32>
        %jit3A_353 = arith.constant 9999 : i32
        %broadcast_in_dim3A_354 = vector.broadcast %jit3A_353 : i32 to vector<16xi32>
        %select_n3A_355 = arith.select %eq3A_349, %add3A_352, %broadcast_in_dim3A_354 : vector<16xi1>, vector<16xi32>
        %eq3A_356 = vector.broadcast %squeeze3A : f32 to vector<16xf32>
        %eq3A_357 = arith.cmpf oeq, %get3A_261, %eq3A_356 : vector<16xf32>
        %add3A_358 = arith.constant 64 : i32
        %add3A_359 = vector.broadcast %add3A_358 : i32 to vector<16xi32>
        %add3A_360 = arith.addi %iota3A, %add3A_359 : vector<16xi32>
        %jit3A_361 = arith.constant 9999 : i32
        %broadcast_in_dim3A_362 = vector.broadcast %jit3A_361 : i32 to vector<16xi32>
        %select_n3A_363 = arith.select %eq3A_357, %add3A_360, %broadcast_in_dim3A_362 : vector<16xi1>, vector<16xi32>
        %eq3A_364 = vector.broadcast %squeeze3A : f32 to vector<16xf32>
        %eq3A_365 = arith.cmpf oeq, %get3A_264, %eq3A_364 : vector<16xf32>
        %add3A_366 = arith.constant 80 : i32
        %add3A_367 = vector.broadcast %add3A_366 : i32 to vector<16xi32>
        %add3A_368 = arith.addi %iota3A, %add3A_367 : vector<16xi32>
        %jit3A_369 = arith.constant 9999 : i32
        %broadcast_in_dim3A_370 = vector.broadcast %jit3A_369 : i32 to vector<16xi32>
        %select_n3A_371 = arith.select %eq3A_365, %add3A_368, %broadcast_in_dim3A_370 : vector<16xi1>, vector<16xi32>
        %eq3A_372 = vector.broadcast %squeeze3A : f32 to vector<16xf32>
        %eq3A_373 = arith.cmpf oeq, %get3A_267, %eq3A_372 : vector<16xf32>
        %add3A_374 = arith.constant 96 : i32
        %add3A_375 = vector.broadcast %add3A_374 : i32 to vector<16xi32>
        %add3A_376 = arith.addi %iota3A, %add3A_375 : vector<16xi32>
        %jit3A_377 = arith.constant 9999 : i32
        %broadcast_in_dim3A_378 = vector.broadcast %jit3A_377 : i32 to vector<16xi32>
        %select_n3A_379 = arith.select %eq3A_373, %add3A_376, %broadcast_in_dim3A_378 : vector<16xi1>, vector<16xi32>
        %eq3A_380 = vector.broadcast %squeeze3A : f32 to vector<16xf32>
        %eq3A_381 = arith.cmpf oeq, %get3A_270, %eq3A_380 : vector<16xf32>
        %add3A_382 = arith.constant 112 : i32
        %add3A_383 = vector.broadcast %add3A_382 : i32 to vector<16xi32>
        %add3A_384 = arith.addi %iota3A, %add3A_383 : vector<16xi32>
        %jit3A_385 = arith.constant 9999 : i32
        %broadcast_in_dim3A_386 = vector.broadcast %jit3A_385 : i32 to vector<16xi32>
        %select_n3A_387 = arith.select %eq3A_381, %add3A_384, %broadcast_in_dim3A_386 : vector<16xi1>, vector<16xi32>
        %min3A_388 = arith.minsi %select_n3A_331, %select_n3A_363 : vector<16xi32>
        %min3A_389 = arith.minsi %select_n3A_339, %select_n3A_371 : vector<16xi32>
        %min3A_390 = arith.minsi %select_n3A_347, %select_n3A_379 : vector<16xi32>
        %min3A_391 = arith.minsi %select_n3A_355, %select_n3A_387 : vector<16xi32>
        %min3A_392 = arith.minsi %min3A_388, %min3A_390 : vector<16xi32>
        %min3A_393 = arith.minsi %min3A_389, %min3A_391 : vector<16xi32>
        %min3A_394 = arith.minsi %min3A_392, %min3A_393 : vector<16xi32>
        %swap3A_395 = arith.constant 0 : index
        %swap3A_396 = tpu.vector_load %arg13[%swap3A_395] {strides = array<i32>} : memref<32xi32, #tpu.memory_space<vmem>>, vector<16xi32>,
        %swap3A_397 = vector.shape_cast %swap3A_396 : vector<16xi32> to vector<16xi32>
        %swap3A_398 = vector.shape_cast %min3A_394 : vector<16xi32> to vector<16xi32>
        tpu.vector_store %arg13[%swap3A_395], %swap3A_398 {strides = array<i32>} : memref<32xi32, #tpu.memory_space<vmem>>, vector<16xi32>,
        %swap3A_399 = arith.constant 16 : index
        %swap3A_400 = tpu.vector_load %arg13[%swap3A_399] {strides = array<i32>} : memref<32xi32, #tpu.memory_space<vmem>>, vector<16xi32>,
        %swap3A_401 = vector.shape_cast %swap3A_400 : vector<16xi32> to vector<16xi32>
        %swap3A_402 = vector.shape_cast %min3A_394 : vector<16xi32> to vector<16xi32>
        tpu.vector_store %arg13[%swap3A_399], %swap3A_402 {strides = array<i32>} : memref<32xi32, #tpu.memory_space<vmem>>, vector<16xi32>,
        %get3A_403 = arith.constant 8 : index
        %get3A_404 = tpu.vector_load %arg13[%get3A_403] {strides = array<i32>} : memref<32xi32, #tpu.memory_space<vmem>>, vector<16xi32>,
        %get3A_405 = vector.shape_cast %get3A_404 : vector<16xi32> to vector<16xi32>
        %min3A_406 = arith.minsi %min3A_394, %get3A_405 : vector<16xi32>
        %swap3A_407 = arith.constant 0 : index
        %swap3A_408 = tpu.vector_load %arg13[%swap3A_407] {strides = array<i32>} : memref<32xi32, #tpu.memory_space<vmem>>, vector<16xi32>,
        %swap3A_409 = vector.shape_cast %swap3A_408 : vector<16xi32> to vector<16xi32>
        %swap3A_410 = vector.shape_cast %min3A_406 : vector<16xi32> to vector<16xi32>
        tpu.vector_store %arg13[%swap3A_407], %swap3A_410 {strides = array<i32>} : memref<32xi32, #tpu.memory_space<vmem>>, vector<16xi32>,
        %swap3A_411 = arith.constant 16 : index
        %swap3A_412 = tpu.vector_load %arg13[%swap3A_411] {strides = array<i32>} : memref<32xi32, #tpu.memory_space<vmem>>, vector<16xi32>,
        %swap3A_413 = vector.shape_cast %swap3A_412 : vector<16xi32> to vector<16xi32>
        %swap3A_414 = vector.shape_cast %min3A_406 : vector<16xi32> to vector<16xi32>
        tpu.vector_store %arg13[%swap3A_411], %swap3A_414 {strides = array<i32>} : memref<32xi32, #tpu.memory_space<vmem>>, vector<16xi32>,
        %get3A_415 = arith.constant 4 : index
        %get3A_416 = tpu.vector_load %arg13[%get3A_415] {strides = array<i32>} : memref<32xi32, #tpu.memory_space<vmem>>, vector<16xi32>,
        %get3A_417 = vector.shape_cast %get3A_416 : vector<16xi32> to vector<16xi32>
        %min3A_418 = arith.minsi %min3A_406, %get3A_417 : vector<16xi32>
        %swap3A_419 = arith.constant 0 : index
        %swap3A_420 = tpu.vector_load %arg13[%swap3A_419] {strides = array<i32>} : memref<32xi32, #tpu.memory_space<vmem>>, vector<16xi32>,
        %swap3A_421 = vector.shape_cast %swap3A_420 : vector<16xi32> to vector<16xi32>
        %swap3A_422 = vector.shape_cast %min3A_418 : vector<16xi32> to vector<16xi32>
        tpu.vector_store %arg13[%swap3A_419], %swap3A_422 {strides = array<i32>} : memref<32xi32, #tpu.memory_space<vmem>>, vector<16xi32>,
        %swap3A_423 = arith.constant 16 : index
        %swap3A_424 = tpu.vector_load %arg13[%swap3A_423] {strides = array<i32>} : memref<32xi32, #tpu.memory_space<vmem>>, vector<16xi32>,
        %swap3A_425 = vector.shape_cast %swap3A_424 : vector<16xi32> to vector<16xi32>
        %swap3A_426 = vector.shape_cast %min3A_418 : vector<16xi32> to vector<16xi32>
        tpu.vector_store %arg13[%swap3A_423], %swap3A_426 {strides = array<i32>} : memref<32xi32, #tpu.memory_space<vmem>>, vector<16xi32>,
        %get3A_427 = arith.constant 2 : index
        %get3A_428 = tpu.vector_load %arg13[%get3A_427] {strides = array<i32>} : memref<32xi32, #tpu.memory_space<vmem>>, vector<16xi32>,
        %get3A_429 = vector.shape_cast %get3A_428 : vector<16xi32> to vector<16xi32>
        %min3A_430 = arith.minsi %min3A_418, %get3A_429 : vector<16xi32>
        %swap3A_431 = arith.constant 0 : index
        %swap3A_432 = tpu.vector_load %arg13[%swap3A_431] {strides = array<i32>} : memref<32xi32, #tpu.memory_space<vmem>>, vector<16xi32>,
        %swap3A_433 = vector.shape_cast %swap3A_432 : vector<16xi32> to vector<16xi32>
        %swap3A_434 = vector.shape_cast %min3A_430 : vector<16xi32> to vector<16xi32>
        tpu.vector_store %arg13[%swap3A_431], %swap3A_434 {strides = array<i32>} : memref<32xi32, #tpu.memory_space<vmem>>, vector<16xi32>,
        %swap3A_435 = arith.constant 16 : index
        %swap3A_436 = tpu.vector_load %arg13[%swap3A_435] {strides = array<i32>} : memref<32xi32, #tpu.memory_space<vmem>>, vector<16xi32>,
        %swap3A_437 = vector.shape_cast %swap3A_436 : vector<16xi32> to vector<16xi32>
        %swap3A_438 = vector.shape_cast %min3A_430 : vector<16xi32> to vector<16xi32>
        tpu.vector_store %arg13[%swap3A_435], %swap3A_438 {strides = array<i32>} : memref<32xi32, #tpu.memory_space<vmem>>, vector<16xi32>,
        %get3A_439 = arith.constant 1 : index
        %get3A_440 = tpu.vector_load %arg13[%get3A_439] {strides = array<i32>} : memref<32xi32, #tpu.memory_space<vmem>>, vector<16xi32>,
        %get3A_441 = vector.shape_cast %get3A_440 : vector<16xi32> to vector<16xi32>
        %min3A_442 = arith.minsi %min3A_430, %get3A_441 : vector<16xi32>
        %slice3A_443 = vector.extract_strided_slice %min3A_442 {offsets = [0], sizes = [1], strides = [1]} : vector<16xi32> to vector<1xi32>
        %squeeze3A_444 = vector.extract %slice3A_443[0] : i32 from vector<1xi32>
        %jit3A_445 = arith.constant 16 : i32
        %div3A = arith.divsi %squeeze3A_444, %jit3A_445 : i32
        %sign3A = arith.constant 0 : i32
        %sign3A_446 = arith.cmpi sgt, %squeeze3A_444, %sign3A : i32
        %sign3A_447 = arith.extui %sign3A_446 : i1 to i32
        %sign3A_448 = arith.constant 0 : i32
        %sign3A_449 = arith.cmpi slt, %squeeze3A_444, %sign3A_448 : i32
        %sign3A_450 = arith.extui %sign3A_449 : i1 to i32
        %sign3A_451 = arith.subi %sign3A_447, %sign3A_450 : i32
        %sign3A_452 = arith.constant 0 : i32
        %sign3A_453 = arith.cmpi sgt, %jit3A_445, %sign3A_452 : i32
        %sign3A_454 = arith.extui %sign3A_453 : i1 to i32
        %sign3A_455 = arith.constant 0 : i32
        %sign3A_456 = arith.cmpi slt, %jit3A_445, %sign3A_455 : i32
        %sign3A_457 = arith.extui %sign3A_456 : i1 to i32
        %sign3A_458 = arith.subi %sign3A_454, %sign3A_457 : i32
        %ne3A_459 = arith.cmpi ne, %sign3A_451, %sign3A_458 : i32
        %rem3A_460 = arith.remsi %squeeze3A_444, %jit3A_445 : i32
        %ne3A_461 = arith.constant 0 : i32
        %ne3A_462 = arith.cmpi ne, %rem3A_460, %ne3A_461 : i32
        %and3A_463 = arith.andi %ne3A_459, %ne3A_462 : i1
        %sub3A = arith.constant 1 : i32
        %sub3A_464 = arith.subi %div3A, %sub3A : i32
        %select_n3A_465 = arith.select %and3A_463, %sub3A_464, %div3A : i32
        %mul3A_466 = arith.constant 256 : i32
        %mul3A_467 = arith.muli %select_n3A_465, %mul3A_466 : i32
        %add3A_468 = arith.constant 0 : i32
        %add3A_469 = arith.addi %mul3A_467, %add3A_468 : i32
        %get3A_470 = arith.index_cast %add3A_469 : i32 to index
        %get3A_471 = tpu.vector_load %arg7[%get3A_470] {strides = array<i32>} : memref<2048xf32, #tpu.memory_space<vmem>>, vector<16xf32>,
        %get3A_472 = vector.shape_cast %get3A_471 : vector<16xf32> to vector<16xf32>
        %eq3A_473 = vector.broadcast %squeeze3A : f32 to vector<16xf32>
        %eq3A_474 = arith.cmpf oeq, %get3A_472, %eq3A_473 : vector<16xf32>
        %add3A_475 = arith.constant 0 : i32
        %add3A_476 = vector.broadcast %add3A_475 : i32 to vector<16xi32>
        %add3A_477 = arith.addi %iota3A, %add3A_476 : vector<16xi32>
        %jit3A_478 = arith.constant 9999 : i32
        %broadcast_in_dim3A_479 = vector.broadcast %jit3A_478 : i32 to vector<16xi32>
        %select_n3A_480 = arith.select %eq3A_474, %add3A_477, %broadcast_in_dim3A_479 : vector<16xi1>, vector<16xi32>
        %mul3A_481 = arith.constant 256 : i32
        %mul3A_482 = arith.muli %select_n3A_465, %mul3A_481 : i32
        %add3A_483 = arith.constant 16 : i32
        %add3A_484 = arith.addi %mul3A_482, %add3A_483 : i32
        %get3A_485 = arith.index_cast %add3A_484 : i32 to index
        %get3A_486 = tpu.vector_load %arg7[%get3A_485] {strides = array<i32>} : memref<2048xf32, #tpu.memory_space<vmem>>, vector<16xf32>,
        %get3A_487 = vector.shape_cast %get3A_486 : vector<16xf32> to vector<16xf32>
        %eq3A_488 = vector.broadcast %squeeze3A : f32 to vector<16xf32>
        %eq3A_489 = arith.cmpf oeq, %get3A_487, %eq3A_488 : vector<16xf32>
        %add3A_490 = arith.constant 16 : i32
        %add3A_491 = vector.broadcast %add3A_490 : i32 to vector<16xi32>
        %add3A_492 = arith.addi %iota3A, %add3A_491 : vector<16xi32>
        %jit3A_493 = arith.constant 9999 : i32
        %broadcast_in_dim3A_494 = vector.broadcast %jit3A_493 : i32 to vector<16xi32>
        %select_n3A_495 = arith.select %eq3A_489, %add3A_492, %broadcast_in_dim3A_494 : vector<16xi1>, vector<16xi32>
        %mul3A_496 = arith.constant 256 : i32
        %mul3A_497 = arith.muli %select_n3A_465, %mul3A_496 : i32
        %add3A_498 = arith.constant 32 : i32
        %add3A_499 = arith.addi %mul3A_497, %add3A_498 : i32
        %get3A_500 = arith.index_cast %add3A_499 : i32 to index
        %get3A_501 = tpu.vector_load %arg7[%get3A_500] {strides = array<i32>} : memref<2048xf32, #tpu.memory_space<vmem>>, vector<16xf32>,
        %get3A_502 = vector.shape_cast %get3A_501 : vector<16xf32> to vector<16xf32>
        %eq3A_503 = vector.broadcast %squeeze3A : f32 to vector<16xf32>
        %eq3A_504 = arith.cmpf oeq, %get3A_502, %eq3A_503 : vector<16xf32>
        %add3A_505 = arith.constant 32 : i32
        %add3A_506 = vector.broadcast %add3A_505 : i32 to vector<16xi32>
        %add3A_507 = arith.addi %iota3A, %add3A_506 : vector<16xi32>
        %jit3A_508 = arith.constant 9999 : i32
        %broadcast_in_dim3A_509 = vector.broadcast %jit3A_508 : i32 to vector<16xi32>
        %select_n3A_510 = arith.select %eq3A_504, %add3A_507, %broadcast_in_dim3A_509 : vector<16xi1>, vector<16xi32>
        %mul3A_511 = arith.constant 256 : i32
        %mul3A_512 = arith.muli %select_n3A_465, %mul3A_511 : i32
        %add3A_513 = arith.constant 48 : i32
        %add3A_514 = arith.addi %mul3A_512, %add3A_513 : i32
        %get3A_515 = arith.index_cast %add3A_514 : i32 to index
        %get3A_516 = tpu.vector_load %arg7[%get3A_515] {strides = array<i32>} : memref<2048xf32, #tpu.memory_space<vmem>>, vector<16xf32>,
        %get3A_517 = vector.shape_cast %get3A_516 : vector<16xf32> to vector<16xf32>
        %eq3A_518 = vector.broadcast %squeeze3A : f32 to vector<16xf32>
        %eq3A_519 = arith.cmpf oeq, %get3A_517, %eq3A_518 : vector<16xf32>
        %add3A_520 = arith.constant 48 : i32
        %add3A_521 = vector.broadcast %add3A_520 : i32 to vector<16xi32>
        %add3A_522 = arith.addi %iota3A, %add3A_521 : vector<16xi32>
        %jit3A_523 = arith.constant 9999 : i32
        %broadcast_in_dim3A_524 = vector.broadcast %jit3A_523 : i32 to vector<16xi32>
        %select_n3A_525 = arith.select %eq3A_519, %add3A_522, %broadcast_in_dim3A_524 : vector<16xi1>, vector<16xi32>
        %mul3A_526 = arith.constant 256 : i32
        %mul3A_527 = arith.muli %select_n3A_465, %mul3A_526 : i32
        %add3A_528 = arith.constant 64 : i32
        %add3A_529 = arith.addi %mul3A_527, %add3A_528 : i32
        %get3A_530 = arith.index_cast %add3A_529 : i32 to index
        %get3A_531 = tpu.vector_load %arg7[%get3A_530] {strides = array<i32>} : memref<2048xf32, #tpu.memory_space<vmem>>, vector<16xf32>,
        %get3A_532 = vector.shape_cast %get3A_531 : vector<16xf32> to vector<16xf32>
        %eq3A_533 = vector.broadcast %squeeze3A : f32 to vector<16xf32>
        %eq3A_534 = arith.cmpf oeq, %get3A_532, %eq3A_533 : vector<16xf32>
        %add3A_535 = arith.constant 64 : i32
        %add3A_536 = vector.broadcast %add3A_535 : i32 to vector<16xi32>
        %add3A_537 = arith.addi %iota3A, %add3A_536 : vector<16xi32>
        %jit3A_538 = arith.constant 9999 : i32
        %broadcast_in_dim3A_539 = vector.broadcast %jit3A_538 : i32 to vector<16xi32>
        %select_n3A_540 = arith.select %eq3A_534, %add3A_537, %broadcast_in_dim3A_539 : vector<16xi1>, vector<16xi32>
        %mul3A_541 = arith.constant 256 : i32
        %mul3A_542 = arith.muli %select_n3A_465, %mul3A_541 : i32
        %add3A_543 = arith.constant 80 : i32
        %add3A_544 = arith.addi %mul3A_542, %add3A_543 : i32
        %get3A_545 = arith.index_cast %add3A_544 : i32 to index
        %get3A_546 = tpu.vector_load %arg7[%get3A_545] {strides = array<i32>} : memref<2048xf32, #tpu.memory_space<vmem>>, vector<16xf32>,
        %get3A_547 = vector.shape_cast %get3A_546 : vector<16xf32> to vector<16xf32>
        %eq3A_548 = vector.broadcast %squeeze3A : f32 to vector<16xf32>
        %eq3A_549 = arith.cmpf oeq, %get3A_547, %eq3A_548 : vector<16xf32>
        %add3A_550 = arith.constant 80 : i32
        %add3A_551 = vector.broadcast %add3A_550 : i32 to vector<16xi32>
        %add3A_552 = arith.addi %iota3A, %add3A_551 : vector<16xi32>
        %jit3A_553 = arith.constant 9999 : i32
        %broadcast_in_dim3A_554 = vector.broadcast %jit3A_553 : i32 to vector<16xi32>
        %select_n3A_555 = arith.select %eq3A_549, %add3A_552, %broadcast_in_dim3A_554 : vector<16xi1>, vector<16xi32>
        %mul3A_556 = arith.constant 256 : i32
        %mul3A_557 = arith.muli %select_n3A_465, %mul3A_556 : i32
        %add3A_558 = arith.constant 96 : i32
        %add3A_559 = arith.addi %mul3A_557, %add3A_558 : i32
        %get3A_560 = arith.index_cast %add3A_559 : i32 to index
        %get3A_561 = tpu.vector_load %arg7[%get3A_560] {strides = array<i32>} : memref<2048xf32, #tpu.memory_space<vmem>>, vector<16xf32>,
        %get3A_562 = vector.shape_cast %get3A_561 : vector<16xf32> to vector<16xf32>
        %eq3A_563 = vector.broadcast %squeeze3A : f32 to vector<16xf32>
        %eq3A_564 = arith.cmpf oeq, %get3A_562, %eq3A_563 : vector<16xf32>
        %add3A_565 = arith.constant 96 : i32
        %add3A_566 = vector.broadcast %add3A_565 : i32 to vector<16xi32>
        %add3A_567 = arith.addi %iota3A, %add3A_566 : vector<16xi32>
        %jit3A_568 = arith.constant 9999 : i32
        %broadcast_in_dim3A_569 = vector.broadcast %jit3A_568 : i32 to vector<16xi32>
        %select_n3A_570 = arith.select %eq3A_564, %add3A_567, %broadcast_in_dim3A_569 : vector<16xi1>, vector<16xi32>
        %mul3A_571 = arith.constant 256 : i32
        %mul3A_572 = arith.muli %select_n3A_465, %mul3A_571 : i32
        %add3A_573 = arith.constant 112 : i32
        %add3A_574 = arith.addi %mul3A_572, %add3A_573 : i32
        %get3A_575 = arith.index_cast %add3A_574 : i32 to index
        %get3A_576 = tpu.vector_load %arg7[%get3A_575] {strides = array<i32>} : memref<2048xf32, #tpu.memory_space<vmem>>, vector<16xf32>,
        %get3A_577 = vector.shape_cast %get3A_576 : vector<16xf32> to vector<16xf32>
        %eq3A_578 = vector.broadcast %squeeze3A : f32 to vector<16xf32>
        %eq3A_579 = arith.cmpf oeq, %get3A_577, %eq3A_578 : vector<16xf32>
        %add3A_580 = arith.constant 112 : i32
        %add3A_581 = vector.broadcast %add3A_580 : i32 to vector<16xi32>
        %add3A_582 = arith.addi %iota3A, %add3A_581 : vector<16xi32>
        %jit3A_583 = arith.constant 9999 : i32
        %broadcast_in_dim3A_584 = vector.broadcast %jit3A_583 : i32 to vector<16xi32>
        %select_n3A_585 = arith.select %eq3A_579, %add3A_582, %broadcast_in_dim3A_584 : vector<16xi1>, vector<16xi32>
        %mul3A_586 = arith.constant 256 : i32
        %mul3A_587 = arith.muli %select_n3A_465, %mul3A_586 : i32
        %add3A_588 = arith.constant 128 : i32
        %add3A_589 = arith.addi %mul3A_587, %add3A_588 : i32
        %get3A_590 = arith.index_cast %add3A_589 : i32 to index
        %get3A_591 = tpu.vector_load %arg7[%get3A_590] {strides = array<i32>} : memref<2048xf32, #tpu.memory_space<vmem>>, vector<16xf32>,
        %get3A_592 = vector.shape_cast %get3A_591 : vector<16xf32> to vector<16xf32>
        %eq3A_593 = vector.broadcast %squeeze3A : f32 to vector<16xf32>
        %eq3A_594 = arith.cmpf oeq, %get3A_592, %eq3A_593 : vector<16xf32>
        %add3A_595 = arith.constant 128 : i32
        %add3A_596 = vector.broadcast %add3A_595 : i32 to vector<16xi32>
        %add3A_597 = arith.addi %iota3A, %add3A_596 : vector<16xi32>
        %jit3A_598 = arith.constant 9999 : i32
        %broadcast_in_dim3A_599 = vector.broadcast %jit3A_598 : i32 to vector<16xi32>
        %select_n3A_600 = arith.select %eq3A_594, %add3A_597, %broadcast_in_dim3A_599 : vector<16xi1>, vector<16xi32>
        %mul3A_601 = arith.constant 256 : i32
        %mul3A_602 = arith.muli %select_n3A_465, %mul3A_601 : i32
        %add3A_603 = arith.constant 144 : i32
        %add3A_604 = arith.addi %mul3A_602, %add3A_603 : i32
        %get3A_605 = arith.index_cast %add3A_604 : i32 to index
        %get3A_606 = tpu.vector_load %arg7[%get3A_605] {strides = array<i32>} : memref<2048xf32, #tpu.memory_space<vmem>>, vector<16xf32>,
        %get3A_607 = vector.shape_cast %get3A_606 : vector<16xf32> to vector<16xf32>
        %eq3A_608 = vector.broadcast %squeeze3A : f32 to vector<16xf32>
        %eq3A_609 = arith.cmpf oeq, %get3A_607, %eq3A_608 : vector<16xf32>
        %add3A_610 = arith.constant 144 : i32
        %add3A_611 = vector.broadcast %add3A_610 : i32 to vector<16xi32>
        %add3A_612 = arith.addi %iota3A, %add3A_611 : vector<16xi32>
        %jit3A_613 = arith.constant 9999 : i32
        %broadcast_in_dim3A_614 = vector.broadcast %jit3A_613 : i32 to vector<16xi32>
        %select_n3A_615 = arith.select %eq3A_609, %add3A_612, %broadcast_in_dim3A_614 : vector<16xi1>, vector<16xi32>
        %mul3A_616 = arith.constant 256 : i32
        %mul3A_617 = arith.muli %select_n3A_465, %mul3A_616 : i32
        %add3A_618 = arith.constant 160 : i32
        %add3A_619 = arith.addi %mul3A_617, %add3A_618 : i32
        %get3A_620 = arith.index_cast %add3A_619 : i32 to index
        %get3A_621 = tpu.vector_load %arg7[%get3A_620] {strides = array<i32>} : memref<2048xf32, #tpu.memory_space<vmem>>, vector<16xf32>,
        %get3A_622 = vector.shape_cast %get3A_621 : vector<16xf32> to vector<16xf32>
        %eq3A_623 = vector.broadcast %squeeze3A : f32 to vector<16xf32>
        %eq3A_624 = arith.cmpf oeq, %get3A_622, %eq3A_623 : vector<16xf32>
        %add3A_625 = arith.constant 160 : i32
        %add3A_626 = vector.broadcast %add3A_625 : i32 to vector<16xi32>
        %add3A_627 = arith.addi %iota3A, %add3A_626 : vector<16xi32>
        %jit3A_628 = arith.constant 9999 : i32
        %broadcast_in_dim3A_629 = vector.broadcast %jit3A_628 : i32 to vector<16xi32>
        %select_n3A_630 = arith.select %eq3A_624, %add3A_627, %broadcast_in_dim3A_629 : vector<16xi1>, vector<16xi32>
        %mul3A_631 = arith.constant 256 : i32
        %mul3A_632 = arith.muli %select_n3A_465, %mul3A_631 : i32
        %add3A_633 = arith.constant 176 : i32
        %add3A_634 = arith.addi %mul3A_632, %add3A_633 : i32
        %get3A_635 = arith.index_cast %add3A_634 : i32 to index
        %get3A_636 = tpu.vector_load %arg7[%get3A_635] {strides = array<i32>} : memref<2048xf32, #tpu.memory_space<vmem>>, vector<16xf32>,
        %get3A_637 = vector.shape_cast %get3A_636 : vector<16xf32> to vector<16xf32>
        %eq3A_638 = vector.broadcast %squeeze3A : f32 to vector<16xf32>
        %eq3A_639 = arith.cmpf oeq, %get3A_637, %eq3A_638 : vector<16xf32>
        %add3A_640 = arith.constant 176 : i32
        %add3A_641 = vector.broadcast %add3A_640 : i32 to vector<16xi32>
        %add3A_642 = arith.addi %iota3A, %add3A_641 : vector<16xi32>
        %jit3A_643 = arith.constant 9999 : i32
        %broadcast_in_dim3A_644 = vector.broadcast %jit3A_643 : i32 to vector<16xi32>
        %select_n3A_645 = arith.select %eq3A_639, %add3A_642, %broadcast_in_dim3A_644 : vector<16xi1>, vector<16xi32>
        %mul3A_646 = arith.constant 256 : i32
        %mul3A_647 = arith.muli %select_n3A_465, %mul3A_646 : i32
        %add3A_648 = arith.constant 192 : i32
        %add3A_649 = arith.addi %mul3A_647, %add3A_648 : i32
        %get3A_650 = arith.index_cast %add3A_649 : i32 to index
        %get3A_651 = tpu.vector_load %arg7[%get3A_650] {strides = array<i32>} : memref<2048xf32, #tpu.memory_space<vmem>>, vector<16xf32>,
        %get3A_652 = vector.shape_cast %get3A_651 : vector<16xf32> to vector<16xf32>
        %eq3A_653 = vector.broadcast %squeeze3A : f32 to vector<16xf32>
        %eq3A_654 = arith.cmpf oeq, %get3A_652, %eq3A_653 : vector<16xf32>
        %add3A_655 = arith.constant 192 : i32
        %add3A_656 = vector.broadcast %add3A_655 : i32 to vector<16xi32>
        %add3A_657 = arith.addi %iota3A, %add3A_656 : vector<16xi32>
        %jit3A_658 = arith.constant 9999 : i32
        %broadcast_in_dim3A_659 = vector.broadcast %jit3A_658 : i32 to vector<16xi32>
        %select_n3A_660 = arith.select %eq3A_654, %add3A_657, %broadcast_in_dim3A_659 : vector<16xi1>, vector<16xi32>
        %mul3A_661 = arith.constant 256 : i32
        %mul3A_662 = arith.muli %select_n3A_465, %mul3A_661 : i32
        %add3A_663 = arith.constant 208 : i32
        %add3A_664 = arith.addi %mul3A_662, %add3A_663 : i32
        %get3A_665 = arith.index_cast %add3A_664 : i32 to index
        %get3A_666 = tpu.vector_load %arg7[%get3A_665] {strides = array<i32>} : memref<2048xf32, #tpu.memory_space<vmem>>, vector<16xf32>,
        %get3A_667 = vector.shape_cast %get3A_666 : vector<16xf32> to vector<16xf32>
        %eq3A_668 = vector.broadcast %squeeze3A : f32 to vector<16xf32>
        %eq3A_669 = arith.cmpf oeq, %get3A_667, %eq3A_668 : vector<16xf32>
        %add3A_670 = arith.constant 208 : i32
        %add3A_671 = vector.broadcast %add3A_670 : i32 to vector<16xi32>
        %add3A_672 = arith.addi %iota3A, %add3A_671 : vector<16xi32>
        %jit3A_673 = arith.constant 9999 : i32
        %broadcast_in_dim3A_674 = vector.broadcast %jit3A_673 : i32 to vector<16xi32>
        %select_n3A_675 = arith.select %eq3A_669, %add3A_672, %broadcast_in_dim3A_674 : vector<16xi1>, vector<16xi32>
        %mul3A_676 = arith.constant 256 : i32
        %mul3A_677 = arith.muli %select_n3A_465, %mul3A_676 : i32
        %add3A_678 = arith.constant 224 : i32
        %add3A_679 = arith.addi %mul3A_677, %add3A_678 : i32
        %get3A_680 = arith.index_cast %add3A_679 : i32 to index
        %get3A_681 = tpu.vector_load %arg7[%get3A_680] {strides = array<i32>} : memref<2048xf32, #tpu.memory_space<vmem>>, vector<16xf32>,
        %get3A_682 = vector.shape_cast %get3A_681 : vector<16xf32> to vector<16xf32>
        %eq3A_683 = vector.broadcast %squeeze3A : f32 to vector<16xf32>
        %eq3A_684 = arith.cmpf oeq, %get3A_682, %eq3A_683 : vector<16xf32>
        %add3A_685 = arith.constant 224 : i32
        %add3A_686 = vector.broadcast %add3A_685 : i32 to vector<16xi32>
        %add3A_687 = arith.addi %iota3A, %add3A_686 : vector<16xi32>
        %jit3A_688 = arith.constant 9999 : i32
        %broadcast_in_dim3A_689 = vector.broadcast %jit3A_688 : i32 to vector<16xi32>
        %select_n3A_690 = arith.select %eq3A_684, %add3A_687, %broadcast_in_dim3A_689 : vector<16xi1>, vector<16xi32>
        %mul3A_691 = arith.constant 256 : i32
        %mul3A_692 = arith.muli %select_n3A_465, %mul3A_691 : i32
        %add3A_693 = arith.constant 240 : i32
        %add3A_694 = arith.addi %mul3A_692, %add3A_693 : i32
        %get3A_695 = arith.index_cast %add3A_694 : i32 to index
        %get3A_696 = tpu.vector_load %arg7[%get3A_695] {strides = array<i32>} : memref<2048xf32, #tpu.memory_space<vmem>>, vector<16xf32>,
        %get3A_697 = vector.shape_cast %get3A_696 : vector<16xf32> to vector<16xf32>
        %eq3A_698 = vector.broadcast %squeeze3A : f32 to vector<16xf32>
        %eq3A_699 = arith.cmpf oeq, %get3A_697, %eq3A_698 : vector<16xf32>
        %add3A_700 = arith.constant 240 : i32
        %add3A_701 = vector.broadcast %add3A_700 : i32 to vector<16xi32>
        %add3A_702 = arith.addi %iota3A, %add3A_701 : vector<16xi32>
        %jit3A_703 = arith.constant 9999 : i32
        %broadcast_in_dim3A_704 = vector.broadcast %jit3A_703 : i32 to vector<16xi32>
        %select_n3A_705 = arith.select %eq3A_699, %add3A_702, %broadcast_in_dim3A_704 : vector<16xi1>, vector<16xi32>
        %min3A_706 = arith.minsi %select_n3A_480, %select_n3A_600 : vector<16xi32>
        %min3A_707 = arith.minsi %select_n3A_495, %select_n3A_615 : vector<16xi32>
        %min3A_708 = arith.minsi %select_n3A_510, %select_n3A_630 : vector<16xi32>
        %min3A_709 = arith.minsi %select_n3A_525, %select_n3A_645 : vector<16xi32>
        %min3A_710 = arith.minsi %select_n3A_540, %select_n3A_660 : vector<16xi32>
        %min3A_711 = arith.minsi %select_n3A_555, %select_n3A_675 : vector<16xi32>
        %min3A_712 = arith.minsi %select_n3A_570, %select_n3A_690 : vector<16xi32>
        %min3A_713 = arith.minsi %select_n3A_585, %select_n3A_705 : vector<16xi32>
        %min3A_714 = arith.minsi %min3A_706, %min3A_710 : vector<16xi32>
        %min3A_715 = arith.minsi %min3A_707, %min3A_711 : vector<16xi32>
        %min3A_716 = arith.minsi %min3A_708, %min3A_712 : vector<16xi32>
        %min3A_717 = arith.minsi %min3A_709, %min3A_713 : vector<16xi32>
        %min3A_718 = arith.minsi %min3A_714, %min3A_716 : vector<16xi32>
        %min3A_719 = arith.minsi %min3A_715, %min3A_717 : vector<16xi32>
        %min3A_720 = arith.minsi %min3A_718, %min3A_719 : vector<16xi32>
        %mul3A_721 = arith.constant 16 : i32
        %mul3A_722 = arith.muli %select_n3A_465, %mul3A_721 : i32
        %swap3A_723 = arith.constant 0 : index
        %swap3A_724 = tpu.vector_load %arg13[%swap3A_723] {strides = array<i32>} : memref<32xi32, #tpu.memory_space<vmem>>, vector<16xi32>,
        %swap3A_725 = vector.shape_cast %swap3A_724 : vector<16xi32> to vector<16xi32>
        %swap3A_726 = vector.shape_cast %min3A_720 : vector<16xi32> to vector<16xi32>
        tpu.vector_store %arg13[%swap3A_723], %swap3A_726 {strides = array<i32>} : memref<32xi32, #tpu.memory_space<vmem>>, vector<16xi32>,
        %swap3A_727 = arith.constant 16 : index
        %swap3A_728 = tpu.vector_load %arg13[%swap3A_727] {strides = array<i32>} : memref<32xi32, #tpu.memory_space<vmem>>, vector<16xi32>,
        %swap3A_729 = vector.shape_cast %swap3A_728 : vector<16xi32> to vector<16xi32>
        %swap3A_730 = vector.shape_cast %min3A_720 : vector<16xi32> to vector<16xi32>
        tpu.vector_store %arg13[%swap3A_727], %swap3A_730 {strides = array<i32>} : memref<32xi32, #tpu.memory_space<vmem>>, vector<16xi32>,
        %get3A_731 = arith.constant 8 : index
        %get3A_732 = tpu.vector_load %arg13[%get3A_731] {strides = array<i32>} : memref<32xi32, #tpu.memory_space<vmem>>, vector<16xi32>,
        %get3A_733 = vector.shape_cast %get3A_732 : vector<16xi32> to vector<16xi32>
        %min3A_734 = arith.minsi %min3A_720, %get3A_733 : vector<16xi32>
        %swap3A_735 = arith.constant 0 : index
        %swap3A_736 = tpu.vector_load %arg13[%swap3A_735] {strides = array<i32>} : memref<32xi32, #tpu.memory_space<vmem>>, vector<16xi32>,
        %swap3A_737 = vector.shape_cast %swap3A_736 : vector<16xi32> to vector<16xi32>
        %swap3A_738 = vector.shape_cast %min3A_734 : vector<16xi32> to vector<16xi32>
        tpu.vector_store %arg13[%swap3A_735], %swap3A_738 {strides = array<i32>} : memref<32xi32, #tpu.memory_space<vmem>>, vector<16xi32>,
        %swap3A_739 = arith.constant 16 : index
        %swap3A_740 = tpu.vector_load %arg13[%swap3A_739] {strides = array<i32>} : memref<32xi32, #tpu.memory_space<vmem>>, vector<16xi32>,
        %swap3A_741 = vector.shape_cast %swap3A_740 : vector<16xi32> to vector<16xi32>
        %swap3A_742 = vector.shape_cast %min3A_734 : vector<16xi32> to vector<16xi32>
        tpu.vector_store %arg13[%swap3A_739], %swap3A_742 {strides = array<i32>} : memref<32xi32, #tpu.memory_space<vmem>>, vector<16xi32>,
        %get3A_743 = arith.constant 4 : index
        %get3A_744 = tpu.vector_load %arg13[%get3A_743] {strides = array<i32>} : memref<32xi32, #tpu.memory_space<vmem>>, vector<16xi32>,
        %get3A_745 = vector.shape_cast %get3A_744 : vector<16xi32> to vector<16xi32>
        %min3A_746 = arith.minsi %min3A_734, %get3A_745 : vector<16xi32>
        %swap3A_747 = arith.constant 0 : index
        %swap3A_748 = tpu.vector_load %arg13[%swap3A_747] {strides = array<i32>} : memref<32xi32, #tpu.memory_space<vmem>>, vector<16xi32>,
        %swap3A_749 = vector.shape_cast %swap3A_748 : vector<16xi32> to vector<16xi32>
        %swap3A_750 = vector.shape_cast %min3A_746 : vector<16xi32> to vector<16xi32>
        tpu.vector_store %arg13[%swap3A_747], %swap3A_750 {strides = array<i32>} : memref<32xi32, #tpu.memory_space<vmem>>, vector<16xi32>,
        %swap3A_751 = arith.constant 16 : index
        %swap3A_752 = tpu.vector_load %arg13[%swap3A_751] {strides = array<i32>} : memref<32xi32, #tpu.memory_space<vmem>>, vector<16xi32>,
        %swap3A_753 = vector.shape_cast %swap3A_752 : vector<16xi32> to vector<16xi32>
        %swap3A_754 = vector.shape_cast %min3A_746 : vector<16xi32> to vector<16xi32>
        tpu.vector_store %arg13[%swap3A_751], %swap3A_754 {strides = array<i32>} : memref<32xi32, #tpu.memory_space<vmem>>, vector<16xi32>,
        %get3A_755 = arith.constant 2 : index
        %get3A_756 = tpu.vector_load %arg13[%get3A_755] {strides = array<i32>} : memref<32xi32, #tpu.memory_space<vmem>>, vector<16xi32>,
        %get3A_757 = vector.shape_cast %get3A_756 : vector<16xi32> to vector<16xi32>
        %min3A_758 = arith.minsi %min3A_746, %get3A_757 : vector<16xi32>
        %swap3A_759 = arith.constant 0 : index
        %swap3A_760 = tpu.vector_load %arg13[%swap3A_759] {strides = array<i32>} : memref<32xi32, #tpu.memory_space<vmem>>, vector<16xi32>,
        %swap3A_761 = vector.shape_cast %swap3A_760 : vector<16xi32> to vector<16xi32>
        %swap3A_762 = vector.shape_cast %min3A_758 : vector<16xi32> to vector<16xi32>
        tpu.vector_store %arg13[%swap3A_759], %swap3A_762 {strides = array<i32>} : memref<32xi32, #tpu.memory_space<vmem>>, vector<16xi32>,
        %swap3A_763 = arith.constant 16 : index
        %swap3A_764 = tpu.vector_load %arg13[%swap3A_763] {strides = array<i32>} : memref<32xi32, #tpu.memory_space<vmem>>, vector<16xi32>,
        %swap3A_765 = vector.shape_cast %swap3A_764 : vector<16xi32> to vector<16xi32>
        %swap3A_766 = vector.shape_cast %min3A_758 : vector<16xi32> to vector<16xi32>
        tpu.vector_store %arg13[%swap3A_763], %swap3A_766 {strides = array<i32>} : memref<32xi32, #tpu.memory_space<vmem>>, vector<16xi32>,
        %get3A_767 = arith.constant 1 : index
        %get3A_768 = tpu.vector_load %arg13[%get3A_767] {strides = array<i32>} : memref<32xi32, #tpu.memory_space<vmem>>, vector<16xi32>,
        %get3A_769 = vector.shape_cast %get3A_768 : vector<16xi32> to vector<16xi32>
        %min3A_770 = arith.minsi %min3A_758, %get3A_769 : vector<16xi32>
        %slice3A_771 = vector.extract_strided_slice %min3A_770 {offsets = [0], sizes = [1], strides = [1]} : vector<16xi32> to vector<1xi32>
        %squeeze3A_772 = vector.extract %slice3A_771[0] : i32 from vector<1xi32>
        %jit3A_773 = arith.constant 16 : i32
        %div3A_774 = arith.divsi %squeeze3A_772, %jit3A_773 : i32
        %sign3A_775 = arith.constant 0 : i32
        %sign3A_776 = arith.cmpi sgt, %squeeze3A_772, %sign3A_775 : i32
        %sign3A_777 = arith.extui %sign3A_776 : i1 to i32
        %sign3A_778 = arith.constant 0 : i32
        %sign3A_779 = arith.cmpi slt, %squeeze3A_772, %sign3A_778 : i32
        %sign3A_780 = arith.extui %sign3A_779 : i1 to i32
        %sign3A_781 = arith.subi %sign3A_777, %sign3A_780 : i32
        %sign3A_782 = arith.constant 0 : i32
        %sign3A_783 = arith.cmpi sgt, %jit3A_773, %sign3A_782 : i32
        %sign3A_784 = arith.extui %sign3A_783 : i1 to i32
        %sign3A_785 = arith.constant 0 : i32
        %sign3A_786 = arith.cmpi slt, %jit3A_773, %sign3A_785 : i32
        %sign3A_787 = arith.extui %sign3A_786 : i1 to i32
        %sign3A_788 = arith.subi %sign3A_784, %sign3A_787 : i32
        %ne3A_789 = arith.cmpi ne, %sign3A_781, %sign3A_788 : i32
        %rem3A_790 = arith.remsi %squeeze3A_772, %jit3A_773 : i32
        %ne3A_791 = arith.constant 0 : i32
        %ne3A_792 = arith.cmpi ne, %rem3A_790, %ne3A_791 : i32
        %and3A_793 = arith.andi %ne3A_789, %ne3A_792 : i1
        %sub3A_794 = arith.constant 1 : i32
        %sub3A_795 = arith.subi %div3A_774, %sub3A_794 : i32
        %select_n3A_796 = arith.select %and3A_793, %sub3A_795, %div3A_774 : i32
        %add3A_797 = arith.addi %mul3A_722, %select_n3A_796 : i32
        %mul3A_798 = arith.constant 256 : i32
        %mul3A_799 = arith.muli %add3A_797, %mul3A_798 : i32
        %add3A_800 = arith.addi %mul3A_178, %mul3A_799 : i32
        %add3A_801 = arith.constant 0 : i32
        %add3A_802 = arith.addi %add3A_800, %add3A_801 : i32
        %get3A_803 = arith.index_cast %add3A_802 : i32 to index
        %get3A_804 = tpu.vector_load %arg6[%get3A_803] {strides = array<i32>} : memref<65536xf32, #tpu.memory_space<vmem>>, vector<16xf32>,
        %get3A_805 = vector.shape_cast %get3A_804 : vector<16xf32> to vector<16xf32>
        %eq3A_806 = vector.broadcast %squeeze3A : f32 to vector<16xf32>
        %eq3A_807 = arith.cmpf oeq, %get3A_805, %eq3A_806 : vector<16xf32>
        %add3A_808 = arith.constant 0 : i32
        %add3A_809 = vector.broadcast %add3A_808 : i32 to vector<16xi32>
        %add3A_810 = arith.addi %iota3A, %add3A_809 : vector<16xi32>
        %jit3A_811 = arith.constant 9999 : i32
        %broadcast_in_dim3A_812 = vector.broadcast %jit3A_811 : i32 to vector<16xi32>
        %select_n3A_813 = arith.select %eq3A_807, %add3A_810, %broadcast_in_dim3A_812 : vector<16xi1>, vector<16xi32>
        %mul3A_814 = arith.constant 256 : i32
        %mul3A_815 = arith.muli %add3A_797, %mul3A_814 : i32
        %add3A_816 = arith.addi %mul3A_178, %mul3A_815 : i32
        %add3A_817 = arith.constant 16 : i32
        %add3A_818 = arith.addi %add3A_816, %add3A_817 : i32
        %get3A_819 = arith.index_cast %add3A_818 : i32 to index
        %get3A_820 = tpu.vector_load %arg6[%get3A_819] {strides = array<i32>} : memref<65536xf32, #tpu.memory_space<vmem>>, vector<16xf32>,
        %get3A_821 = vector.shape_cast %get3A_820 : vector<16xf32> to vector<16xf32>
        %eq3A_822 = vector.broadcast %squeeze3A : f32 to vector<16xf32>
        %eq3A_823 = arith.cmpf oeq, %get3A_821, %eq3A_822 : vector<16xf32>
        %add3A_824 = arith.constant 16 : i32
        %add3A_825 = vector.broadcast %add3A_824 : i32 to vector<16xi32>
        %add3A_826 = arith.addi %iota3A, %add3A_825 : vector<16xi32>
        %jit3A_827 = arith.constant 9999 : i32
        %broadcast_in_dim3A_828 = vector.broadcast %jit3A_827 : i32 to vector<16xi32>
        %select_n3A_829 = arith.select %eq3A_823, %add3A_826, %broadcast_in_dim3A_828 : vector<16xi1>, vector<16xi32>
        %mul3A_830 = arith.constant 256 : i32
        %mul3A_831 = arith.muli %add3A_797, %mul3A_830 : i32
        %add3A_832 = arith.addi %mul3A_178, %mul3A_831 : i32
        %add3A_833 = arith.constant 32 : i32
        %add3A_834 = arith.addi %add3A_832, %add3A_833 : i32
        %get3A_835 = arith.index_cast %add3A_834 : i32 to index
        %get3A_836 = tpu.vector_load %arg6[%get3A_835] {strides = array<i32>} : memref<65536xf32, #tpu.memory_space<vmem>>, vector<16xf32>,
        %get3A_837 = vector.shape_cast %get3A_836 : vector<16xf32> to vector<16xf32>
        %eq3A_838 = vector.broadcast %squeeze3A : f32 to vector<16xf32>
        %eq3A_839 = arith.cmpf oeq, %get3A_837, %eq3A_838 : vector<16xf32>
        %add3A_840 = arith.constant 32 : i32
        %add3A_841 = vector.broadcast %add3A_840 : i32 to vector<16xi32>
        %add3A_842 = arith.addi %iota3A, %add3A_841 : vector<16xi32>
        %jit3A_843 = arith.constant 9999 : i32
        %broadcast_in_dim3A_844 = vector.broadcast %jit3A_843 : i32 to vector<16xi32>
        %select_n3A_845 = arith.select %eq3A_839, %add3A_842, %broadcast_in_dim3A_844 : vector<16xi1>, vector<16xi32>
        %mul3A_846 = arith.constant 256 : i32
        %mul3A_847 = arith.muli %add3A_797, %mul3A_846 : i32
        %add3A_848 = arith.addi %mul3A_178, %mul3A_847 : i32
        %add3A_849 = arith.constant 48 : i32
        %add3A_850 = arith.addi %add3A_848, %add3A_849 : i32
        %get3A_851 = arith.index_cast %add3A_850 : i32 to index
        %get3A_852 = tpu.vector_load %arg6[%get3A_851] {strides = array<i32>} : memref<65536xf32, #tpu.memory_space<vmem>>, vector<16xf32>,
        %get3A_853 = vector.shape_cast %get3A_852 : vector<16xf32> to vector<16xf32>
        %eq3A_854 = vector.broadcast %squeeze3A : f32 to vector<16xf32>
        %eq3A_855 = arith.cmpf oeq, %get3A_853, %eq3A_854 : vector<16xf32>
        %add3A_856 = arith.constant 48 : i32
        %add3A_857 = vector.broadcast %add3A_856 : i32 to vector<16xi32>
        %add3A_858 = arith.addi %iota3A, %add3A_857 : vector<16xi32>
        %jit3A_859 = arith.constant 9999 : i32
        %broadcast_in_dim3A_860 = vector.broadcast %jit3A_859 : i32 to vector<16xi32>
        %select_n3A_861 = arith.select %eq3A_855, %add3A_858, %broadcast_in_dim3A_860 : vector<16xi1>, vector<16xi32>
        %mul3A_862 = arith.constant 256 : i32
        %mul3A_863 = arith.muli %add3A_797, %mul3A_862 : i32
        %add3A_864 = arith.addi %mul3A_178, %mul3A_863 : i32
        %add3A_865 = arith.constant 64 : i32
        %add3A_866 = arith.addi %add3A_864, %add3A_865 : i32
        %get3A_867 = arith.index_cast %add3A_866 : i32 to index
        %get3A_868 = tpu.vector_load %arg6[%get3A_867] {strides = array<i32>} : memref<65536xf32, #tpu.memory_space<vmem>>, vector<16xf32>,
        %get3A_869 = vector.shape_cast %get3A_868 : vector<16xf32> to vector<16xf32>
        %eq3A_870 = vector.broadcast %squeeze3A : f32 to vector<16xf32>
        %eq3A_871 = arith.cmpf oeq, %get3A_869, %eq3A_870 : vector<16xf32>
        %add3A_872 = arith.constant 64 : i32
        %add3A_873 = vector.broadcast %add3A_872 : i32 to vector<16xi32>
        %add3A_874 = arith.addi %iota3A, %add3A_873 : vector<16xi32>
        %jit3A_875 = arith.constant 9999 : i32
        %broadcast_in_dim3A_876 = vector.broadcast %jit3A_875 : i32 to vector<16xi32>
        %select_n3A_877 = arith.select %eq3A_871, %add3A_874, %broadcast_in_dim3A_876 : vector<16xi1>, vector<16xi32>
        %mul3A_878 = arith.constant 256 : i32
        %mul3A_879 = arith.muli %add3A_797, %mul3A_878 : i32
        %add3A_880 = arith.addi %mul3A_178, %mul3A_879 : i32
        %add3A_881 = arith.constant 80 : i32
        %add3A_882 = arith.addi %add3A_880, %add3A_881 : i32
        %get3A_883 = arith.index_cast %add3A_882 : i32 to index
        %get3A_884 = tpu.vector_load %arg6[%get3A_883] {strides = array<i32>} : memref<65536xf32, #tpu.memory_space<vmem>>, vector<16xf32>,
        %get3A_885 = vector.shape_cast %get3A_884 : vector<16xf32> to vector<16xf32>
        %eq3A_886 = vector.broadcast %squeeze3A : f32 to vector<16xf32>
        %eq3A_887 = arith.cmpf oeq, %get3A_885, %eq3A_886 : vector<16xf32>
        %add3A_888 = arith.constant 80 : i32
        %add3A_889 = vector.broadcast %add3A_888 : i32 to vector<16xi32>
        %add3A_890 = arith.addi %iota3A, %add3A_889 : vector<16xi32>
        %jit3A_891 = arith.constant 9999 : i32
        %broadcast_in_dim3A_892 = vector.broadcast %jit3A_891 : i32 to vector<16xi32>
        %select_n3A_893 = arith.select %eq3A_887, %add3A_890, %broadcast_in_dim3A_892 : vector<16xi1>, vector<16xi32>
        %mul3A_894 = arith.constant 256 : i32
        %mul3A_895 = arith.muli %add3A_797, %mul3A_894 : i32
        %add3A_896 = arith.addi %mul3A_178, %mul3A_895 : i32
        %add3A_897 = arith.constant 96 : i32
        %add3A_898 = arith.addi %add3A_896, %add3A_897 : i32
        %get3A_899 = arith.index_cast %add3A_898 : i32 to index
        %get3A_900 = tpu.vector_load %arg6[%get3A_899] {strides = array<i32>} : memref<65536xf32, #tpu.memory_space<vmem>>, vector<16xf32>,
        %get3A_901 = vector.shape_cast %get3A_900 : vector<16xf32> to vector<16xf32>
        %eq3A_902 = vector.broadcast %squeeze3A : f32 to vector<16xf32>
        %eq3A_903 = arith.cmpf oeq, %get3A_901, %eq3A_902 : vector<16xf32>
        %add3A_904 = arith.constant 96 : i32
        %add3A_905 = vector.broadcast %add3A_904 : i32 to vector<16xi32>
        %add3A_906 = arith.addi %iota3A, %add3A_905 : vector<16xi32>
        %jit3A_907 = arith.constant 9999 : i32
        %broadcast_in_dim3A_908 = vector.broadcast %jit3A_907 : i32 to vector<16xi32>
        %select_n3A_909 = arith.select %eq3A_903, %add3A_906, %broadcast_in_dim3A_908 : vector<16xi1>, vector<16xi32>
        %mul3A_910 = arith.constant 256 : i32
        %mul3A_911 = arith.muli %add3A_797, %mul3A_910 : i32
        %add3A_912 = arith.addi %mul3A_178, %mul3A_911 : i32
        %add3A_913 = arith.constant 112 : i32
        %add3A_914 = arith.addi %add3A_912, %add3A_913 : i32
        %get3A_915 = arith.index_cast %add3A_914 : i32 to index
        %get3A_916 = tpu.vector_load %arg6[%get3A_915] {strides = array<i32>} : memref<65536xf32, #tpu.memory_space<vmem>>, vector<16xf32>,
        %get3A_917 = vector.shape_cast %get3A_916 : vector<16xf32> to vector<16xf32>
        %eq3A_918 = vector.broadcast %squeeze3A : f32 to vector<16xf32>
        %eq3A_919 = arith.cmpf oeq, %get3A_917, %eq3A_918 : vector<16xf32>
        %add3A_920 = arith.constant 112 : i32
        %add3A_921 = vector.broadcast %add3A_920 : i32 to vector<16xi32>
        %add3A_922 = arith.addi %iota3A, %add3A_921 : vector<16xi32>
        %jit3A_923 = arith.constant 9999 : i32
        %broadcast_in_dim3A_924 = vector.broadcast %jit3A_923 : i32 to vector<16xi32>
        %select_n3A_925 = arith.select %eq3A_919, %add3A_922, %broadcast_in_dim3A_924 : vector<16xi1>, vector<16xi32>
        %mul3A_926 = arith.constant 256 : i32
        %mul3A_927 = arith.muli %add3A_797, %mul3A_926 : i32
        %add3A_928 = arith.addi %mul3A_178, %mul3A_927 : i32
        %add3A_929 = arith.constant 128 : i32
        %add3A_930 = arith.addi %add3A_928, %add3A_929 : i32
        %get3A_931 = arith.index_cast %add3A_930 : i32 to index
        %get3A_932 = tpu.vector_load %arg6[%get3A_931] {strides = array<i32>} : memref<65536xf32, #tpu.memory_space<vmem>>, vector<16xf32>,
        %get3A_933 = vector.shape_cast %get3A_932 : vector<16xf32> to vector<16xf32>
        %eq3A_934 = vector.broadcast %squeeze3A : f32 to vector<16xf32>
        %eq3A_935 = arith.cmpf oeq, %get3A_933, %eq3A_934 : vector<16xf32>
        %add3A_936 = arith.constant 128 : i32
        %add3A_937 = vector.broadcast %add3A_936 : i32 to vector<16xi32>
        %add3A_938 = arith.addi %iota3A, %add3A_937 : vector<16xi32>
        %jit3A_939 = arith.constant 9999 : i32
        %broadcast_in_dim3A_940 = vector.broadcast %jit3A_939 : i32 to vector<16xi32>
        %select_n3A_941 = arith.select %eq3A_935, %add3A_938, %broadcast_in_dim3A_940 : vector<16xi1>, vector<16xi32>
        %mul3A_942 = arith.constant 256 : i32
        %mul3A_943 = arith.muli %add3A_797, %mul3A_942 : i32
        %add3A_944 = arith.addi %mul3A_178, %mul3A_943 : i32
        %add3A_945 = arith.constant 144 : i32
        %add3A_946 = arith.addi %add3A_944, %add3A_945 : i32
        %get3A_947 = arith.index_cast %add3A_946 : i32 to index
        %get3A_948 = tpu.vector_load %arg6[%get3A_947] {strides = array<i32>} : memref<65536xf32, #tpu.memory_space<vmem>>, vector<16xf32>,
        %get3A_949 = vector.shape_cast %get3A_948 : vector<16xf32> to vector<16xf32>
        %eq3A_950 = vector.broadcast %squeeze3A : f32 to vector<16xf32>
        %eq3A_951 = arith.cmpf oeq, %get3A_949, %eq3A_950 : vector<16xf32>
        %add3A_952 = arith.constant 144 : i32
        %add3A_953 = vector.broadcast %add3A_952 : i32 to vector<16xi32>
        %add3A_954 = arith.addi %iota3A, %add3A_953 : vector<16xi32>
        %jit3A_955 = arith.constant 9999 : i32
        %broadcast_in_dim3A_956 = vector.broadcast %jit3A_955 : i32 to vector<16xi32>
        %select_n3A_957 = arith.select %eq3A_951, %add3A_954, %broadcast_in_dim3A_956 : vector<16xi1>, vector<16xi32>
        %mul3A_958 = arith.constant 256 : i32
        %mul3A_959 = arith.muli %add3A_797, %mul3A_958 : i32
        %add3A_960 = arith.addi %mul3A_178, %mul3A_959 : i32
        %add3A_961 = arith.constant 160 : i32
        %add3A_962 = arith.addi %add3A_960, %add3A_961 : i32
        %get3A_963 = arith.index_cast %add3A_962 : i32 to index
        %get3A_964 = tpu.vector_load %arg6[%get3A_963] {strides = array<i32>} : memref<65536xf32, #tpu.memory_space<vmem>>, vector<16xf32>,
        %get3A_965 = vector.shape_cast %get3A_964 : vector<16xf32> to vector<16xf32>
        %eq3A_966 = vector.broadcast %squeeze3A : f32 to vector<16xf32>
        %eq3A_967 = arith.cmpf oeq, %get3A_965, %eq3A_966 : vector<16xf32>
        %add3A_968 = arith.constant 160 : i32
        %add3A_969 = vector.broadcast %add3A_968 : i32 to vector<16xi32>
        %add3A_970 = arith.addi %iota3A, %add3A_969 : vector<16xi32>
        %jit3A_971 = arith.constant 9999 : i32
        %broadcast_in_dim3A_972 = vector.broadcast %jit3A_971 : i32 to vector<16xi32>
        %select_n3A_973 = arith.select %eq3A_967, %add3A_970, %broadcast_in_dim3A_972 : vector<16xi1>, vector<16xi32>
        %mul3A_974 = arith.constant 256 : i32
        %mul3A_975 = arith.muli %add3A_797, %mul3A_974 : i32
        %add3A_976 = arith.addi %mul3A_178, %mul3A_975 : i32
        %add3A_977 = arith.constant 176 : i32
        %add3A_978 = arith.addi %add3A_976, %add3A_977 : i32
        %get3A_979 = arith.index_cast %add3A_978 : i32 to index
        %get3A_980 = tpu.vector_load %arg6[%get3A_979] {strides = array<i32>} : memref<65536xf32, #tpu.memory_space<vmem>>, vector<16xf32>,
        %get3A_981 = vector.shape_cast %get3A_980 : vector<16xf32> to vector<16xf32>
        %eq3A_982 = vector.broadcast %squeeze3A : f32 to vector<16xf32>
        %eq3A_983 = arith.cmpf oeq, %get3A_981, %eq3A_982 : vector<16xf32>
        %add3A_984 = arith.constant 176 : i32
        %add3A_985 = vector.broadcast %add3A_984 : i32 to vector<16xi32>
        %add3A_986 = arith.addi %iota3A, %add3A_985 : vector<16xi32>
        %jit3A_987 = arith.constant 9999 : i32
        %broadcast_in_dim3A_988 = vector.broadcast %jit3A_987 : i32 to vector<16xi32>
        %select_n3A_989 = arith.select %eq3A_983, %add3A_986, %broadcast_in_dim3A_988 : vector<16xi1>, vector<16xi32>
        %mul3A_990 = arith.constant 256 : i32
        %mul3A_991 = arith.muli %add3A_797, %mul3A_990 : i32
        %add3A_992 = arith.addi %mul3A_178, %mul3A_991 : i32
        %add3A_993 = arith.constant 192 : i32
        %add3A_994 = arith.addi %add3A_992, %add3A_993 : i32
        %get3A_995 = arith.index_cast %add3A_994 : i32 to index
        %get3A_996 = tpu.vector_load %arg6[%get3A_995] {strides = array<i32>} : memref<65536xf32, #tpu.memory_space<vmem>>, vector<16xf32>,
        %get3A_997 = vector.shape_cast %get3A_996 : vector<16xf32> to vector<16xf32>
        %eq3A_998 = vector.broadcast %squeeze3A : f32 to vector<16xf32>
        %eq3A_999 = arith.cmpf oeq, %get3A_997, %eq3A_998 : vector<16xf32>
        %add3A_1000 = arith.constant 192 : i32
        %add3A_1001 = vector.broadcast %add3A_1000 : i32 to vector<16xi32>
        %add3A_1002 = arith.addi %iota3A, %add3A_1001 : vector<16xi32>
        %jit3A_1003 = arith.constant 9999 : i32
        %broadcast_in_dim3A_1004 = vector.broadcast %jit3A_1003 : i32 to vector<16xi32>
        %select_n3A_1005 = arith.select %eq3A_999, %add3A_1002, %broadcast_in_dim3A_1004 : vector<16xi1>, vector<16xi32>
        %mul3A_1006 = arith.constant 256 : i32
        %mul3A_1007 = arith.muli %add3A_797, %mul3A_1006 : i32
        %add3A_1008 = arith.addi %mul3A_178, %mul3A_1007 : i32
        %add3A_1009 = arith.constant 208 : i32
        %add3A_1010 = arith.addi %add3A_1008, %add3A_1009 : i32
        %get3A_1011 = arith.index_cast %add3A_1010 : i32 to index
        %get3A_1012 = tpu.vector_load %arg6[%get3A_1011] {strides = array<i32>} : memref<65536xf32, #tpu.memory_space<vmem>>, vector<16xf32>,
        %get3A_1013 = vector.shape_cast %get3A_1012 : vector<16xf32> to vector<16xf32>
        %eq3A_1014 = vector.broadcast %squeeze3A : f32 to vector<16xf32>
        %eq3A_1015 = arith.cmpf oeq, %get3A_1013, %eq3A_1014 : vector<16xf32>
        %add3A_1016 = arith.constant 208 : i32
        %add3A_1017 = vector.broadcast %add3A_1016 : i32 to vector<16xi32>
        %add3A_1018 = arith.addi %iota3A, %add3A_1017 : vector<16xi32>
        %jit3A_1019 = arith.constant 9999 : i32
        %broadcast_in_dim3A_1020 = vector.broadcast %jit3A_1019 : i32 to vector<16xi32>
        %select_n3A_1021 = arith.select %eq3A_1015, %add3A_1018, %broadcast_in_dim3A_1020 : vector<16xi1>, vector<16xi32>
        %mul3A_1022 = arith.constant 256 : i32
        %mul3A_1023 = arith.muli %add3A_797, %mul3A_1022 : i32
        %add3A_1024 = arith.addi %mul3A_178, %mul3A_1023 : i32
        %add3A_1025 = arith.constant 224 : i32
        %add3A_1026 = arith.addi %add3A_1024, %add3A_1025 : i32
        %get3A_1027 = arith.index_cast %add3A_1026 : i32 to index
        %get3A_1028 = tpu.vector_load %arg6[%get3A_1027] {strides = array<i32>} : memref<65536xf32, #tpu.memory_space<vmem>>, vector<16xf32>,
        %get3A_1029 = vector.shape_cast %get3A_1028 : vector<16xf32> to vector<16xf32>
        %eq3A_1030 = vector.broadcast %squeeze3A : f32 to vector<16xf32>
        %eq3A_1031 = arith.cmpf oeq, %get3A_1029, %eq3A_1030 : vector<16xf32>
        %add3A_1032 = arith.constant 224 : i32
        %add3A_1033 = vector.broadcast %add3A_1032 : i32 to vector<16xi32>
        %add3A_1034 = arith.addi %iota3A, %add3A_1033 : vector<16xi32>
        %jit3A_1035 = arith.constant 9999 : i32
        %broadcast_in_dim3A_1036 = vector.broadcast %jit3A_1035 : i32 to vector<16xi32>
        %select_n3A_1037 = arith.select %eq3A_1031, %add3A_1034, %broadcast_in_dim3A_1036 : vector<16xi1>, vector<16xi32>
        %mul3A_1038 = arith.constant 256 : i32
        %mul3A_1039 = arith.muli %add3A_797, %mul3A_1038 : i32
        %add3A_1040 = arith.addi %mul3A_178, %mul3A_1039 : i32
        %add3A_1041 = arith.constant 240 : i32
        %add3A_1042 = arith.addi %add3A_1040, %add3A_1041 : i32
        %get3A_1043 = arith.index_cast %add3A_1042 : i32 to index
        %get3A_1044 = tpu.vector_load %arg6[%get3A_1043] {strides = array<i32>} : memref<65536xf32, #tpu.memory_space<vmem>>, vector<16xf32>,
        %get3A_1045 = vector.shape_cast %get3A_1044 : vector<16xf32> to vector<16xf32>
        %eq3A_1046 = vector.broadcast %squeeze3A : f32 to vector<16xf32>
        %eq3A_1047 = arith.cmpf oeq, %get3A_1045, %eq3A_1046 : vector<16xf32>
        %add3A_1048 = arith.constant 240 : i32
        %add3A_1049 = vector.broadcast %add3A_1048 : i32 to vector<16xi32>
        %add3A_1050 = arith.addi %iota3A, %add3A_1049 : vector<16xi32>
        %jit3A_1051 = arith.constant 9999 : i32
        %broadcast_in_dim3A_1052 = vector.broadcast %jit3A_1051 : i32 to vector<16xi32>
        %select_n3A_1053 = arith.select %eq3A_1047, %add3A_1050, %broadcast_in_dim3A_1052 : vector<16xi1>, vector<16xi32>
        %min3A_1054 = arith.minsi %select_n3A_813, %select_n3A_941 : vector<16xi32>
        %min3A_1055 = arith.minsi %select_n3A_829, %select_n3A_957 : vector<16xi32>
        %min3A_1056 = arith.minsi %select_n3A_845, %select_n3A_973 : vector<16xi32>
        %min3A_1057 = arith.minsi %select_n3A_861, %select_n3A_989 : vector<16xi32>
        %min3A_1058 = arith.minsi %select_n3A_877, %select_n3A_1005 : vector<16xi32>
        %min3A_1059 = arith.minsi %select_n3A_893, %select_n3A_1021 : vector<16xi32>
        %min3A_1060 = arith.minsi %select_n3A_909, %select_n3A_1037 : vector<16xi32>
        %min3A_1061 = arith.minsi %select_n3A_925, %select_n3A_1053 : vector<16xi32>
        %min3A_1062 = arith.minsi %min3A_1054, %min3A_1058 : vector<16xi32>
        %min3A_1063 = arith.minsi %min3A_1055, %min3A_1059 : vector<16xi32>
        %min3A_1064 = arith.minsi %min3A_1056, %min3A_1060 : vector<16xi32>
        %min3A_1065 = arith.minsi %min3A_1057, %min3A_1061 : vector<16xi32>
        %min3A_1066 = arith.minsi %min3A_1062, %min3A_1064 : vector<16xi32>
        %min3A_1067 = arith.minsi %min3A_1063, %min3A_1065 : vector<16xi32>
        %min3A_1068 = arith.minsi %min3A_1066, %min3A_1067 : vector<16xi32>
        %swap3A_1069 = arith.constant 0 : index
        %swap3A_1070 = tpu.vector_load %arg13[%swap3A_1069] {strides = array<i32>} : memref<32xi32, #tpu.memory_space<vmem>>, vector<16xi32>,
        %swap3A_1071 = vector.shape_cast %swap3A_1070 : vector<16xi32> to vector<16xi32>
        %swap3A_1072 = vector.shape_cast %min3A_1068 : vector<16xi32> to vector<16xi32>
        tpu.vector_store %arg13[%swap3A_1069], %swap3A_1072 {strides = array<i32>} : memref<32xi32, #tpu.memory_space<vmem>>, vector<16xi32>,
        %swap3A_1073 = arith.constant 16 : index
        %swap3A_1074 = tpu.vector_load %arg13[%swap3A_1073] {strides = array<i32>} : memref<32xi32, #tpu.memory_space<vmem>>, vector<16xi32>,
        %swap3A_1075 = vector.shape_cast %swap3A_1074 : vector<16xi32> to vector<16xi32>
        %swap3A_1076 = vector.shape_cast %min3A_1068 : vector<16xi32> to vector<16xi32>
        tpu.vector_store %arg13[%swap3A_1073], %swap3A_1076 {strides = array<i32>} : memref<32xi32, #tpu.memory_space<vmem>>, vector<16xi32>,
        %get3A_1077 = arith.constant 8 : index
        %get3A_1078 = tpu.vector_load %arg13[%get3A_1077] {strides = array<i32>} : memref<32xi32, #tpu.memory_space<vmem>>, vector<16xi32>,
        %get3A_1079 = vector.shape_cast %get3A_1078 : vector<16xi32> to vector<16xi32>
        %min3A_1080 = arith.minsi %min3A_1068, %get3A_1079 : vector<16xi32>
        %swap3A_1081 = arith.constant 0 : index
        %swap3A_1082 = tpu.vector_load %arg13[%swap3A_1081] {strides = array<i32>} : memref<32xi32, #tpu.memory_space<vmem>>, vector<16xi32>,
        %swap3A_1083 = vector.shape_cast %swap3A_1082 : vector<16xi32> to vector<16xi32>
        %swap3A_1084 = vector.shape_cast %min3A_1080 : vector<16xi32> to vector<16xi32>
        tpu.vector_store %arg13[%swap3A_1081], %swap3A_1084 {strides = array<i32>} : memref<32xi32, #tpu.memory_space<vmem>>, vector<16xi32>,
        %swap3A_1085 = arith.constant 16 : index
        %swap3A_1086 = tpu.vector_load %arg13[%swap3A_1085] {strides = array<i32>} : memref<32xi32, #tpu.memory_space<vmem>>, vector<16xi32>,
        %swap3A_1087 = vector.shape_cast %swap3A_1086 : vector<16xi32> to vector<16xi32>
        %swap3A_1088 = vector.shape_cast %min3A_1080 : vector<16xi32> to vector<16xi32>
        tpu.vector_store %arg13[%swap3A_1085], %swap3A_1088 {strides = array<i32>} : memref<32xi32, #tpu.memory_space<vmem>>, vector<16xi32>,
        %get3A_1089 = arith.constant 4 : index
        %get3A_1090 = tpu.vector_load %arg13[%get3A_1089] {strides = array<i32>} : memref<32xi32, #tpu.memory_space<vmem>>, vector<16xi32>,
        %get3A_1091 = vector.shape_cast %get3A_1090 : vector<16xi32> to vector<16xi32>
        %min3A_1092 = arith.minsi %min3A_1080, %get3A_1091 : vector<16xi32>
        %swap3A_1093 = arith.constant 0 : index
        %swap3A_1094 = tpu.vector_load %arg13[%swap3A_1093] {strides = array<i32>} : memref<32xi32, #tpu.memory_space<vmem>>, vector<16xi32>,
        %swap3A_1095 = vector.shape_cast %swap3A_1094 : vector<16xi32> to vector<16xi32>
        %swap3A_1096 = vector.shape_cast %min3A_1092 : vector<16xi32> to vector<16xi32>
        tpu.vector_store %arg13[%swap3A_1093], %swap3A_1096 {strides = array<i32>} : memref<32xi32, #tpu.memory_space<vmem>>, vector<16xi32>,
        %swap3A_1097 = arith.constant 16 : index
        %swap3A_1098 = tpu.vector_load %arg13[%swap3A_1097] {strides = array<i32>} : memref<32xi32, #tpu.memory_space<vmem>>, vector<16xi32>,
        %swap3A_1099 = vector.shape_cast %swap3A_1098 : vector<16xi32> to vector<16xi32>
        %swap3A_1100 = vector.shape_cast %min3A_1092 : vector<16xi32> to vector<16xi32>
        tpu.vector_store %arg13[%swap3A_1097], %swap3A_1100 {strides = array<i32>} : memref<32xi32, #tpu.memory_space<vmem>>, vector<16xi32>,
        %get3A_1101 = arith.constant 2 : index
        %get3A_1102 = tpu.vector_load %arg13[%get3A_1101] {strides = array<i32>} : memref<32xi32, #tpu.memory_space<vmem>>, vector<16xi32>,
        %get3A_1103 = vector.shape_cast %get3A_1102 : vector<16xi32> to vector<16xi32>
        %min3A_1104 = arith.minsi %min3A_1092, %get3A_1103 : vector<16xi32>
        %swap3A_1105 = arith.constant 0 : index
        %swap3A_1106 = tpu.vector_load %arg13[%swap3A_1105] {strides = array<i32>} : memref<32xi32, #tpu.memory_space<vmem>>, vector<16xi32>,
        %swap3A_1107 = vector.shape_cast %swap3A_1106 : vector<16xi32> to vector<16xi32>
        %swap3A_1108 = vector.shape_cast %min3A_1104 : vector<16xi32> to vector<16xi32>
        tpu.vector_store %arg13[%swap3A_1105], %swap3A_1108 {strides = array<i32>} : memref<32xi32, #tpu.memory_space<vmem>>, vector<16xi32>,
        %swap3A_1109 = arith.constant 16 : index
        %swap3A_1110 = tpu.vector_load %arg13[%swap3A_1109] {strides = array<i32>} : memref<32xi32, #tpu.memory_space<vmem>>, vector<16xi32>,
        %swap3A_1111 = vector.shape_cast %swap3A_1110 : vector<16xi32> to vector<16xi32>
        %swap3A_1112 = vector.shape_cast %min3A_1104 : vector<16xi32> to vector<16xi32>
        tpu.vector_store %arg13[%swap3A_1109], %swap3A_1112 {strides = array<i32>} : memref<32xi32, #tpu.memory_space<vmem>>, vector<16xi32>,
        %get3A_1113 = arith.constant 1 : index
        %get3A_1114 = tpu.vector_load %arg13[%get3A_1113] {strides = array<i32>} : memref<32xi32, #tpu.memory_space<vmem>>, vector<16xi32>,
        %get3A_1115 = vector.shape_cast %get3A_1114 : vector<16xi32> to vector<16xi32>
        %min3A_1116 = arith.minsi %min3A_1104, %get3A_1115 : vector<16xi32>
        %slice3A_1117 = vector.extract_strided_slice %min3A_1116 {offsets = [0], sizes = [1], strides = [1]} : vector<16xi32> to vector<1xi32>
        %squeeze3A_1118 = vector.extract %slice3A_1117[0] : i32 from vector<1xi32>
        %jit3A_1119 = arith.constant 16 : i32
        %eq3A_1120 = arith.constant 0 : i32
        %eq3A_1121 = arith.cmpi eq, %jit3A_1119, %eq3A_1120 : i32
        %jit3A_1122 = arith.constant 1 : i32
        %select_n3A_1123 = arith.select %eq3A_1121, %jit3A_1122, %jit3A_1119 : i32
        %rem3A_1124 = arith.remsi %squeeze3A_1118, %select_n3A_1123 : i32
        %ne3A_1125 = arith.constant 0 : i32
        %ne3A_1126 = arith.cmpi ne, %rem3A_1124, %ne3A_1125 : i32
        %lt3A_1127 = arith.constant 0 : i32
        %lt3A_1128 = arith.cmpi slt, %rem3A_1124, %lt3A_1127 : i32
        %lt3A_1129 = arith.constant 0 : i32
        %lt3A_1130 = arith.cmpi slt, %select_n3A_1123, %lt3A_1129 : i32
        %ne3A_1131 = arith.xori %lt3A_1128, %lt3A_1130 : i1
        %and3A_1132 = arith.andi %ne3A_1131, %ne3A_1126 : i1
        %add3A_1133 = arith.addi %rem3A_1124, %select_n3A_1123 : i32
        %select_n3A_1134 = arith.select %and3A_1132, %add3A_1133, %rem3A_1124 : i32
        %mul3A_1135 = arith.constant 256 : i32
        %mul3A_1136 = arith.muli %add3A_797, %mul3A_1135 : i32
        %add3A_1137 = arith.addi %mul3A_1136, %squeeze3A_1118 : i32
        %mul3A_1138 = arith.constant 256 : i32
        %mul3A_1139 = arith.muli %add3A_797, %mul3A_1138 : i32
        %add3A_1140 = arith.addi %mul3A_178, %mul3A_1139 : i32
        %add3A_1141 = arith.addi %add3A_1140, %squeeze3A_1118 : i32
        %sub3A_1142 = arith.subi %add3A_1141, %select_n3A_1134 : i32
        %eq3A_1143 = vector.broadcast %select_n3A_1134 : i32 to vector<16xi32>
        %eq3A_1144 = arith.cmpi eq, %iota3A, %eq3A_1143 : vector<16xi32>
        %get3A_1145 = arith.index_cast %sub3A_1142 : i32 to index
        %get3A_1146 = tpu.vector_load %arg6[%get3A_1145] {strides = array<i32>} : memref<65536xf32, #tpu.memory_space<vmem>>, vector<16xf32>,
        %get3A_1147 = vector.shape_cast %get3A_1146 : vector<16xf32> to vector<16xf32>
        %jit3A_1148 = arith.constant 3.000000e+38 : f32
        %broadcast_in_dim3A_1149 = vector.broadcast %jit3A_1148 : f32 to vector<16xf32>
        %select_n3A_1150 = arith.select %eq3A_1144, %broadcast_in_dim3A_1149, %get3A_1147 : vector<16xi1>, vector<16xf32>
        %swap3A_1151 = arith.index_cast %sub3A_1142 : i32 to index
        %swap3A_1152 = tpu.vector_load %arg6[%swap3A_1151] {strides = array<i32>} : memref<65536xf32, #tpu.memory_space<vmem>>, vector<16xf32>,
        %swap3A_1153 = vector.shape_cast %swap3A_1152 : vector<16xf32> to vector<16xf32>
        %swap3A_1154 = vector.shape_cast %select_n3A_1150 : vector<16xf32> to vector<16xf32>
        tpu.vector_store %arg6[%swap3A_1151], %swap3A_1154 {strides = array<i32>} : memref<65536xf32, #tpu.memory_space<vmem>>, vector<16xf32>,
        %mul3A_1155 = arith.constant 256 : i32
        %mul3A_1156 = arith.muli %add3A_797, %mul3A_1155 : i32
        %add3A_1157 = arith.addi %mul3A_178, %mul3A_1156 : i32
        %add3A_1158 = arith.constant 0 : i32
        %add3A_1159 = arith.addi %add3A_1157, %add3A_1158 : i32
        %get3A_1160 = arith.index_cast %add3A_1159 : i32 to index
        %get3A_1161 = tpu.vector_load %arg6[%get3A_1160] {strides = array<i32>} : memref<65536xf32, #tpu.memory_space<vmem>>, vector<16xf32>,
        %get3A_1162 = vector.shape_cast %get3A_1161 : vector<16xf32> to vector<16xf32>
        %mul3A_1163 = arith.constant 256 : i32
        %mul3A_1164 = arith.muli %add3A_797, %mul3A_1163 : i32
        %add3A_1165 = arith.addi %mul3A_178, %mul3A_1164 : i32
        %add3A_1166 = arith.constant 16 : i32
        %add3A_1167 = arith.addi %add3A_1165, %add3A_1166 : i32
        %get3A_1168 = arith.index_cast %add3A_1167 : i32 to index
        %get3A_1169 = tpu.vector_load %arg6[%get3A_1168] {strides = array<i32>} : memref<65536xf32, #tpu.memory_space<vmem>>, vector<16xf32>,
        %get3A_1170 = vector.shape_cast %get3A_1169 : vector<16xf32> to vector<16xf32>
        %mul3A_1171 = arith.constant 256 : i32
        %mul3A_1172 = arith.muli %add3A_797, %mul3A_1171 : i32
        %add3A_1173 = arith.addi %mul3A_178, %mul3A_1172 : i32
        %add3A_1174 = arith.constant 32 : i32
        %add3A_1175 = arith.addi %add3A_1173, %add3A_1174 : i32
        %get3A_1176 = arith.index_cast %add3A_1175 : i32 to index
        %get3A_1177 = tpu.vector_load %arg6[%get3A_1176] {strides = array<i32>} : memref<65536xf32, #tpu.memory_space<vmem>>, vector<16xf32>,
        %get3A_1178 = vector.shape_cast %get3A_1177 : vector<16xf32> to vector<16xf32>
        %mul3A_1179 = arith.constant 256 : i32
        %mul3A_1180 = arith.muli %add3A_797, %mul3A_1179 : i32
        %add3A_1181 = arith.addi %mul3A_178, %mul3A_1180 : i32
        %add3A_1182 = arith.constant 48 : i32
        %add3A_1183 = arith.addi %add3A_1181, %add3A_1182 : i32
        %get3A_1184 = arith.index_cast %add3A_1183 : i32 to index
        %get3A_1185 = tpu.vector_load %arg6[%get3A_1184] {strides = array<i32>} : memref<65536xf32, #tpu.memory_space<vmem>>, vector<16xf32>,
        %get3A_1186 = vector.shape_cast %get3A_1185 : vector<16xf32> to vector<16xf32>
        %mul3A_1187 = arith.constant 256 : i32
        %mul3A_1188 = arith.muli %add3A_797, %mul3A_1187 : i32
        %add3A_1189 = arith.addi %mul3A_178, %mul3A_1188 : i32
        %add3A_1190 = arith.constant 64 : i32
        %add3A_1191 = arith.addi %add3A_1189, %add3A_1190 : i32
        %get3A_1192 = arith.index_cast %add3A_1191 : i32 to index
        %get3A_1193 = tpu.vector_load %arg6[%get3A_1192] {strides = array<i32>} : memref<65536xf32, #tpu.memory_space<vmem>>, vector<16xf32>,
        %get3A_1194 = vector.shape_cast %get3A_1193 : vector<16xf32> to vector<16xf32>
        %mul3A_1195 = arith.constant 256 : i32
        %mul3A_1196 = arith.muli %add3A_797, %mul3A_1195 : i32
        %add3A_1197 = arith.addi %mul3A_178, %mul3A_1196 : i32
        %add3A_1198 = arith.constant 80 : i32
        %add3A_1199 = arith.addi %add3A_1197, %add3A_1198 : i32
        %get3A_1200 = arith.index_cast %add3A_1199 : i32 to index
        %get3A_1201 = tpu.vector_load %arg6[%get3A_1200] {strides = array<i32>} : memref<65536xf32, #tpu.memory_space<vmem>>, vector<16xf32>,
        %get3A_1202 = vector.shape_cast %get3A_1201 : vector<16xf32> to vector<16xf32>
        %mul3A_1203 = arith.constant 256 : i32
        %mul3A_1204 = arith.muli %add3A_797, %mul3A_1203 : i32
        %add3A_1205 = arith.addi %mul3A_178, %mul3A_1204 : i32
        %add3A_1206 = arith.constant 96 : i32
        %add3A_1207 = arith.addi %add3A_1205, %add3A_1206 : i32
        %get3A_1208 = arith.index_cast %add3A_1207 : i32 to index
        %get3A_1209 = tpu.vector_load %arg6[%get3A_1208] {strides = array<i32>} : memref<65536xf32, #tpu.memory_space<vmem>>, vector<16xf32>,
        %get3A_1210 = vector.shape_cast %get3A_1209 : vector<16xf32> to vector<16xf32>
        %mul3A_1211 = arith.constant 256 : i32
        %mul3A_1212 = arith.muli %add3A_797, %mul3A_1211 : i32
        %add3A_1213 = arith.addi %mul3A_178, %mul3A_1212 : i32
        %add3A_1214 = arith.constant 112 : i32
        %add3A_1215 = arith.addi %add3A_1213, %add3A_1214 : i32
        %get3A_1216 = arith.index_cast %add3A_1215 : i32 to index
        %get3A_1217 = tpu.vector_load %arg6[%get3A_1216] {strides = array<i32>} : memref<65536xf32, #tpu.memory_space<vmem>>, vector<16xf32>,
        %get3A_1218 = vector.shape_cast %get3A_1217 : vector<16xf32> to vector<16xf32>
        %mul3A_1219 = arith.constant 256 : i32
        %mul3A_1220 = arith.muli %add3A_797, %mul3A_1219 : i32
        %add3A_1221 = arith.addi %mul3A_178, %mul3A_1220 : i32
        %add3A_1222 = arith.constant 128 : i32
        %add3A_1223 = arith.addi %add3A_1221, %add3A_1222 : i32
        %get3A_1224 = arith.index_cast %add3A_1223 : i32 to index
        %get3A_1225 = tpu.vector_load %arg6[%get3A_1224] {strides = array<i32>} : memref<65536xf32, #tpu.memory_space<vmem>>, vector<16xf32>,
        %get3A_1226 = vector.shape_cast %get3A_1225 : vector<16xf32> to vector<16xf32>
        %mul3A_1227 = arith.constant 256 : i32
        %mul3A_1228 = arith.muli %add3A_797, %mul3A_1227 : i32
        %add3A_1229 = arith.addi %mul3A_178, %mul3A_1228 : i32
        %add3A_1230 = arith.constant 144 : i32
        %add3A_1231 = arith.addi %add3A_1229, %add3A_1230 : i32
        %get3A_1232 = arith.index_cast %add3A_1231 : i32 to index
        %get3A_1233 = tpu.vector_load %arg6[%get3A_1232] {strides = array<i32>} : memref<65536xf32, #tpu.memory_space<vmem>>, vector<16xf32>,
        %get3A_1234 = vector.shape_cast %get3A_1233 : vector<16xf32> to vector<16xf32>
        %mul3A_1235 = arith.constant 256 : i32
        %mul3A_1236 = arith.muli %add3A_797, %mul3A_1235 : i32
        %add3A_1237 = arith.addi %mul3A_178, %mul3A_1236 : i32
        %add3A_1238 = arith.constant 160 : i32
        %add3A_1239 = arith.addi %add3A_1237, %add3A_1238 : i32
        %get3A_1240 = arith.index_cast %add3A_1239 : i32 to index
        %get3A_1241 = tpu.vector_load %arg6[%get3A_1240] {strides = array<i32>} : memref<65536xf32, #tpu.memory_space<vmem>>, vector<16xf32>,
        %get3A_1242 = vector.shape_cast %get3A_1241 : vector<16xf32> to vector<16xf32>
        %mul3A_1243 = arith.constant 256 : i32
        %mul3A_1244 = arith.muli %add3A_797, %mul3A_1243 : i32
        %add3A_1245 = arith.addi %mul3A_178, %mul3A_1244 : i32
        %add3A_1246 = arith.constant 176 : i32
        %add3A_1247 = arith.addi %add3A_1245, %add3A_1246 : i32
        %get3A_1248 = arith.index_cast %add3A_1247 : i32 to index
        %get3A_1249 = tpu.vector_load %arg6[%get3A_1248] {strides = array<i32>} : memref<65536xf32, #tpu.memory_space<vmem>>, vector<16xf32>,
        %get3A_1250 = vector.shape_cast %get3A_1249 : vector<16xf32> to vector<16xf32>
        %mul3A_1251 = arith.constant 256 : i32
        %mul3A_1252 = arith.muli %add3A_797, %mul3A_1251 : i32
        %add3A_1253 = arith.addi %mul3A_178, %mul3A_1252 : i32
        %add3A_1254 = arith.constant 192 : i32
        %add3A_1255 = arith.addi %add3A_1253, %add3A_1254 : i32
        %get3A_1256 = arith.index_cast %add3A_1255 : i32 to index
        %get3A_1257 = tpu.vector_load %arg6[%get3A_1256] {strides = array<i32>} : memref<65536xf32, #tpu.memory_space<vmem>>, vector<16xf32>,
        %get3A_1258 = vector.shape_cast %get3A_1257 : vector<16xf32> to vector<16xf32>
        %mul3A_1259 = arith.constant 256 : i32
        %mul3A_1260 = arith.muli %add3A_797, %mul3A_1259 : i32
        %add3A_1261 = arith.addi %mul3A_178, %mul3A_1260 : i32
        %add3A_1262 = arith.constant 208 : i32
        %add3A_1263 = arith.addi %add3A_1261, %add3A_1262 : i32
        %get3A_1264 = arith.index_cast %add3A_1263 : i32 to index
        %get3A_1265 = tpu.vector_load %arg6[%get3A_1264] {strides = array<i32>} : memref<65536xf32, #tpu.memory_space<vmem>>, vector<16xf32>,
        %get3A_1266 = vector.shape_cast %get3A_1265 : vector<16xf32> to vector<16xf32>
        %mul3A_1267 = arith.constant 256 : i32
        %mul3A_1268 = arith.muli %add3A_797, %mul3A_1267 : i32
        %add3A_1269 = arith.addi %mul3A_178, %mul3A_1268 : i32
        %add3A_1270 = arith.constant 224 : i32
        %add3A_1271 = arith.addi %add3A_1269, %add3A_1270 : i32
        %get3A_1272 = arith.index_cast %add3A_1271 : i32 to index
        %get3A_1273 = tpu.vector_load %arg6[%get3A_1272] {strides = array<i32>} : memref<65536xf32, #tpu.memory_space<vmem>>, vector<16xf32>,
        %get3A_1274 = vector.shape_cast %get3A_1273 : vector<16xf32> to vector<16xf32>
        %mul3A_1275 = arith.constant 256 : i32
        %mul3A_1276 = arith.muli %add3A_797, %mul3A_1275 : i32
        %add3A_1277 = arith.addi %mul3A_178, %mul3A_1276 : i32
        %add3A_1278 = arith.constant 240 : i32
        %add3A_1279 = arith.addi %add3A_1277, %add3A_1278 : i32
        %get3A_1280 = arith.index_cast %add3A_1279 : i32 to index
        %get3A_1281 = tpu.vector_load %arg6[%get3A_1280] {strides = array<i32>} : memref<65536xf32, #tpu.memory_space<vmem>>, vector<16xf32>,
        %get3A_1282 = vector.shape_cast %get3A_1281 : vector<16xf32> to vector<16xf32>
        %min3A_1283 = arith.minimumf %get3A_1162, %get3A_1226 : vector<16xf32>
        %min3A_1284 = arith.minimumf %get3A_1170, %get3A_1234 : vector<16xf32>
        %min3A_1285 = arith.minimumf %get3A_1178, %get3A_1242 : vector<16xf32>
        %min3A_1286 = arith.minimumf %get3A_1186, %get3A_1250 : vector<16xf32>
        %min3A_1287 = arith.minimumf %get3A_1194, %get3A_1258 : vector<16xf32>
        %min3A_1288 = arith.minimumf %get3A_1202, %get3A_1266 : vector<16xf32>
        %min3A_1289 = arith.minimumf %get3A_1210, %get3A_1274 : vector<16xf32>
        %min3A_1290 = arith.minimumf %get3A_1218, %get3A_1282 : vector<16xf32>
        %min3A_1291 = arith.minimumf %min3A_1283, %min3A_1287 : vector<16xf32>
        %min3A_1292 = arith.minimumf %min3A_1284, %min3A_1288 : vector<16xf32>
        %min3A_1293 = arith.minimumf %min3A_1285, %min3A_1289 : vector<16xf32>
        %min3A_1294 = arith.minimumf %min3A_1286, %min3A_1290 : vector<16xf32>
        %min3A_1295 = arith.minimumf %min3A_1291, %min3A_1293 : vector<16xf32>
        %min3A_1296 = arith.minimumf %min3A_1292, %min3A_1294 : vector<16xf32>
        %min3A_1297 = arith.minimumf %min3A_1295, %min3A_1296 : vector<16xf32>
        %mul3A_1298 = arith.constant 16 : i32
        %mul3A_1299 = arith.muli %add3A_797, %mul3A_1298 : i32
        %swap3A_1300 = arith.index_cast %mul3A_1299 : i32 to index
        %swap3A_1301 = tpu.vector_load %arg7[%swap3A_1300] {strides = array<i32>} : memref<2048xf32, #tpu.memory_space<vmem>>, vector<16xf32>,
        %swap3A_1302 = vector.shape_cast %swap3A_1301 : vector<16xf32> to vector<16xf32>
        %swap3A_1303 = vector.shape_cast %min3A_1297 : vector<16xf32> to vector<16xf32>
        tpu.vector_store %arg7[%swap3A_1300], %swap3A_1303 {strides = array<i32>} : memref<2048xf32, #tpu.memory_space<vmem>>, vector<16xf32>,
        %mul3A_1304 = arith.constant 256 : i32
        %mul3A_1305 = arith.muli %select_n3A_465, %mul3A_1304 : i32
        %add3A_1306 = arith.constant 0 : i32
        %add3A_1307 = arith.addi %mul3A_1305, %add3A_1306 : i32
        %get3A_1308 = arith.index_cast %add3A_1307 : i32 to index
        %get3A_1309 = tpu.vector_load %arg7[%get3A_1308] {strides = array<i32>} : memref<2048xf32, #tpu.memory_space<vmem>>, vector<16xf32>,
        %get3A_1310 = vector.shape_cast %get3A_1309 : vector<16xf32> to vector<16xf32>
        %mul3A_1311 = arith.constant 256 : i32
        %mul3A_1312 = arith.muli %select_n3A_465, %mul3A_1311 : i32
        %add3A_1313 = arith.constant 16 : i32
        %add3A_1314 = arith.addi %mul3A_1312, %add3A_1313 : i32
        %get3A_1315 = arith.index_cast %add3A_1314 : i32 to index
        %get3A_1316 = tpu.vector_load %arg7[%get3A_1315] {strides = array<i32>} : memref<2048xf32, #tpu.memory_space<vmem>>, vector<16xf32>,
        %get3A_1317 = vector.shape_cast %get3A_1316 : vector<16xf32> to vector<16xf32>
        %mul3A_1318 = arith.constant 256 : i32
        %mul3A_1319 = arith.muli %select_n3A_465, %mul3A_1318 : i32
        %add3A_1320 = arith.constant 32 : i32
        %add3A_1321 = arith.addi %mul3A_1319, %add3A_1320 : i32
        %get3A_1322 = arith.index_cast %add3A_1321 : i32 to index
        %get3A_1323 = tpu.vector_load %arg7[%get3A_1322] {strides = array<i32>} : memref<2048xf32, #tpu.memory_space<vmem>>, vector<16xf32>,
        %get3A_1324 = vector.shape_cast %get3A_1323 : vector<16xf32> to vector<16xf32>
        %mul3A_1325 = arith.constant 256 : i32
        %mul3A_1326 = arith.muli %select_n3A_465, %mul3A_1325 : i32
        %add3A_1327 = arith.constant 48 : i32
        %add3A_1328 = arith.addi %mul3A_1326, %add3A_1327 : i32
        %get3A_1329 = arith.index_cast %add3A_1328 : i32 to index
        %get3A_1330 = tpu.vector_load %arg7[%get3A_1329] {strides = array<i32>} : memref<2048xf32, #tpu.memory_space<vmem>>, vector<16xf32>,
        %get3A_1331 = vector.shape_cast %get3A_1330 : vector<16xf32> to vector<16xf32>
        %mul3A_1332 = arith.constant 256 : i32
        %mul3A_1333 = arith.muli %select_n3A_465, %mul3A_1332 : i32
        %add3A_1334 = arith.constant 64 : i32
        %add3A_1335 = arith.addi %mul3A_1333, %add3A_1334 : i32
        %get3A_1336 = arith.index_cast %add3A_1335 : i32 to index
        %get3A_1337 = tpu.vector_load %arg7[%get3A_1336] {strides = array<i32>} : memref<2048xf32, #tpu.memory_space<vmem>>, vector<16xf32>,
        %get3A_1338 = vector.shape_cast %get3A_1337 : vector<16xf32> to vector<16xf32>
        %mul3A_1339 = arith.constant 256 : i32
        %mul3A_1340 = arith.muli %select_n3A_465, %mul3A_1339 : i32
        %add3A_1341 = arith.constant 80 : i32
        %add3A_1342 = arith.addi %mul3A_1340, %add3A_1341 : i32
        %get3A_1343 = arith.index_cast %add3A_1342 : i32 to index
        %get3A_1344 = tpu.vector_load %arg7[%get3A_1343] {strides = array<i32>} : memref<2048xf32, #tpu.memory_space<vmem>>, vector<16xf32>,
        %get3A_1345 = vector.shape_cast %get3A_1344 : vector<16xf32> to vector<16xf32>
        %mul3A_1346 = arith.constant 256 : i32
        %mul3A_1347 = arith.muli %select_n3A_465, %mul3A_1346 : i32
        %add3A_1348 = arith.constant 96 : i32
        %add3A_1349 = arith.addi %mul3A_1347, %add3A_1348 : i32
        %get3A_1350 = arith.index_cast %add3A_1349 : i32 to index
        %get3A_1351 = tpu.vector_load %arg7[%get3A_1350] {strides = array<i32>} : memref<2048xf32, #tpu.memory_space<vmem>>, vector<16xf32>,
        %get3A_1352 = vector.shape_cast %get3A_1351 : vector<16xf32> to vector<16xf32>
        %mul3A_1353 = arith.constant 256 : i32
        %mul3A_1354 = arith.muli %select_n3A_465, %mul3A_1353 : i32
        %add3A_1355 = arith.constant 112 : i32
        %add3A_1356 = arith.addi %mul3A_1354, %add3A_1355 : i32
        %get3A_1357 = arith.index_cast %add3A_1356 : i32 to index
        %get3A_1358 = tpu.vector_load %arg7[%get3A_1357] {strides = array<i32>} : memref<2048xf32, #tpu.memory_space<vmem>>, vector<16xf32>,
        %get3A_1359 = vector.shape_cast %get3A_1358 : vector<16xf32> to vector<16xf32>
        %mul3A_1360 = arith.constant 256 : i32
        %mul3A_1361 = arith.muli %select_n3A_465, %mul3A_1360 : i32
        %add3A_1362 = arith.constant 128 : i32
        %add3A_1363 = arith.addi %mul3A_1361, %add3A_1362 : i32
        %get3A_1364 = arith.index_cast %add3A_1363 : i32 to index
        %get3A_1365 = tpu.vector_load %arg7[%get3A_1364] {strides = array<i32>} : memref<2048xf32, #tpu.memory_space<vmem>>, vector<16xf32>,
        %get3A_1366 = vector.shape_cast %get3A_1365 : vector<16xf32> to vector<16xf32>
        %mul3A_1367 = arith.constant 256 : i32
        %mul3A_1368 = arith.muli %select_n3A_465, %mul3A_1367 : i32
        %add3A_1369 = arith.constant 144 : i32
        %add3A_1370 = arith.addi %mul3A_1368, %add3A_1369 : i32
        %get3A_1371 = arith.index_cast %add3A_1370 : i32 to index
        %get3A_1372 = tpu.vector_load %arg7[%get3A_1371] {strides = array<i32>} : memref<2048xf32, #tpu.memory_space<vmem>>, vector<16xf32>,
        %get3A_1373 = vector.shape_cast %get3A_1372 : vector<16xf32> to vector<16xf32>
        %mul3A_1374 = arith.constant 256 : i32
        %mul3A_1375 = arith.muli %select_n3A_465, %mul3A_1374 : i32
        %add3A_1376 = arith.constant 160 : i32
        %add3A_1377 = arith.addi %mul3A_1375, %add3A_1376 : i32
        %get3A_1378 = arith.index_cast %add3A_1377 : i32 to index
        %get3A_1379 = tpu.vector_load %arg7[%get3A_1378] {strides = array<i32>} : memref<2048xf32, #tpu.memory_space<vmem>>, vector<16xf32>,
        %get3A_1380 = vector.shape_cast %get3A_1379 : vector<16xf32> to vector<16xf32>
        %mul3A_1381 = arith.constant 256 : i32
        %mul3A_1382 = arith.muli %select_n3A_465, %mul3A_1381 : i32
        %add3A_1383 = arith.constant 176 : i32
        %add3A_1384 = arith.addi %mul3A_1382, %add3A_1383 : i32
        %get3A_1385 = arith.index_cast %add3A_1384 : i32 to index
        %get3A_1386 = tpu.vector_load %arg7[%get3A_1385] {strides = array<i32>} : memref<2048xf32, #tpu.memory_space<vmem>>, vector<16xf32>,
        %get3A_1387 = vector.shape_cast %get3A_1386 : vector<16xf32> to vector<16xf32>
        %mul3A_1388 = arith.constant 256 : i32
        %mul3A_1389 = arith.muli %select_n3A_465, %mul3A_1388 : i32
        %add3A_1390 = arith.constant 192 : i32
        %add3A_1391 = arith.addi %mul3A_1389, %add3A_1390 : i32
        %get3A_1392 = arith.index_cast %add3A_1391 : i32 to index
        %get3A_1393 = tpu.vector_load %arg7[%get3A_1392] {strides = array<i32>} : memref<2048xf32, #tpu.memory_space<vmem>>, vector<16xf32>,
        %get3A_1394 = vector.shape_cast %get3A_1393 : vector<16xf32> to vector<16xf32>
        %mul3A_1395 = arith.constant 256 : i32
        %mul3A_1396 = arith.muli %select_n3A_465, %mul3A_1395 : i32
        %add3A_1397 = arith.constant 208 : i32
        %add3A_1398 = arith.addi %mul3A_1396, %add3A_1397 : i32
        %get3A_1399 = arith.index_cast %add3A_1398 : i32 to index
        %get3A_1400 = tpu.vector_load %arg7[%get3A_1399] {strides = array<i32>} : memref<2048xf32, #tpu.memory_space<vmem>>, vector<16xf32>,
        %get3A_1401 = vector.shape_cast %get3A_1400 : vector<16xf32> to vector<16xf32>
        %mul3A_1402 = arith.constant 256 : i32
        %mul3A_1403 = arith.muli %select_n3A_465, %mul3A_1402 : i32
        %add3A_1404 = arith.constant 224 : i32
        %add3A_1405 = arith.addi %mul3A_1403, %add3A_1404 : i32
        %get3A_1406 = arith.index_cast %add3A_1405 : i32 to index
        %get3A_1407 = tpu.vector_load %arg7[%get3A_1406] {strides = array<i32>} : memref<2048xf32, #tpu.memory_space<vmem>>, vector<16xf32>,
        %get3A_1408 = vector.shape_cast %get3A_1407 : vector<16xf32> to vector<16xf32>
        %mul3A_1409 = arith.constant 256 : i32
        %mul3A_1410 = arith.muli %select_n3A_465, %mul3A_1409 : i32
        %add3A_1411 = arith.constant 240 : i32
        %add3A_1412 = arith.addi %mul3A_1410, %add3A_1411 : i32
        %get3A_1413 = arith.index_cast %add3A_1412 : i32 to index
        %get3A_1414 = tpu.vector_load %arg7[%get3A_1413] {strides = array<i32>} : memref<2048xf32, #tpu.memory_space<vmem>>, vector<16xf32>,
        %get3A_1415 = vector.shape_cast %get3A_1414 : vector<16xf32> to vector<16xf32>
        %min3A_1416 = arith.minimumf %get3A_1310, %get3A_1366 : vector<16xf32>
        %min3A_1417 = arith.minimumf %get3A_1317, %get3A_1373 : vector<16xf32>
        %min3A_1418 = arith.minimumf %get3A_1324, %get3A_1380 : vector<16xf32>
        %min3A_1419 = arith.minimumf %get3A_1331, %get3A_1387 : vector<16xf32>
        %min3A_1420 = arith.minimumf %get3A_1338, %get3A_1394 : vector<16xf32>
        %min3A_1421 = arith.minimumf %get3A_1345, %get3A_1401 : vector<16xf32>
        %min3A_1422 = arith.minimumf %get3A_1352, %get3A_1408 : vector<16xf32>
        %min3A_1423 = arith.minimumf %get3A_1359, %get3A_1415 : vector<16xf32>
        %min3A_1424 = arith.minimumf %min3A_1416, %min3A_1420 : vector<16xf32>
        %min3A_1425 = arith.minimumf %min3A_1417, %min3A_1421 : vector<16xf32>
        %min3A_1426 = arith.minimumf %min3A_1418, %min3A_1422 : vector<16xf32>
        %min3A_1427 = arith.minimumf %min3A_1419, %min3A_1423 : vector<16xf32>
        %min3A_1428 = arith.minimumf %min3A_1424, %min3A_1426 : vector<16xf32>
        %min3A_1429 = arith.minimumf %min3A_1425, %min3A_1427 : vector<16xf32>
        %min3A_1430 = arith.minimumf %min3A_1428, %min3A_1429 : vector<16xf32>
        %mul3A_1431 = arith.constant 16 : i32
        %mul3A_1432 = arith.muli %select_n3A_465, %mul3A_1431 : i32
        %swap3A_1433 = arith.index_cast %mul3A_1432 : i32 to index
        %swap3A_1434 = tpu.vector_load %arg8[%swap3A_1433] {strides = array<i32>} : memref<128xf32, #tpu.memory_space<vmem>>, vector<16xf32>,
        %swap3A_1435 = vector.shape_cast %swap3A_1434 : vector<16xf32> to vector<16xf32>
        %swap3A_1436 = vector.shape_cast %min3A_1430 : vector<16xf32> to vector<16xf32>
        tpu.vector_store %arg8[%swap3A_1433], %swap3A_1436 {strides = array<i32>} : memref<128xf32, #tpu.memory_space<vmem>>, vector<16xf32>,
        %eq3A_1437 = vector.broadcast %scan3A_246 : i32 to vector<16xi32>
        %eq3A_1438 = arith.cmpi eq, %iota3A, %eq3A_1437 : vector<16xi32>
        %get3A_1439 = arith.index_cast %mul3A_237 : i32 to index
        %get3A_1440 = tpu.vector_load %arg9[%get3A_1439] {strides = array<i32>} : memref<1024xi32, #tpu.memory_space<vmem>>, vector<16xi32>,
        %get3A_1441 = vector.shape_cast %get3A_1440 : vector<16xi32> to vector<16xi32>
        %broadcast_in_dim3A_1442 = vector.broadcast %add3A_1137 : i32 to vector<16xi32>
        %select_n3A_1443 = arith.select %eq3A_1438, %broadcast_in_dim3A_1442, %get3A_1441 : vector<16xi1>, vector<16xi32>
        %swap3A_1444 = arith.index_cast %mul3A_237 : i32 to index
        %swap3A_1445 = tpu.vector_load %arg9[%swap3A_1444] {strides = array<i32>} : memref<1024xi32, #tpu.memory_space<vmem>>, vector<16xi32>,
        %swap3A_1446 = vector.shape_cast %swap3A_1445 : vector<16xi32> to vector<16xi32>
        %swap3A_1447 = vector.shape_cast %select_n3A_1443 : vector<16xi32> to vector<16xi32>
        tpu.vector_store %arg9[%swap3A_1444], %swap3A_1447 {strides = array<i32>} : memref<1024xi32, #tpu.memory_space<vmem>>, vector<16xi32>,
        %sub3A_1448 = arith.constant 16 : i32
        %sub3A_1449 = arith.subi %scan3A_246, %sub3A_1448 : i32
        %eq3A_1450 = vector.broadcast %sub3A_1449 : i32 to vector<16xi32>
        %eq3A_1451 = arith.cmpi eq, %iota3A, %eq3A_1450 : vector<16xi32>
        %add3A_1452 = arith.constant 16 : i32
        %add3A_1453 = arith.addi %mul3A_237, %add3A_1452 : i32
        %get3A_1454 = arith.index_cast %add3A_1453 : i32 to index
        %get3A_1455 = tpu.vector_load %arg9[%get3A_1454] {strides = array<i32>} : memref<1024xi32, #tpu.memory_space<vmem>>, vector<16xi32>,
        %get3A_1456 = vector.shape_cast %get3A_1455 : vector<16xi32> to vector<16xi32>
        %broadcast_in_dim3A_1457 = vector.broadcast %add3A_1137 : i32 to vector<16xi32>
        %select_n3A_1458 = arith.select %eq3A_1451, %broadcast_in_dim3A_1457, %get3A_1456 : vector<16xi1>, vector<16xi32>
        %add3A_1459 = arith.constant 16 : i32
        %add3A_1460 = arith.addi %mul3A_237, %add3A_1459 : i32
        %swap3A_1461 = arith.index_cast %add3A_1460 : i32 to index
        %swap3A_1462 = tpu.vector_load %arg9[%swap3A_1461] {strides = array<i32>} : memref<1024xi32, #tpu.memory_space<vmem>>, vector<16xi32>,
        %swap3A_1463 = vector.shape_cast %swap3A_1462 : vector<16xi32> to vector<16xi32>
        %swap3A_1464 = vector.shape_cast %select_n3A_1458 : vector<16xi32> to vector<16xi32>
        tpu.vector_store %arg9[%swap3A_1461], %swap3A_1464 {strides = array<i32>} : memref<1024xi32, #tpu.memory_space<vmem>>, vector<16xi32>,
        %eq3A_1465 = vector.broadcast %scan3A_246 : i32 to vector<16xi32>
        %eq3A_1466 = arith.cmpi eq, %iota3A, %eq3A_1465 : vector<16xi32>
        %get3A_1467 = arith.index_cast %mul3A_237 : i32 to index
        %get3A_1468 = tpu.vector_load %arg10[%get3A_1467] {strides = array<i32>} : memref<1024xf32, #tpu.memory_space<vmem>>, vector<16xf32>,
        %get3A_1469 = vector.shape_cast %get3A_1468 : vector<16xf32> to vector<16xf32>
        %broadcast_in_dim3A_1470 = vector.broadcast %squeeze3A : f32 to vector<16xf32>
        %select_n3A_1471 = arith.select %eq3A_1466, %broadcast_in_dim3A_1470, %get3A_1469 : vector<16xi1>, vector<16xf32>
        %swap3A_1472 = arith.index_cast %mul3A_237 : i32 to index
        %swap3A_1473 = tpu.vector_load %arg10[%swap3A_1472] {strides = array<i32>} : memref<1024xf32, #tpu.memory_space<vmem>>, vector<16xf32>,
        %swap3A_1474 = vector.shape_cast %swap3A_1473 : vector<16xf32> to vector<16xf32>
        %swap3A_1475 = vector.shape_cast %select_n3A_1471 : vector<16xf32> to vector<16xf32>
        tpu.vector_store %arg10[%swap3A_1472], %swap3A_1475 {strides = array<i32>} : memref<1024xf32, #tpu.memory_space<vmem>>, vector<16xf32>,
        %sub3A_1476 = arith.constant 16 : i32
        %sub3A_1477 = arith.subi %scan3A_246, %sub3A_1476 : i32
        %eq3A_1478 = vector.broadcast %sub3A_1477 : i32 to vector<16xi32>
        %eq3A_1479 = arith.cmpi eq, %iota3A, %eq3A_1478 : vector<16xi32>
        %add3A_1480 = arith.constant 16 : i32
        %add3A_1481 = arith.addi %mul3A_237, %add3A_1480 : i32
        %get3A_1482 = arith.index_cast %add3A_1481 : i32 to index
        %get3A_1483 = tpu.vector_load %arg10[%get3A_1482] {strides = array<i32>} : memref<1024xf32, #tpu.memory_space<vmem>>, vector<16xf32>,
        %get3A_1484 = vector.shape_cast %get3A_1483 : vector<16xf32> to vector<16xf32>
        %broadcast_in_dim3A_1485 = vector.broadcast %squeeze3A : f32 to vector<16xf32>
        %select_n3A_1486 = arith.select %eq3A_1479, %broadcast_in_dim3A_1485, %get3A_1484 : vector<16xi1>, vector<16xf32>
        %add3A_1487 = arith.constant 16 : i32
        %add3A_1488 = arith.addi %mul3A_237, %add3A_1487 : i32
        %swap3A_1489 = arith.index_cast %add3A_1488 : i32 to index
        %swap3A_1490 = tpu.vector_load %arg10[%swap3A_1489] {strides = array<i32>} : memref<1024xf32, #tpu.memory_space<vmem>>, vector<16xf32>,
        %swap3A_1491 = vector.shape_cast %swap3A_1490 : vector<16xf32> to vector<16xf32>
        %swap3A_1492 = vector.shape_cast %select_n3A_1486 : vector<16xf32> to vector<16xf32>
        tpu.vector_store %arg10[%swap3A_1489], %swap3A_1492 {strides = array<i32>} : memref<1024xf32, #tpu.memory_space<vmem>>, vector<16xf32>,
        %scan3A_1493 = arith.constant 0 : i32
        scf.yield %scan3A_1493 : i32
      }
      %scan3A_244 = arith.constant 32 : i32
      %scan3A_245 = arith.constant 0 : i32
      scf.yield %scan3A_245 : i32
    }
    %scan3A_17 = arith.constant 32 : i32
    %dma_wait3A = arith.constant 0 : i32
    %dma_wait3A_18 = arith.constant 0 : i32
    %dma_wait3A_19 = tpu.memref_slice %arg6[%dma_wait3A_18] : memref<65536xf32, #tpu.memory_space<vmem>> -> memref<32768xf32, #tpu.memory_space<vmem>>
    %dma_wait3A_20 = arith.constant 0 : i32
    %dma_wait3A_21 = tpu.memref_slice %arg2[%dma_wait3A, %dma_wait3A_20] : memref<1024x32768xf32, #tpu.memory_space<hbm>> -> memref<1x32768xf32, #tpu.memory_space<hbm>>
    %dma_wait3A_22 = tpu.memref_squeeze %dma_wait3A_21 : memref<1x32768xf32, #tpu.memory_space<hbm>> -> memref<32768xf32, #tpu.memory_space<hbm>>
    %dma_wait3A_23 = arith.constant 0 : i32
    %dma_wait3A_24 = tpu.memref_slice %arg6[%dma_wait3A_23] : memref<65536xf32, #tpu.memory_space<vmem>> -> memref<32768xf32, #tpu.memory_space<vmem>>
    %dma_wait3A_25 = arith.constant 0 : i32
    %dma_wait3A_26 = tpu.memref_slice %arg2[%dma_wait3A, %dma_wait3A_25] : memref<1024x32768xf32, #tpu.memory_space<hbm>> -> memref<1x32768xf32, #tpu.memory_space<hbm>>
    %dma_wait3A_27 = tpu.memref_squeeze %dma_wait3A_26 : memref<1x32768xf32, #tpu.memory_space<hbm>> -> memref<32768xf32, #tpu.memory_space<hbm>>
    tpu.wait_dma2 semaphore(%arg15 : memref<!tpu.dma_semaphore, #tpu.memory_space<semaphore_mem>>) src(%dma_wait3A_27 : memref<32768xf32, #tpu.memory_space<hbm>>) dst(%dma_wait3A_24 : memref<32768xf32, #tpu.memory_space<vmem>>)
    %mul3A_28 = arith.constant 1024 : i32
    %mul3A_29 = arith.muli %add3A, %mul3A_28 : i32
    %dma_start3A_30 = arith.constant 0 : i32
    %dma_start3A_31 = arith.constant 0 : i32
    %dma_start3A_32 = tpu.memref_slice %arg11[%dma_start3A_30, %dma_start3A_31] : memref<256x128xf32, #tpu.memory_space<vmem>> -> memref<128x128xf32, #tpu.memory_space<vmem>>
    %dma_start3A_33 = arith.constant 0 : i32
    %dma_start3A_34 = tpu.memref_slice %arg9[%dma_start3A_33] : memref<1024xi32, #tpu.memory_space<vmem>> -> memref<128xi32, #tpu.memory_space<vmem>>
    %dma_start3A_35 = arith.constant 0 : i32
    %dma_start3A_36 = arith.constant 0 : i32
    %dma_start3A_37 = tpu.memref_slice %arg3[%dma_start3A_35, %dma_start3A_36] : memref<32768x128xf32, #tpu.memory_space<hbm>> -> memref<32768x128xf32, #tpu.memory_space<hbm>>
    tpu.enqueue_indirect_dma source(%dma_start3A_37 : memref<32768x128xf32, #tpu.memory_space<hbm>>) target(%dma_start3A_32 : memref<128x128xf32, #tpu.memory_space<vmem>>) offsets(%dma_start3A_34 : memref<128xi32, #tpu.memory_space<vmem>>) semaphore(%arg14 : memref<!tpu.dma_semaphore, #tpu.memory_space<semaphore_mem>>)
    %dma_start3A_38 = arith.constant 128 : i32
    %dma_start3A_39 = arith.constant 0 : i32
    %dma_start3A_40 = tpu.memref_slice %arg11[%dma_start3A_38, %dma_start3A_39] : memref<256x128xf32, #tpu.memory_space<vmem>> -> memref<128x128xf32, #tpu.memory_space<vmem>>
    %dma_start3A_41 = arith.constant 128 : i32
    %dma_start3A_42 = tpu.memref_slice %arg9[%dma_start3A_41] : memref<1024xi32, #tpu.memory_space<vmem>> -> memref<128xi32, #tpu.memory_space<vmem>>
    %dma_start3A_43 = arith.constant 0 : i32
    %dma_start3A_44 = arith.constant 0 : i32
    %dma_start3A_45 = tpu.memref_slice %arg3[%dma_start3A_43, %dma_start3A_44] : memref<32768x128xf32, #tpu.memory_space<hbm>> -> memref<32768x128xf32, #tpu.memory_space<hbm>>
    tpu.enqueue_indirect_dma source(%dma_start3A_45 : memref<32768x128xf32, #tpu.memory_space<hbm>>) target(%dma_start3A_40 : memref<128x128xf32, #tpu.memory_space<vmem>>) offsets(%dma_start3A_42 : memref<128xi32, #tpu.memory_space<vmem>>) semaphore(%arg14 : memref<!tpu.dma_semaphore, #tpu.memory_space<semaphore_mem>>)
    %dma_wait3A_46 = arith.constant 0 : i32
    %dma_wait3A_47 = arith.constant 0 : i32
    %dma_wait3A_48 = tpu.memref_slice %arg11[%dma_wait3A_46, %dma_wait3A_47] : memref<256x128xf32, #tpu.memory_space<vmem>> -> memref<128x128xf32, #tpu.memory_space<vmem>>
    %dma_wait3A_49 = arith.constant 0 : i32
    %dma_wait3A_50 = tpu.memref_slice %arg9[%dma_wait3A_49] : memref<1024xi32, #tpu.memory_space<vmem>> -> memref<128xi32, #tpu.memory_space<vmem>>
    %dma_wait3A_51 = arith.constant 0 : i32
    %dma_wait3A_52 = arith.constant 0 : i32
    %dma_wait3A_53 = tpu.memref_slice %arg3[%dma_wait3A_51, %dma_wait3A_52] : memref<32768x128xf32, #tpu.memory_space<hbm>> -> memref<32768x128xf32, #tpu.memory_space<hbm>>
    tpu.wait_indirect_dma semaphore(%arg14 : memref<!tpu.dma_semaphore, #tpu.memory_space<semaphore_mem>>) src(%dma_wait3A_53 : memref<32768x128xf32, #tpu.memory_space<hbm>>) dst(%dma_wait3A_48 : memref<128x128xf32, #tpu.memory_space<vmem>>)
    %dma_wait3A_54 = arith.constant 128 : i32
    %dma_wait3A_55 = arith.constant 0 : i32
    %dma_wait3A_56 = tpu.memref_slice %arg11[%dma_wait3A_54, %dma_wait3A_55] : memref<256x128xf32, #tpu.memory_space<vmem>> -> memref<128x128xf32, #tpu.memory_space<vmem>>
    %dma_wait3A_57 = arith.constant 128 : i32
    %dma_wait3A_58 = tpu.memref_slice %arg9[%dma_wait3A_57] : memref<1024xi32, #tpu.memory_space<vmem>> -> memref<128xi32, #tpu.memory_space<vmem>>
    %dma_wait3A_59 = arith.constant 0 : i32
    %dma_wait3A_60 = arith.constant 0 : i32
    %dma_wait3A_61 = tpu.memref_slice %arg3[%dma_wait3A_59, %dma_wait3A_60] : memref<32768x128xf32, #tpu.memory_space<hbm>> -> memref<32768x128xf32, #tpu.memory_space<hbm>>
    tpu.wait_indirect_dma semaphore(%arg14 : memref<!tpu.dma_semaphore, #tpu.memory_space<semaphore_mem>>) src(%dma_wait3A_61 : memref<32768x128xf32, #tpu.memory_space<hbm>>) dst(%dma_wait3A_56 : memref<128x128xf32, #tpu.memory_space<vmem>>)
    %add3A_62 = arith.constant 0 : i32
    %add3A_63 = arith.addi %mul3A_29, %add3A_62 : i32
    "tpu.region"() ({
      %run_scoped3A = tpu.sem_alloc : memref<!tpu.dma_semaphore, #tpu.memory_space<semaphore_mem>>
      %dma_start3A_166 = arith.constant 0 : i32
      %dma_start3A_167 = tpu.memref_slice %arg4[%add3A_63, %dma_start3A_166] : memref<32768x128xf32, #tpu.memory_space<hbm>> -> memref<256x128xf32, #tpu.memory_space<hbm>>
      %dma_start3A_168 = arith.constant 0 : i32
      %dma_start3A_169 = tpu.memref_slice %arg4[%add3A_63, %dma_start3A_168] : memref<32768x128xf32, #tpu.memory_space<hbm>> -> memref<256x128xf32, #tpu.memory_space<hbm>>
      tpu.enqueue_dma source(%arg11 : memref<256x128xf32, #tpu.memory_space<vmem>>) target(%dma_start3A_169 : memref<256x128xf32, #tpu.memory_space<hbm>>) target_semaphore(%run_scoped3A : memref<!tpu.dma_semaphore, #tpu.memory_space<semaphore_mem>>)
      %dma_wait3A_170 = arith.constant 0 : i32
      %dma_wait3A_171 = tpu.memref_slice %arg4[%add3A_63, %dma_wait3A_170] : memref<32768x128xf32, #tpu.memory_space<hbm>> -> memref<256x128xf32, #tpu.memory_space<hbm>>
      %dma_wait3A_172 = arith.constant 0 : i32
      %dma_wait3A_173 = tpu.memref_slice %arg4[%add3A_63, %dma_wait3A_172] : memref<32768x128xf32, #tpu.memory_space<hbm>> -> memref<256x128xf32, #tpu.memory_space<hbm>>
      tpu.wait_dma2 semaphore(%run_scoped3A : memref<!tpu.dma_semaphore, #tpu.memory_space<semaphore_mem>>) src(%arg11 : memref<256x128xf32, #tpu.memory_space<vmem>>) dst(%dma_wait3A_173 : memref<256x128xf32, #tpu.memory_space<hbm>>)
      tpu.yield
    }) : () -> ()
    %dma_start3A_64 = arith.constant 0 : i32
    %dma_start3A_65 = arith.constant 0 : i32
    %dma_start3A_66 = tpu.memref_slice %arg11[%dma_start3A_64, %dma_start3A_65] : memref<256x128xf32, #tpu.memory_space<vmem>> -> memref<128x128xf32, #tpu.memory_space<vmem>>
    %dma_start3A_67 = arith.constant 256 : i32
    %dma_start3A_68 = tpu.memref_slice %arg9[%dma_start3A_67] : memref<1024xi32, #tpu.memory_space<vmem>> -> memref<128xi32, #tpu.memory_space<vmem>>
    %dma_start3A_69 = arith.constant 0 : i32
    %dma_start3A_70 = arith.constant 0 : i32
    %dma_start3A_71 = tpu.memref_slice %arg3[%dma_start3A_69, %dma_start3A_70] : memref<32768x128xf32, #tpu.memory_space<hbm>> -> memref<32768x128xf32, #tpu.memory_space<hbm>>
    tpu.enqueue_indirect_dma source(%dma_start3A_71 : memref<32768x128xf32, #tpu.memory_space<hbm>>) target(%dma_start3A_66 : memref<128x128xf32, #tpu.memory_space<vmem>>) offsets(%dma_start3A_68 : memref<128xi32, #tpu.memory_space<vmem>>) semaphore(%arg14 : memref<!tpu.dma_semaphore, #tpu.memory_space<semaphore_mem>>)
    %dma_start3A_72 = arith.constant 128 : i32
    %dma_start3A_73 = arith.constant 0 : i32
    %dma_start3A_74 = tpu.memref_slice %arg11[%dma_start3A_72, %dma_start3A_73] : memref<256x128xf32, #tpu.memory_space<vmem>> -> memref<128x128xf32, #tpu.memory_space<vmem>>
    %dma_start3A_75 = arith.constant 384 : i32
    %dma_start3A_76 = tpu.memref_slice %arg9[%dma_start3A_75] : memref<1024xi32, #tpu.memory_space<vmem>> -> memref<128xi32, #tpu.memory_space<vmem>>
    %dma_start3A_77 = arith.constant 0 : i32
    %dma_start3A_78 = arith.constant 0 : i32
    %dma_start3A_79 = tpu.memref_slice %arg3[%dma_start3A_77, %dma_start3A_78] : memref<32768x128xf32, #tpu.memory_space<hbm>> -> memref<32768x128xf32, #tpu.memory_space<hbm>>
    tpu.enqueue_indirect_dma source(%dma_start3A_79 : memref<32768x128xf32, #tpu.memory_space<hbm>>) target(%dma_start3A_74 : memref<128x128xf32, #tpu.memory_space<vmem>>) offsets(%dma_start3A_76 : memref<128xi32, #tpu.memory_space<vmem>>) semaphore(%arg14 : memref<!tpu.dma_semaphore, #tpu.memory_space<semaphore_mem>>)
    %dma_wait3A_80 = arith.constant 0 : i32
    %dma_wait3A_81 = arith.constant 0 : i32
    %dma_wait3A_82 = tpu.memref_slice %arg11[%dma_wait3A_80, %dma_wait3A_81] : memref<256x128xf32, #tpu.memory_space<vmem>> -> memref<128x128xf32, #tpu.memory_space<vmem>>
    %dma_wait3A_83 = arith.constant 256 : i32
    %dma_wait3A_84 = tpu.memref_slice %arg9[%dma_wait3A_83] : memref<1024xi32, #tpu.memory_space<vmem>> -> memref<128xi32, #tpu.memory_space<vmem>>
    %dma_wait3A_85 = arith.constant 0 : i32
    %dma_wait3A_86 = arith.constant 0 : i32
    %dma_wait3A_87 = tpu.memref_slice %arg3[%dma_wait3A_85, %dma_wait3A_86] : memref<32768x128xf32, #tpu.memory_space<hbm>> -> memref<32768x128xf32, #tpu.memory_space<hbm>>
    tpu.wait_indirect_dma semaphore(%arg14 : memref<!tpu.dma_semaphore, #tpu.memory_space<semaphore_mem>>) src(%dma_wait3A_87 : memref<32768x128xf32, #tpu.memory_space<hbm>>) dst(%dma_wait3A_82 : memref<128x128xf32, #tpu.memory_space<vmem>>)
    %dma_wait3A_88 = arith.constant 128 : i32
    %dma_wait3A_89 = arith.constant 0 : i32
    %dma_wait3A_90 = tpu.memref_slice %arg11[%dma_wait3A_88, %dma_wait3A_89] : memref<256x128xf32, #tpu.memory_space<vmem>> -> memref<128x128xf32, #tpu.memory_space<vmem>>
    %dma_wait3A_91 = arith.constant 384 : i32
    %dma_wait3A_92 = tpu.memref_slice %arg9[%dma_wait3A_91] : memref<1024xi32, #tpu.memory_space<vmem>> -> memref<128xi32, #tpu.memory_space<vmem>>
    %dma_wait3A_93 = arith.constant 0 : i32
    %dma_wait3A_94 = arith.constant 0 : i32
    %dma_wait3A_95 = tpu.memref_slice %arg3[%dma_wait3A_93, %dma_wait3A_94] : memref<32768x128xf32, #tpu.memory_space<hbm>> -> memref<32768x128xf32, #tpu.memory_space<hbm>>
    tpu.wait_indirect_dma semaphore(%arg14 : memref<!tpu.dma_semaphore, #tpu.memory_space<semaphore_mem>>) src(%dma_wait3A_95 : memref<32768x128xf32, #tpu.memory_space<hbm>>) dst(%dma_wait3A_90 : memref<128x128xf32, #tpu.memory_space<vmem>>)
    %add3A_96 = arith.constant 256 : i32
    %add3A_97 = arith.addi %mul3A_29, %add3A_96 : i32
    "tpu.region"() ({
      %run_scoped3A = tpu.sem_alloc : memref<!tpu.dma_semaphore, #tpu.memory_space<semaphore_mem>>
      %dma_start3A_166 = arith.constant 0 : i32
      %dma_start3A_167 = tpu.memref_slice %arg4[%add3A_97, %dma_start3A_166] : memref<32768x128xf32, #tpu.memory_space<hbm>> -> memref<256x128xf32, #tpu.memory_space<hbm>>
      %dma_start3A_168 = arith.constant 0 : i32
      %dma_start3A_169 = tpu.memref_slice %arg4[%add3A_97, %dma_start3A_168] : memref<32768x128xf32, #tpu.memory_space<hbm>> -> memref<256x128xf32, #tpu.memory_space<hbm>>
      tpu.enqueue_dma source(%arg11 : memref<256x128xf32, #tpu.memory_space<vmem>>) target(%dma_start3A_169 : memref<256x128xf32, #tpu.memory_space<hbm>>) target_semaphore(%run_scoped3A : memref<!tpu.dma_semaphore, #tpu.memory_space<semaphore_mem>>)
      %dma_wait3A_170 = arith.constant 0 : i32
      %dma_wait3A_171 = tpu.memref_slice %arg4[%add3A_97, %dma_wait3A_170] : memref<32768x128xf32, #tpu.memory_space<hbm>> -> memref<256x128xf32, #tpu.memory_space<hbm>>
      %dma_wait3A_172 = arith.constant 0 : i32
      %dma_wait3A_173 = tpu.memref_slice %arg4[%add3A_97, %dma_wait3A_172] : memref<32768x128xf32, #tpu.memory_space<hbm>> -> memref<256x128xf32, #tpu.memory_space<hbm>>
      tpu.wait_dma2 semaphore(%run_scoped3A : memref<!tpu.dma_semaphore, #tpu.memory_space<semaphore_mem>>) src(%arg11 : memref<256x128xf32, #tpu.memory_space<vmem>>) dst(%dma_wait3A_173 : memref<256x128xf32, #tpu.memory_space<hbm>>)
      tpu.yield
    }) : () -> ()
    %dma_start3A_98 = arith.constant 0 : i32
    %dma_start3A_99 = arith.constant 0 : i32
    %dma_start3A_100 = tpu.memref_slice %arg11[%dma_start3A_98, %dma_start3A_99] : memref<256x128xf32, #tpu.memory_space<vmem>> -> memref<128x128xf32, #tpu.memory_space<vmem>>
    %dma_start3A_101 = arith.constant 512 : i32
    %dma_start3A_102 = tpu.memref_slice %arg9[%dma_start3A_101] : memref<1024xi32, #tpu.memory_space<vmem>> -> memref<128xi32, #tpu.memory_space<vmem>>
    %dma_start3A_103 = arith.constant 0 : i32
    %dma_start3A_104 = arith.constant 0 : i32
    %dma_start3A_105 = tpu.memref_slice %arg3[%dma_start3A_103, %dma_start3A_104] : memref<32768x128xf32, #tpu.memory_space<hbm>> -> memref<32768x128xf32, #tpu.memory_space<hbm>>
    tpu.enqueue_indirect_dma source(%dma_start3A_105 : memref<32768x128xf32, #tpu.memory_space<hbm>>) target(%dma_start3A_100 : memref<128x128xf32, #tpu.memory_space<vmem>>) offsets(%dma_start3A_102 : memref<128xi32, #tpu.memory_space<vmem>>) semaphore(%arg14 : memref<!tpu.dma_semaphore, #tpu.memory_space<semaphore_mem>>)
    %dma_start3A_106 = arith.constant 128 : i32
    %dma_start3A_107 = arith.constant 0 : i32
    %dma_start3A_108 = tpu.memref_slice %arg11[%dma_start3A_106, %dma_start3A_107] : memref<256x128xf32, #tpu.memory_space<vmem>> -> memref<128x128xf32, #tpu.memory_space<vmem>>
    %dma_start3A_109 = arith.constant 640 : i32
    %dma_start3A_110 = tpu.memref_slice %arg9[%dma_start3A_109] : memref<1024xi32, #tpu.memory_space<vmem>> -> memref<128xi32, #tpu.memory_space<vmem>>
    %dma_start3A_111 = arith.constant 0 : i32
    %dma_start3A_112 = arith.constant 0 : i32
    %dma_start3A_113 = tpu.memref_slice %arg3[%dma_start3A_111, %dma_start3A_112] : memref<32768x128xf32, #tpu.memory_space<hbm>> -> memref<32768x128xf32, #tpu.memory_space<hbm>>
    tpu.enqueue_indirect_dma source(%dma_start3A_113 : memref<32768x128xf32, #tpu.memory_space<hbm>>) target(%dma_start3A_108 : memref<128x128xf32, #tpu.memory_space<vmem>>) offsets(%dma_start3A_110 : memref<128xi32, #tpu.memory_space<vmem>>) semaphore(%arg14 : memref<!tpu.dma_semaphore, #tpu.memory_space<semaphore_mem>>)
    %dma_wait3A_114 = arith.constant 0 : i32
    %dma_wait3A_115 = arith.constant 0 : i32
    %dma_wait3A_116 = tpu.memref_slice %arg11[%dma_wait3A_114, %dma_wait3A_115] : memref<256x128xf32, #tpu.memory_space<vmem>> -> memref<128x128xf32, #tpu.memory_space<vmem>>
    %dma_wait3A_117 = arith.constant 512 : i32
    %dma_wait3A_118 = tpu.memref_slice %arg9[%dma_wait3A_117] : memref<1024xi32, #tpu.memory_space<vmem>> -> memref<128xi32, #tpu.memory_space<vmem>>
    %dma_wait3A_119 = arith.constant 0 : i32
    %dma_wait3A_120 = arith.constant 0 : i32
    %dma_wait3A_121 = tpu.memref_slice %arg3[%dma_wait3A_119, %dma_wait3A_120] : memref<32768x128xf32, #tpu.memory_space<hbm>> -> memref<32768x128xf32, #tpu.memory_space<hbm>>
    tpu.wait_indirect_dma semaphore(%arg14 : memref<!tpu.dma_semaphore, #tpu.memory_space<semaphore_mem>>) src(%dma_wait3A_121 : memref<32768x128xf32, #tpu.memory_space<hbm>>) dst(%dma_wait3A_116 : memref<128x128xf32, #tpu.memory_space<vmem>>)
    %dma_wait3A_122 = arith.constant 128 : i32
    %dma_wait3A_123 = arith.constant 0 : i32
    %dma_wait3A_124 = tpu.memref_slice %arg11[%dma_wait3A_122, %dma_wait3A_123] : memref<256x128xf32, #tpu.memory_space<vmem>> -> memref<128x128xf32, #tpu.memory_space<vmem>>
    %dma_wait3A_125 = arith.constant 640 : i32
    %dma_wait3A_126 = tpu.memref_slice %arg9[%dma_wait3A_125] : memref<1024xi32, #tpu.memory_space<vmem>> -> memref<128xi32, #tpu.memory_space<vmem>>
    %dma_wait3A_127 = arith.constant 0 : i32
    %dma_wait3A_128 = arith.constant 0 : i32
    %dma_wait3A_129 = tpu.memref_slice %arg3[%dma_wait3A_127, %dma_wait3A_128] : memref<32768x128xf32, #tpu.memory_space<hbm>> -> memref<32768x128xf32, #tpu.memory_space<hbm>>
    tpu.wait_indirect_dma semaphore(%arg14 : memref<!tpu.dma_semaphore, #tpu.memory_space<semaphore_mem>>) src(%dma_wait3A_129 : memref<32768x128xf32, #tpu.memory_space<hbm>>) dst(%dma_wait3A_124 : memref<128x128xf32, #tpu.memory_space<vmem>>)
    %add3A_130 = arith.constant 512 : i32
    %add3A_131 = arith.addi %mul3A_29, %add3A_130 : i32
    "tpu.region"() ({
      %run_scoped3A = tpu.sem_alloc : memref<!tpu.dma_semaphore, #tpu.memory_space<semaphore_mem>>
      %dma_start3A_166 = arith.constant 0 : i32
      %dma_start3A_167 = tpu.memref_slice %arg4[%add3A_131, %dma_start3A_166] : memref<32768x128xf32, #tpu.memory_space<hbm>> -> memref<256x128xf32, #tpu.memory_space<hbm>>
      %dma_start3A_168 = arith.constant 0 : i32
      %dma_start3A_169 = tpu.memref_slice %arg4[%add3A_131, %dma_start3A_168] : memref<32768x128xf32, #tpu.memory_space<hbm>> -> memref<256x128xf32, #tpu.memory_space<hbm>>
      tpu.enqueue_dma source(%arg11 : memref<256x128xf32, #tpu.memory_space<vmem>>) target(%dma_start3A_169 : memref<256x128xf32, #tpu.memory_space<hbm>>) target_semaphore(%run_scoped3A : memref<!tpu.dma_semaphore, #tpu.memory_space<semaphore_mem>>)
      %dma_wait3A_170 = arith.constant 0 : i32
      %dma_wait3A_171 = tpu.memref_slice %arg4[%add3A_131, %dma_wait3A_170] : memref<32768x128xf32, #tpu.memory_space<hbm>> -> memref<256x128xf32, #tpu.memory_space<hbm>>
      %dma_wait3A_172 = arith.constant 0 : i32
      %dma_wait3A_173 = tpu.memref_slice %arg4[%add3A_131, %dma_wait3A_172] : memref<32768x128xf32, #tpu.memory_space<hbm>> -> memref<256x128xf32, #tpu.memory_space<hbm>>
      tpu.wait_dma2 semaphore(%run_scoped3A : memref<!tpu.dma_semaphore, #tpu.memory_space<semaphore_mem>>) src(%arg11 : memref<256x128xf32, #tpu.memory_space<vmem>>) dst(%dma_wait3A_173 : memref<256x128xf32, #tpu.memory_space<hbm>>)
      tpu.yield
    }) : () -> ()
    %dma_start3A_132 = arith.constant 0 : i32
    %dma_start3A_133 = arith.constant 0 : i32
    %dma_start3A_134 = tpu.memref_slice %arg11[%dma_start3A_132, %dma_start3A_133] : memref<256x128xf32, #tpu.memory_space<vmem>> -> memref<128x128xf32, #tpu.memory_space<vmem>>
    %dma_start3A_135 = arith.constant 768 : i32
    %dma_start3A_136 = tpu.memref_slice %arg9[%dma_start3A_135] : memref<1024xi32, #tpu.memory_space<vmem>> -> memref<128xi32, #tpu.memory_space<vmem>>
    %dma_start3A_137 = arith.constant 0 : i32
    %dma_start3A_138 = arith.constant 0 : i32
    %dma_start3A_139 = tpu.memref_slice %arg3[%dma_start3A_137, %dma_start3A_138] : memref<32768x128xf32, #tpu.memory_space<hbm>> -> memref<32768x128xf32, #tpu.memory_space<hbm>>
    tpu.enqueue_indirect_dma source(%dma_start3A_139 : memref<32768x128xf32, #tpu.memory_space<hbm>>) target(%dma_start3A_134 : memref<128x128xf32, #tpu.memory_space<vmem>>) offsets(%dma_start3A_136 : memref<128xi32, #tpu.memory_space<vmem>>) semaphore(%arg14 : memref<!tpu.dma_semaphore, #tpu.memory_space<semaphore_mem>>)
    %dma_start3A_140 = arith.constant 128 : i32
    %dma_start3A_141 = arith.constant 0 : i32
    %dma_start3A_142 = tpu.memref_slice %arg11[%dma_start3A_140, %dma_start3A_141] : memref<256x128xf32, #tpu.memory_space<vmem>> -> memref<128x128xf32, #tpu.memory_space<vmem>>
    %dma_start3A_143 = arith.constant 896 : i32
    %dma_start3A_144 = tpu.memref_slice %arg9[%dma_start3A_143] : memref<1024xi32, #tpu.memory_space<vmem>> -> memref<128xi32, #tpu.memory_space<vmem>>
    %dma_start3A_145 = arith.constant 0 : i32
    %dma_start3A_146 = arith.constant 0 : i32
    %dma_start3A_147 = tpu.memref_slice %arg3[%dma_start3A_145, %dma_start3A_146] : memref<32768x128xf32, #tpu.memory_space<hbm>> -> memref<32768x128xf32, #tpu.memory_space<hbm>>
    tpu.enqueue_indirect_dma source(%dma_start3A_147 : memref<32768x128xf32, #tpu.memory_space<hbm>>) target(%dma_start3A_142 : memref<128x128xf32, #tpu.memory_space<vmem>>) offsets(%dma_start3A_144 : memref<128xi32, #tpu.memory_space<vmem>>) semaphore(%arg14 : memref<!tpu.dma_semaphore, #tpu.memory_space<semaphore_mem>>)
    %dma_wait3A_148 = arith.constant 0 : i32
    %dma_wait3A_149 = arith.constant 0 : i32
    %dma_wait3A_150 = tpu.memref_slice %arg11[%dma_wait3A_148, %dma_wait3A_149] : memref<256x128xf32, #tpu.memory_space<vmem>> -> memref<128x128xf32, #tpu.memory_space<vmem>>
    %dma_wait3A_151 = arith.constant 768 : i32
    %dma_wait3A_152 = tpu.memref_slice %arg9[%dma_wait3A_151] : memref<1024xi32, #tpu.memory_space<vmem>> -> memref<128xi32, #tpu.memory_space<vmem>>
    %dma_wait3A_153 = arith.constant 0 : i32
    %dma_wait3A_154 = arith.constant 0 : i32
    %dma_wait3A_155 = tpu.memref_slice %arg3[%dma_wait3A_153, %dma_wait3A_154] : memref<32768x128xf32, #tpu.memory_space<hbm>> -> memref<32768x128xf32, #tpu.memory_space<hbm>>
    tpu.wait_indirect_dma semaphore(%arg14 : memref<!tpu.dma_semaphore, #tpu.memory_space<semaphore_mem>>) src(%dma_wait3A_155 : memref<32768x128xf32, #tpu.memory_space<hbm>>) dst(%dma_wait3A_150 : memref<128x128xf32, #tpu.memory_space<vmem>>)
    %dma_wait3A_156 = arith.constant 128 : i32
    %dma_wait3A_157 = arith.constant 0 : i32
    %dma_wait3A_158 = tpu.memref_slice %arg11[%dma_wait3A_156, %dma_wait3A_157] : memref<256x128xf32, #tpu.memory_space<vmem>> -> memref<128x128xf32, #tpu.memory_space<vmem>>
    %dma_wait3A_159 = arith.constant 896 : i32
    %dma_wait3A_160 = tpu.memref_slice %arg9[%dma_wait3A_159] : memref<1024xi32, #tpu.memory_space<vmem>> -> memref<128xi32, #tpu.memory_space<vmem>>
    %dma_wait3A_161 = arith.constant 0 : i32
    %dma_wait3A_162 = arith.constant 0 : i32
    %dma_wait3A_163 = tpu.memref_slice %arg3[%dma_wait3A_161, %dma_wait3A_162] : memref<32768x128xf32, #tpu.memory_space<hbm>> -> memref<32768x128xf32, #tpu.memory_space<hbm>>
    tpu.wait_indirect_dma semaphore(%arg14 : memref<!tpu.dma_semaphore, #tpu.memory_space<semaphore_mem>>) src(%dma_wait3A_163 : memref<32768x128xf32, #tpu.memory_space<hbm>>) dst(%dma_wait3A_158 : memref<128x128xf32, #tpu.memory_space<vmem>>)
    %add3A_164 = arith.constant 768 : i32
    %add3A_165 = arith.addi %mul3A_29, %add3A_164 : i32
    "tpu.region"() ({
      %run_scoped3A = tpu.sem_alloc : memref<!tpu.dma_semaphore, #tpu.memory_space<semaphore_mem>>
      %dma_start3A_166 = arith.constant 0 : i32
      %dma_start3A_167 = tpu.memref_slice %arg4[%add3A_165, %dma_start3A_166] : memref<32768x128xf32, #tpu.memory_space<hbm>> -> memref<256x128xf32, #tpu.memory_space<hbm>>
      %dma_start3A_168 = arith.constant 0 : i32
      %dma_start3A_169 = tpu.memref_slice %arg4[%add3A_165, %dma_start3A_168] : memref<32768x128xf32, #tpu.memory_space<hbm>> -> memref<256x128xf32, #tpu.memory_space<hbm>>
      tpu.enqueue_dma source(%arg11 : memref<256x128xf32, #tpu.memory_space<vmem>>) target(%dma_start3A_169 : memref<256x128xf32, #tpu.memory_space<hbm>>) target_semaphore(%run_scoped3A : memref<!tpu.dma_semaphore, #tpu.memory_space<semaphore_mem>>)
      %dma_wait3A_170 = arith.constant 0 : i32
      %dma_wait3A_171 = tpu.memref_slice %arg4[%add3A_165, %dma_wait3A_170] : memref<32768x128xf32, #tpu.memory_space<hbm>> -> memref<256x128xf32, #tpu.memory_space<hbm>>
      %dma_wait3A_172 = arith.constant 0 : i32
      %dma_wait3A_173 = tpu.memref_slice %arg4[%add3A_165, %dma_wait3A_172] : memref<32768x128xf32, #tpu.memory_space<hbm>> -> memref<256x128xf32, #tpu.memory_space<hbm>>
      tpu.wait_dma2 semaphore(%run_scoped3A : memref<!tpu.dma_semaphore, #tpu.memory_space<semaphore_mem>>) src(%arg11 : memref<256x128xf32, #tpu.memory_space<vmem>>) dst(%dma_wait3A_173 : memref<256x128xf32, #tpu.memory_space<hbm>>)
      tpu.yield
    }) : () -> ()
    "tpu.region"() ({
      %run_scoped3A = tpu.sem_alloc : memref<!tpu.dma_semaphore, #tpu.memory_space<semaphore_mem>>
      %dma_start3A_166 = tpu.memref_slice %arg5[%mul3A_29] : memref<32768xf32, #tpu.memory_space<hbm>> -> memref<1024xf32, #tpu.memory_space<hbm>>
      %dma_start3A_167 = tpu.memref_slice %arg5[%mul3A_29] : memref<32768xf32, #tpu.memory_space<hbm>> -> memref<1024xf32, #tpu.memory_space<hbm>>
      tpu.enqueue_dma source(%arg10 : memref<1024xf32, #tpu.memory_space<vmem>>) target(%dma_start3A_167 : memref<1024xf32, #tpu.memory_space<hbm>>) target_semaphore(%run_scoped3A : memref<!tpu.dma_semaphore, #tpu.memory_space<semaphore_mem>>)
      %dma_wait3A_168 = tpu.memref_slice %arg5[%mul3A_29] : memref<32768xf32, #tpu.memory_space<hbm>> -> memref<1024xf32, #tpu.memory_space<hbm>>
      %dma_wait3A_169 = tpu.memref_slice %arg5[%mul3A_29] : memref<32768xf32, #tpu.memory_space<hbm>> -> memref<1024xf32, #tpu.memory_space<hbm>>
      tpu.wait_dma2 semaphore(%run_scoped3A : memref<!tpu.dma_semaphore, #tpu.memory_space<semaphore_mem>>) src(%arg10 : memref<1024xf32, #tpu.memory_space<vmem>>) dst(%dma_wait3A_169 : memref<1024xf32, #tpu.memory_space<hbm>>)
      tpu.yield
    }) : () -> ()
    return
  }
}

module attributes {stable_mosaic.version = 14 : i64} {
  func.func @_dist_kernel(%arg0: i32, %arg1: memref<64x3xf32, #tpu.memory_space<vmem>>, %arg2: memref<3x32768xf32, #tpu.memory_space<vmem>>, %arg3: memref<64x32768xf32, #tpu.memory_space<vmem>>) attributes {dimension_semantics = [#tpu.dimension_semantics<arbitrary>], iteration_bounds = array<i64: 16>, scalar_prefetch = 0 : i64, scratch_operands = 0 : i64, tpu.core_type = #tpu.core_type<tc>, window_params = [{transform_indices = @transform_0, window_bounds = array<i64: 64, 3>}, {pipeline_mode = #tpu.pipeline_mode<synchronous>, transform_indices = @transform_1, window_bounds = array<i64: 3, 32768>}, {transform_indices = @transform_2, window_bounds = array<i64: 64, 32768>}]} {
    %get3A = arith.constant 0 : index
    %get3A_0 = arith.constant 0 : index
    %get3A_1 = vector.load %arg1[%get3A, %get3A_0] : memref<64x3xf32, #tpu.memory_space<vmem>>, vector<64x3xf32>
    %slice3A = vector.extract_strided_slice %get3A_1 {offsets = [0, 0], sizes = [64, 1], strides = [1, 1]} : vector<64x3xf32> to vector<64x1xf32>
    %slice3A_2 = vector.extract_strided_slice %get3A_1 {offsets = [0, 1], sizes = [64, 1], strides = [1, 1]} : vector<64x3xf32> to vector<64x1xf32>
    %slice3A_3 = vector.extract_strided_slice %get3A_1 {offsets = [0, 2], sizes = [64, 1], strides = [1, 1]} : vector<64x3xf32> to vector<64x1xf32>
    %get3A_4 = arith.constant 0 : index
    %get3A_5 = arith.constant 0 : index
    %get3A_6 = vector.load %arg2[%get3A_4, %get3A_5] : memref<3x32768xf32, #tpu.memory_space<vmem>>, vector<1x32768xf32>
    %get3A_7 = arith.constant 1 : index
    %get3A_8 = arith.constant 0 : index
    %get3A_9 = vector.load %arg2[%get3A_7, %get3A_8] : memref<3x32768xf32, #tpu.memory_space<vmem>>, vector<1x32768xf32>
    %get3A_10 = arith.constant 2 : index
    %get3A_11 = arith.constant 0 : index
    %get3A_12 = vector.load %arg2[%get3A_10, %get3A_11] : memref<3x32768xf32, #tpu.memory_space<vmem>>, vector<1x32768xf32>
    %mul3A = arith.mulf %slice3A, %slice3A : vector<64x1xf32>
    %mul3A_13 = arith.mulf %slice3A_2, %slice3A_2 : vector<64x1xf32>
    %add3A = arith.addf %mul3A, %mul3A_13 : vector<64x1xf32>
    %mul3A_14 = arith.mulf %slice3A_3, %slice3A_3 : vector<64x1xf32>
    %add3A_15 = arith.addf %add3A, %mul3A_14 : vector<64x1xf32>
    %mul3A_16 = arith.mulf %get3A_6, %get3A_6 : vector<1x32768xf32>
    %mul3A_17 = arith.mulf %get3A_9, %get3A_9 : vector<1x32768xf32>
    %add3A_18 = arith.addf %mul3A_16, %mul3A_17 : vector<1x32768xf32>
    %mul3A_19 = arith.mulf %get3A_12, %get3A_12 : vector<1x32768xf32>
    %add3A_20 = arith.addf %add3A_18, %mul3A_19 : vector<1x32768xf32>
    %get3A_21 = arith.constant 0 : index
    %get3A_22 = arith.constant 0 : index
    %get3A_23 = vector.load %arg2[%get3A_21, %get3A_22] : memref<3x32768xf32, #tpu.memory_space<vmem>>, vector<3x32768xf32>
    %dot_general3A = arith.constant dense<0.000000e+00> : vector<64x32768xf32>
    %dot_general3A_24 = tpu.matmul %get3A_1, %get3A_23, %dot_general3A {dimension_numbers = #tpu.dot_dimension_numbers<[1], [0], [0], [1], [0, 0, 1, 1], [], []>, transpose_lhs_hint = false} : vector<64x3xf32>, vector<3x32768xf32>, vector<64x32768xf32> -> vector<64x32768xf32>
    %mul3A_25 = arith.constant 2.000000e+00 : f32
    %mul3A_26 = vector.broadcast %mul3A_25 : f32 to vector<64x32768xf32>
    %mul3A_27 = arith.mulf %mul3A_26, %dot_general3A_24 : vector<64x32768xf32>
    %sub3A = vector.broadcast %add3A_15 : vector<64x1xf32> to vector<64x32768xf32>
    %sub3A_28 = arith.subf %sub3A, %mul3A_27 : vector<64x32768xf32>
    %add3A_29 = vector.broadcast %add3A_20 : vector<1x32768xf32> to vector<64x32768xf32>
    %add3A_30 = arith.addf %sub3A_28, %add3A_29 : vector<64x32768xf32>
    %le3A = arith.constant 6.400000e-01 : f32
    %le3A_31 = vector.broadcast %le3A : f32 to vector<64x32768xf32>
    %le3A_32 = arith.cmpf ole, %add3A_30, %le3A_31 : vector<64x32768xf32>
    %jit3A = arith.constant 3.000000e+38 : f32
    %broadcast_in_dim3A = vector.broadcast %jit3A : f32 to vector<64x32768xf32>
    %select_n3A = arith.select %le3A_32, %add3A_30, %broadcast_in_dim3A : vector<64x32768xi1>, vector<64x32768xf32>
    %swap3A = arith.constant 0 : index
    %swap3A_33 = arith.constant 0 : index
    %swap3A_34 = vector.load %arg3[%swap3A, %swap3A_33] : memref<64x32768xf32, #tpu.memory_space<vmem>>, vector<64x32768xf32>
    tpu.vector_store %arg3[%swap3A, %swap3A_33], %select_n3A {strides = array<i32>} : memref<64x32768xf32, #tpu.memory_space<vmem>>, vector<64x32768xf32>,
    return
  }
  func.func @transform_0(%arg0: i32) -> (i32, i32) {
    %c0_i32 = arith.constant 0 : i32
    %c0_i32_0 = arith.constant 0 : i32
    return %arg0, %c0_i32 : i32, i32
  }
  func.func @transform_1(%arg0: i32) -> (i32, i32) {
    %c0_i32 = arith.constant 0 : i32
    %c0_i32_0 = arith.constant 0 : i32
    %c0_i32_1 = arith.constant 0 : i32
    return %c0_i32, %c0_i32_0 : i32, i32
  }
  func.func @transform_2(%arg0: i32) -> (i32, i32) {
    %c0_i32 = arith.constant 0 : i32
    %c0_i32_0 = arith.constant 0 : i32
    return %arg0, %c0_i32 : i32, i32
  }
}

module attributes {stable_mosaic.version = 14 : i64} {
  func.func @_mlp_kernel(%arg0: i32, %arg1: memref<2048x128xf32, #tpu.memory_space<vmem>>, %arg2: memref<2048x3xf32, #tpu.memory_space<vmem>>, %arg3: memref<2048x1xf32, #tpu.memory_space<vmem>>, %arg4: memref<128x64xf32, #tpu.memory_space<vmem>>, %arg5: memref<1x64xf32, #tpu.memory_space<vmem>>, %arg6: memref<64x64xf32, #tpu.memory_space<vmem>>, %arg7: memref<1x64xf32, #tpu.memory_space<vmem>>, %arg8: memref<64x64xf32, #tpu.memory_space<vmem>>) attributes {dimension_semantics = [#tpu.dimension_semantics<arbitrary>], iteration_bounds = array<i64: 16>, scalar_prefetch = 0 : i64, scratch_operands = 0 : i64, tpu.core_type = #tpu.core_type<tc>, window_params = [{transform_indices = @transform_0, window_bounds = array<i64: 2048, 128>}, {transform_indices = @transform_1, window_bounds = array<i64: 2048, 3>}, {transform_indices = @transform_2, window_bounds = array<i64: 2048, 1>}, {pipeline_mode = #tpu.pipeline_mode<synchronous>, transform_indices = @transform_3, window_bounds = array<i64: 128, 64>}, {pipeline_mode = #tpu.pipeline_mode<synchronous>, transform_indices = @transform_4, window_bounds = array<i64: 1, 64>}, {pipeline_mode = #tpu.pipeline_mode<synchronous>, transform_indices = @transform_5, window_bounds = array<i64: 64, 64>}, {pipeline_mode = #tpu.pipeline_mode<synchronous>, transform_indices = @transform_6, window_bounds = array<i64: 1, 64>}, {transform_indices = @transform_7, window_bounds = array<i64: 64, 64>}]} {
    %get3A = arith.constant 0 : index
    %get3A_0 = arith.constant 0 : index
    %get3A_1 = vector.load %arg2[%get3A, %get3A_0] : memref<2048x3xf32, #tpu.memory_space<vmem>>, vector<2048x3xf32>
    %broadcast_in_dim3A = arith.constant 0.000000e+00 : f32
    %broadcast_in_dim3A_2 = vector.broadcast %broadcast_in_dim3A : f32 to vector<2048x125xf32>
    %concatenate3A = tpu.concatenate %get3A_1, %broadcast_in_dim3A_2 in 1 : vector<2048x3xf32>, vector<2048x125xf32> -> vector<2048x128xf32>
    %get3A_3 = arith.constant 0 : index
    %get3A_4 = arith.constant 0 : index
    %get3A_5 = vector.load %arg3[%get3A_3, %get3A_4] : memref<2048x1xf32, #tpu.memory_space<vmem>>, vector<2048x1xf32>
    %le3A = arith.constant 6.400000e-01 : f32
    %le3A_6 = vector.broadcast %le3A : f32 to vector<2048x1xf32>
    %le3A_7 = arith.cmpf ole, %get3A_5, %le3A_6 : vector<2048x1xf32>
    %get3A_8 = arith.constant 0 : index
    %get3A_9 = arith.constant 0 : index
    %get3A_10 = vector.load %arg1[%get3A_8, %get3A_9] : memref<2048x128xf32, #tpu.memory_space<vmem>>, vector<2048x128xf32>
    %sub3A = arith.subf %get3A_10, %concatenate3A : vector<2048x128xf32>
    %convert_element_type3A = arith.extui %le3A_7 : vector<2048x1xi1> to vector<2048x1xi32>
    %convert_element_type3A_11 = arith.sitofp %convert_element_type3A : vector<2048x1xi32> to vector<2048x1xf32>
    %mul3A = vector.broadcast %convert_element_type3A_11 : vector<2048x1xf32> to vector<2048x128xf32>
    %mul3A_12 = arith.mulf %sub3A, %mul3A : vector<2048x128xf32>
    %get3A_13 = arith.constant 0 : index
    %get3A_14 = arith.constant 0 : index
    %get3A_15 = vector.load %arg4[%get3A_13, %get3A_14] : memref<128x64xf32, #tpu.memory_space<vmem>>, vector<128x64xf32>
    %dot_general3A = arith.constant dense<0.000000e+00> : vector<2048x64xf32>
    %dot_general3A_16 = tpu.matmul %mul3A_12, %get3A_15, %dot_general3A {dimension_numbers = #tpu.dot_dimension_numbers<[1], [0], [0], [1], [0, 0, 1, 1], [], []>, precision = #tpu.contract_precision<fp32>, transpose_lhs_hint = false} : vector<2048x128xf32>, vector<128x64xf32>, vector<2048x64xf32> -> vector<2048x64xf32>
    %get3A_17 = arith.constant 0 : index
    %get3A_18 = arith.constant 0 : index
    %get3A_19 = vector.load %arg5[%get3A_17, %get3A_18] : memref<1x64xf32, #tpu.memory_space<vmem>>, vector<1x64xf32>
    %add3A = vector.broadcast %get3A_19 : vector<1x64xf32> to vector<2048x64xf32>
    %add3A_20 = arith.addf %dot_general3A_16, %add3A : vector<2048x64xf32>
    %max3A = arith.constant 0.000000e+00 : f32
    %max3A_21 = vector.broadcast %max3A : f32 to vector<2048x64xf32>
    %max3A_22 = arith.maximumf %add3A_20, %max3A_21 : vector<2048x64xf32>
    %get3A_23 = arith.constant 0 : index
    %get3A_24 = arith.constant 0 : index
    %get3A_25 = vector.load %arg6[%get3A_23, %get3A_24] : memref<64x64xf32, #tpu.memory_space<vmem>>, vector<64x64xf32>
    %dot_general3A_26 = arith.constant dense<0.000000e+00> : vector<2048x64xf32>
    %dot_general3A_27 = tpu.matmul %max3A_22, %get3A_25, %dot_general3A_26 {dimension_numbers = #tpu.dot_dimension_numbers<[1], [0], [0], [1], [0, 0, 1, 1], [], []>, precision = #tpu.contract_precision<fp32>, transpose_lhs_hint = false} : vector<2048x64xf32>, vector<64x64xf32>, vector<2048x64xf32> -> vector<2048x64xf32>
    %get3A_28 = arith.constant 0 : index
    %get3A_29 = arith.constant 0 : index
    %get3A_30 = vector.load %arg7[%get3A_28, %get3A_29] : memref<1x64xf32, #tpu.memory_space<vmem>>, vector<1x64xf32>
    %add3A_31 = vector.broadcast %get3A_30 : vector<1x64xf32> to vector<2048x64xf32>
    %add3A_32 = arith.addf %dot_general3A_27, %add3A_31 : vector<2048x64xf32>
    %max3A_33 = arith.constant 0.000000e+00 : f32
    %max3A_34 = vector.broadcast %max3A_33 : f32 to vector<2048x64xf32>
    %max3A_35 = arith.maximumf %add3A_32, %max3A_34 : vector<2048x64xf32>
    %jit3A = arith.constant 0xFF800000 : f32
    %broadcast_in_dim3A_36 = vector.shape_cast %le3A_7 : vector<2048x1xi1> to vector<2048x1xi1>
    %broadcast_in_dim3A_37 = vector.broadcast %broadcast_in_dim3A_36 : vector<2048x1xi1> to vector<2048x64xi1>
    %broadcast_in_dim3A_38 = vector.broadcast %jit3A : f32 to vector<2048x64xf32>
    %select_n3A = arith.select %broadcast_in_dim3A_37, %max3A_35, %broadcast_in_dim3A_38 : vector<2048x64xi1>, vector<2048x64xf32>
    %reshape3A = vector.shape_cast %select_n3A : vector<2048x64xf32> to vector<64x32x64xf32>
    %reduce_max3A = arith.constant dense<0xFF800000> : vector<64x64xf32>
    %reduce_max3A_39 = vector.multi_reduction <maximumf>, %reshape3A, %reduce_max3A [1] : vector<64x32x64xf32> to vector<64x64xf32>
    %is_finite3A = tpu.weird %reduce_max3A_39 : vector<64x64xf32> -> vector<64x64xi1>
    %is_finite3A_40 = arith.constant dense<true> : vector<64x64xi1>
    %is_finite3A_41 = arith.xori %is_finite3A, %is_finite3A_40 : vector<64x64xi1>
    %jit3A_42 = arith.constant 0.000000e+00 : f32
    %broadcast_in_dim3A_43 = vector.broadcast %jit3A_42 : f32 to vector<64x64xf32>
    %select_n3A_44 = arith.select %is_finite3A_41, %reduce_max3A_39, %broadcast_in_dim3A_43 : vector<64x64xi1>, vector<64x64xf32>
    %swap3A = arith.constant 0 : index
    %swap3A_45 = arith.constant 0 : index
    %swap3A_46 = vector.load %arg8[%swap3A, %swap3A_45] : memref<64x64xf32, #tpu.memory_space<vmem>>, vector<64x64xf32>
    tpu.vector_store %arg8[%swap3A, %swap3A_45], %select_n3A_44 {strides = array<i32>} : memref<64x64xf32, #tpu.memory_space<vmem>>, vector<64x64xf32>,
    return
  }
  func.func @transform_0(%arg0: i32) -> (i32, i32) {
    %c0_i32 = arith.constant 0 : i32
    %c0_i32_0 = arith.constant 0 : i32
    return %arg0, %c0_i32 : i32, i32
  }
  func.func @transform_1(%arg0: i32) -> (i32, i32) {
    %c0_i32 = arith.constant 0 : i32
    %c0_i32_0 = arith.constant 0 : i32
    return %arg0, %c0_i32 : i32, i32
  }
  func.func @transform_2(%arg0: i32) -> (i32, i32) {
    %c0_i32 = arith.constant 0 : i32
    %c0_i32_0 = arith.constant 0 : i32
    return %arg0, %c0_i32 : i32, i32
  }
  func.func @transform_3(%arg0: i32) -> (i32, i32) {
    %c0_i32 = arith.constant 0 : i32
    %c0_i32_0 = arith.constant 0 : i32
    %c0_i32_1 = arith.constant 0 : i32
    return %c0_i32, %c0_i32_0 : i32, i32
  }
  func.func @transform_4(%arg0: i32) -> (i32, i32) {
    %c0_i32 = arith.constant 0 : i32
    %c0_i32_0 = arith.constant 0 : i32
    %c0_i32_1 = arith.constant 0 : i32
    return %c0_i32, %c0_i32_0 : i32, i32
  }
  func.func @transform_5(%arg0: i32) -> (i32, i32) {
    %c0_i32 = arith.constant 0 : i32
    %c0_i32_0 = arith.constant 0 : i32
    %c0_i32_1 = arith.constant 0 : i32
    return %c0_i32, %c0_i32_0 : i32, i32
  }
  func.func @transform_6(%arg0: i32) -> (i32, i32) {
    %c0_i32 = arith.constant 0 : i32
    %c0_i32_0 = arith.constant 0 : i32
    %c0_i32_1 = arith.constant 0 : i32
    return %c0_i32, %c0_i32_0 : i32, i32
  }
  func.func @transform_7(%arg0: i32) -> (i32, i32) {
    %c0_i32 = arith.constant 0 : i32
    %c0_i32_0 = arith.constant 0 : i32
    return %arg0, %c0_i32 : i32, i32
  }
}

</mosaic_0001>

<sc_bundles>
// kernel: kernel.5.cloned.1.call-start
scs
__scs_entry_jumppad:
0x0: {  	(pc) =	sbr.rel $0x88, $3  }
0x1: {  	(tag) =	ssettag $0x0;
	lr =	simm.s32 $0x1  }
0x2: {  	[smem:$0x3F9A] =	sst lr;
	_ =	strace $0xD0000000  }
0x3: {  	_ = 	snop  }
0x4: {  	_ = 	snop  }
0x5: {  	_ = 	snop  }
0x6: {  	_ = 	snop  }
0x7: {  	_ = 	snop  }
__scs_overlays_trampoline_lowered:
0x8: {  	[smem:$0x3FA9] =	sst s0  }
0x9: {  	[smem:$0x3FAA] =	sst s1  }
0xa: {  	[smem:$0x3FAB] =	sst s2  }
0xb: {  	[smem:$0x3FAC] =	sst s3  }
0xc: {  	[smem:$0x3FAD] =	sst s4  }
0xd: {  	[smem:$0x3FAE] =	sst s5  }
0xe: {  	[smem:$0x3FAF] =	sst s6  }
0xf: {  	[smem:$0x3FB0] =	sst s7  }
0x10: {  	[smem:$0x3FB1] =	sst s8  }
0x11: {  	[smem:$0x3FB2] =	sst s9;
	s0 =	simm.s32 @!p0 $0x0  }
0x12: {  	s1 =	sld [smem:$0x3F98];
	s0 =	simm.s32 @p0 $0x1  }
0x13: {  	[smem:$0x3FB3] =	sst s0;
	s0 =	simm.s32 @!p1 $0x0  }
0x14: {  	s2 =	sld [smem:$0x3F97];
	s0 =	simm.s32 @p1 $0x1  }
0x15: {  	[smem:$0x3FB4] =	sst s0;
	s0 =	simm.s32 @!p2 $0x0  }
0x16: {  	s3 =	sld [smem:$0x3FDB];
	s0 =	simm.s32 @p2 $0x1  }
0x17: {  	s4 =	simm.s32 $0x1BF5;
	[smem:$0x3FB6] =	sst s0  }
0x18: {  	s0 =	sld [smem:$0x3F99];
	_ =	swait.ge [sflag:s4], $0x0  }
0x19: {  	s7 =	sld [smem:$0x3F9A]  }
0x1a: {  	s8 =	sadd.s32 $0xFFFFE003, lr  }
0x1b: {  	s9 =	sadd.s32 $0xFFFFFEF7, lr;
	s5 =	simm.s32 $0xFFFFFFFF;
	p2 =	slt.u32 s8, $0xFFFFF086  }
0x1c: {  	p1 =	slt.u32 s9, $0xF7A;
	s5 =	simm.s32 @!p2 $0x0  }
0x1d: {  	s5 =	simm.s32 @p1 $0x1;
	p0 =	seq.s32 s7, s2  }
0x1e: {  	s7 =	smul.u32 @!p0 $0xF7A, s2;
	p2 =	seq.s32 @!p0 s5, $0x0  }
0x1f: {  	s9 =	smul.u32 $0xF7A, s1;
	s8 =	simm.s32 @!p0 $0x1BF5;
	p2 =	por !p2, p0  }
0x20: {  	[sflag:s8] =	ssyncset.s32 @!p0 $0xFFFFF086;
	s6 =	sadd.s32 @!p0 s3, s7;
	s7 =	simm.s32 @!p0 $0x108  }
0x21: {  	s3 =	sadd.s32 s3, s9;
	s6 =	sadd.s32 @!p0 $0x88, s6;
	s7 =	simm.s32 @p2 $0x1082  }
0x22: {  	[simem:s7], [sflag:s8] =	dma.local @!p0 [hbm:s6], $0xF7A  }
0x23: {  	s9 =	sor.u32 $0xD0000000, s2;
	s6 =	simm.s32 $0x108;
	_ =	swait.ge @!p0 [sflag:s8], $0x0  }
0x24: {  	s3 =	sadd.s32 $0x88, s3;
	s6 =	simm.s32 @!p1 $0x1082;
	[sflag:s4] =	ssyncset.s32 $0xFFFFF086  }
0x25: {  	[simem:s6], [sflag:s4] =	dma.local [hbm:s3], $0xF7A  }
0x26: {  	[smem:$0x3F9A] =	sst s1;
	(tag) =	ssettag s2;
	_ =	strace s9  }
0x27: {  	s1 =	sld [smem:$0x3FAA]  }
0x28: {  	s2 =	sld [smem:$0x3FAB]  }
0x29: {  	s4 =	sld [smem:$0x3FAD]  }
0x2a: {  	p0 =	seq.s32 s5, $0x0;
	s5 =	sld [smem:$0x3FAE]  }
0x2b: {  	s6 =	sld [smem:$0x3FAF]  }
0x2c: {  	s7 =	sld [smem:$0x3FB0]  }
0x2d: {  	s3 =	simm.s32 $0x108;
	s8 =	sld [smem:$0x3FB1]  }
0x2e: {  	s3 =	simm.s32 @!p0 $0x1082;
	s9 =	sld [smem:$0x3FB2]  }
0x2f: {  	lr =	sadd.s32 s0, s3;
	s0 =	sld [smem:$0x3FA9]  }
0x30: {  	s3 =	sld [smem:$0x3FAC]  }
0x31: {  	[smem:$0x3FB5] =	sst s10  }
0x32: {  	s10 =	sld [smem:$0x3FB3];
	_ =	sdelay $0x3  }
0x33: {  	p0 =	seq.s32 s10, $0x1;
	s10 =	sld [smem:$0x3FB5];
	_ =	sdelay $0x3  }
0x34: {  	[smem:$0x3FB5] =	sst s10  }
0x35: {  	s10 =	sld [smem:$0x3FB4];
	_ =	sdelay $0x3  }
0x36: {  	p1 =	seq.s32 s10, $0x1;
	s10 =	sld [smem:$0x3FB5];
	_ =	sdelay $0x3  }
0x37: {  	[smem:$0x3FB5] =	sst s10  }
0x38: {  	s10 =	sld [smem:$0x3FB6]  }
0x39: {  	_ = 	snop;
	(pc) =	sbr.ind lr, $3  }
0x3a: {  	_ = 	snop  }
0x3b: {  	_ = 	snop  }
0x3c: {  	p2 =	seq.s32 s10, $0x1;
	s10 =	sld [smem:$0x3FB5]  }
0x3d: {  	_ =	shalt  }
0x3e: {  	_ =	shalt  }
0x3f: {  	_ =	shalt  }
0x40: {  	_ =	shalt  }
0x41: {  	_ =	shalt  }
0x42: {  	_ =	shalt  }
0x43: {  	_ =	shalt  }
0x44: {  	_ =	shalt  }
0x45: {  	_ =	shalt  }
0x46: {  	_ =	shalt  }
0x47: {  	_ =	shalt  }
0x48: {  	_ =	shalt  }
0x49: {  	_ =	shalt  }
0x4a: {  	_ =	shalt  }
0x4b: {  	_ =	shalt  }
0x4c: {  	_ =	shalt  }
0x4d: {  	_ =	shalt  }
0x4e: {  	_ =	shalt  }
0x4f: {  	_ =	shalt  }
0x50: {  	_ =	shalt  }
0x51: {  	_ =	shalt  }
0x52: {  	_ =	shalt  }
0x53: {  	_ =	shalt  }
0x54: {  	_ =	shalt  }
0x55: {  	_ =	shalt  }
0x56: {  	_ =	shalt  }
0x57: {  	_ =	shalt  }
0x58: {  	_ =	shalt  }
0x59: {  	_ =	shalt  }
0x5a: {  	_ =	shalt  }
0x5b: {  	_ =	shalt  }
0x5c: {  	_ =	shalt  }
0x5d: {  	_ =	shalt  }
0x5e: {  	_ =	shalt  }
0x5f: {  	_ =	shalt  }
0x60: {  	_ =	shalt  }
0x61: {  	_ =	shalt  }
0x62: {  	_ =	shalt  }
0x63: {  	_ =	shalt  }
0x64: {  	_ =	shalt  }
0x65: {  	_ =	shalt  }
0x66: {  	_ =	shalt  }
0x67: {  	_ =	shalt  }
0x68: {  	_ =	shalt  }
0x69: {  	_ =	shalt  }
0x6a: {  	_ =	shalt  }
0x6b: {  	_ =	shalt  }
0x6c: {  	_ =	shalt  }
0x6d: {  	_ =	shalt  }
0x6e: {  	_ =	shalt  }
0x6f: {  	_ =	shalt  }
0x70: {  	_ =	shalt  }
0x71: {  	_ =	shalt  }
0x72: {  	_ =	shalt  }
0x73: {  	_ =	shalt  }
0x74: {  	_ =	shalt  }
0x75: {  	_ =	shalt  }
0x76: {  	_ =	shalt  }
0x77: {  	_ =	shalt  }
0x78: {  	_ =	shalt  }
0x79: {  	_ =	shalt  }
0x7a: {  	_ =	shalt  }
0x7b: {  	_ =	shalt  }
0x7c: {  	_ =	shalt  }
0x7d: {  	_ =	shalt  }
0x7e: {  	_ =	shalt  }
0x7f: {  	_ =	shalt  }
0x80: {  	_ =	shalt  }
0x81: {  	_ =	shalt  }
0x82: {  	_ =	shalt  }
0x83: {  	_ =	shalt  }
0x84: {  	_ =	shalt  }
0x85: {  	_ =	shalt  }
0x86: {  	_ =	shalt  }
0x87: {  	_ =	shalt  }
.Lfunc_end0:
.L_simem_size_0:
called_computation_lowered:
.L_overlay_start_0:
0x88: {  	s2 =	sld [smem:$0x3FD9]  }
0x89: {  	s3 =	sld [smem:$0x3FFE];
	_ =	sdelay $0x1  }
0x8a: {  	s1 =	srdreg.scid  }
0x8b: {  	s0 =	sand.u32 $0x1, s1  }
0x8c: {  	s17 =	sshll.u32 s0, $0xA;
	s2 =	sadd.s32 s3, s2  }
0x8d: {  	s2 =	sadd.s32 s2, s17  }
0x8e: {  	[smem:$0x3FC1] =	sst s2  }
0x8f: {  	_ = 	snop  }
0x90: {  	s2 =	sld [smem:$0x3FD0];
	(tm) =	ssettm $0x1  }
0x91: {  	s18 =	sld [smem:$0x3FFB];
	_ =	sdelay $0x3  }
0x92: {  	_ =	strace s18  }
0x93: {  	s3 =	sld [smem:$0x3FFC];
	_ =	sdelay $0x3  }
0x94: {  	_ =	strace s3  }
0x95: {  	s3 =	sld [smem:$0x3FFD];
	_ =	sdelay $0x3  }
0x96: {  	_ =	strace s3  }
0x97: {  	_ =	strace $0x8FFFFFFF  }
0x98: {  	s19 =	sld [smem:$0x3FDB];
	_ =	sdelay $0x1  }
0x99: {  	s4 =	simm.s32 $_scs_section_size  }
0x9a: {  	s5 =	simm.s32 $_size__tile_overlayer_lowered;
	s6 =	simm.s32 $_tile_overlayer_lowered  }
0x9b: {  	s22 =	simm.s32 $0x1BFF;
	s21 =	sshll.u32 s6, $0x1;
	s3 =	sadd.s32 s4, s19  }
0x9c: {  	s7 =	simm.s32 $0x0;
	s20 =	sshll.u32 s5, $0x1;
	s5 =	sadd.s32 s21, s3  }
0x9d: {  	[timem:s7], [sflag:s22] =	dma.local [hbm:s5], s20  }
0x9e: {  	_ =	swait.ge [sflag:s22], s20  }
0x9f: {  	s4 =	ssub.s32 $0x0, s20;
	[sflag:s22] =	ssyncset.done $0x0  }
0xa0: {  	[sflag:s22] =	ssyncadd.s32 s4;
	_ =	sdelay $0x1  }
0xa1: {  	s23 =	simm.s32 $0x1B8B  }
0xa2: {  	_ =	swait.ge [sflag:s23], $0x1  }
0xa3: {  	[sflag:s23] =	ssyncset.done $0x0  }
0xa4: {  	s25 =	simm.s32 $0x1B8E;
	s24 =	sld [smem:$0x3FFE];
	[sflag:s23] =	ssyncadd.s32 $0xFFFFFFFF  }
0xa5: {  	s26 =	simm.s32 $execute0_lowered;
	[smem:$0x3FD2] =	sst s25  }
0xa6: {  	s5 =	sshll.u32 s26, $0x1;
	_ =	strace $0x80000046;
	[dreg:$0x1] =	wrdreg $0xFFFFFFFF  }
0xa7: {  	s28 =	simm.s32 $_size_execute0_lowered;
	s3 =	sadd.s32 s3, s5;
	[dreg:$0x0] =	wrdreg $0x0  }
0xa8: {  	s5 =	sshll.u32 s28, $0x1;
	[dreg:$0x2] =	wrdreg s3  }
0xa9: {  	[dreg:$0x3] =	wrdreg s5  }
0xaa: {  	[dreg:$0x4] =	wrdreg $0xC0  }
0xab: {  	_ =	task [dreg:s7], $0x5FFFF  }
0xac: {  	[dreg:$0x1] =	wrdreg $0xFFFFFFFF  }
0xad: {  	[dreg:$0x0] =	wrdreg $0x60  }
0xae: {  	[dreg:$0x2] =	wrdreg s24  }
0xaf: {  	[dreg:$0x3] =	wrdreg s2  }
0xb0: {  	[dreg:$0x4] =	wrdreg $0x9  }
0xb1: {  	_ =	task.clear_ibuf [dreg:s7], $0x5FFFF;
	_ =	strace $0x90000046  }
0xb2: {  	s29 =	simm.s32 $0x9;
	_ =	strace $0x80000048  }
0xb3: {  	_ =	swait.ge [sflag:s29], $0x1  }
0xb4: {  	[sflag:s29] =	ssyncadd.s32 $0xFFFFFFFF  }
0xb5: {  	_ =	strace $0x90000048  }
0xb6: {  	_ =	sfence  }
0xb7: {  	s30 =	sld [smem:$0x0];
	_ =	sdelay $0x2  }
0xb8: {  	s31 =	sshll.u32 s1, $0xD;
	s1 =	sshrl.u32 s1, $0x2  }
0xb9: {  	s3 =	sand.u32 $0x4000, s31;
	s1 =	sadd.s32 s1, s30  }
0xba: {  	s0 =	sor.u32 s3, s0;
	s1 =	sshll.u32 s1, $0x11  }
0xbb: {  	s0 =	sor.u32 s1, s0  }
0xbc: {  	s0 =	sadd.s32 $0x8F2B, s0  }
0xbd: {  	[sflag:s0] =	ssyncadd.remote.s32 $0x1  }
0xbe: {  	_ =	sfence.sel $0xFFFF  }
0xbf: {  	[dreg:$0x0] =	wrdreg $0xFFFFFFFF;
	(pc) =	sbr.abs _section_cstart, $3  }
0xc0: {  	[dreg:$0x1] =	wrdreg $0xFFFFFFFF  }
0xc1: {  	_ =	task.clear_ibuf [dreg:s7], $0x2FFFF;
	_ =	strace $0x9FFFFFFF  }
0xc2: {  	(tm) =	ssettm $0x7FFFFFFF  }
0xc3: {  	_ =	shalt  }
tec
execute0_lowered:
.L_overlay_start_1:
0x0: {  	(tag) =	ssettag $0x1  }
0x1: {  	s0 =	rddreg [dreg:$0x0];
	s1 =	srdreg.scid  }
0x2: {  	s2 =	stileid.u32;
	s9 =	rddreg [dreg:$0x1]  }
0x3: {  	s11 =	simm.s32 $0x80;
	s12 =	simm.s32 $0x400;
	s13 =	simm.s32 $0x1  }
0x4: {  	s14 =	simm.s32 $0x2;
	s16 =	simm.s32 $0x11080;
	s18 =	simm.s32 $0x15080  }
0x5: {  	s19 =	simm.s32 $0x3;
	s24 =	simm.s32 $0x10B80;
	s25 =	simm.s32 $0x10C00  }
0x6: {  	s26 =	simm.s32 $0x10C80;
	s1 =	sand.u32 $0x1, s1;
	s3 =	sshll.u32 s2, $0x1  }
0x7: {  	s28 =	simm.s32 $0x0;
	s2 =	simm.s32 $0x0;
	s7 =	sor.u32 s1, s3  }
0x8: {  	v0 =	vlaneseq.u32;
	[smem:$0x7FF] =	sst s2;
	s1 =	ssub.s32 $0x2, s1;
	s3 =	sshll.u32 s7, $0x11  }
0x9: {  	v1 =	vor.u32 $0x60, v0;
	v2 =	vor.u32 $0x70, v0;
	v3 =	vor.u32 $0x20, v0;
	_ =	strace $0x80000047;
	s5 =	sshll.u32 s7, $0xE;
	s6 =	sshrl.u32 s1, $0x1  }
0xa: {  	v4 =	vor.u32 $0x30, v0;
	v5 =	vor.u32 $0x40, v0;
	v6 =	vor.u32 $0x50, v0;
	s10 =	sshll.u32 s7, $0x7;
	s4 =	sadd.s32 s3, s0;
	s3 =	sadd.s32 $0x482200, s0  }
0xb: {  	v7 =	vor.u32 $0x10, v0;
	v8 =	vor.u32 $0xC0, v0;
	v9 =	vor.u32 $0xD0, v0;
	s0 =	sadd.s32 s5, s0;
	s1 =	ssub.s32 s1, s6;
	s9 =	sadd.s32 s9, s10  }
0xc: {  	v10 =	vor.u32 $0xE0, v0;
	v11 =	vor.u32 $0xF0, v0;
	v12 =	vor.u32 $0x80, v0;
	s4 =	sadd.s32 $0x82200, s4;
	s5 =	sadd.s32 $0x2200, s0;
	s6 =	sadd.s32 $0x3200, s0  }
0xd: {  	v13 =	vor.u32 $0x90, v0;
	v14 =	vor.u32 $0xA0, v0;
	v15 =	vor.u32 $0xB0, v0;
	s7 =	sadd.s32 $0x4200, s0;
	s8 =	sadd.s32 $0x5200, s0;
	s10 =	smax.u32 s1, $0x1  }
.LBB2_1:
0xe: {  	[tilespmem:s2], [sflag:$0x2] =	stream.strided.gather [hbm4b:s4+s11], $0x8000, s12, s11, $0x38;
	[tilespmem:$0x19180] =	vst v63  }
0xf: {  	p0 =	por $0x0, $0x0;
	s29 =	simm.s32 $0x0  }
.LBB2_3:
0x10: {  	s31 =	smov.u32 s29;
	s29 =	sadd.s32 $0x1, s29  }
0x11: {  	s0 =	simm.s32 $0x1;
	_ =	swait.ge [sflag:s14], $0x8000;
	s1 =	smin.u32 s29, $0x1F  }
0x12: {  	s0 =	simm.s32 @!p0 $0x0;
	s15 =	sshll.u32 s1, $0xC;
	s1 =	sshll.u32 s1, $0x4  }
0x13: {  	[sflag:s14] =	ssyncset.done $0x0;
	s0 =	sshll.u32 s0, $0xF;
	s21 =	sor.u32 s1, s15  }
0x14: {  	s22 =	sshll.u32 s29, $0xF;
	s20 =	sor.u32 $0x200, s0;
	s0 =	sand.u32 $0x18070, s21  }
0x15: {  	[sflag:s14] =	ssyncadd.s32 $0xFFFF8000;
	s1 =	sand.u32 $0x8000, s22;
	s0 =	sadd.s32 s0, s4  }
0x16: {  	[tilespmem:s1], [sflag:$0x2] =	stream.strided.gather [hbm4b:s0+s11], $0x8000, s12, s11, $0x38;
	[tilespmem:$0x19180] =	vst v63  }
0x17: {  	v16 =	vld [tilespmem:s20+$0xFFFFFEF0]  }
0x18: {  	v17 =	vld [tilespmem:s20+$0xFFFFFED0]  }
0x19: {  	v18 =	vld [tilespmem:s20+$0xFFFFFEE0]  }
0x1a: {  	v19 =	vld [tilespmem:s20+$0xFFFFFE00]  }
0x1b: {  	v20 =	vld [tilespmem:s20+$0xFFFFFEB0]  }
0x1c: {  	v21 =	vld [tilespmem:s20+$0xFFFFFEA0]  }
0x1d: {  	v22 =	vld [tilespmem:s20+$0xFFFFFEC0]  }
0x1e: {  	v23 =	vld [tilespmem:s20+$0xFFFFFE90]  }
0x1f: {  	v24 =	vld [tilespmem:s20+$0xFFFFFE80]  }
0x20: {  	v25 =	vld [tilespmem:s20+$0xFFFFFE70]  }
0x21: {  	v26 =	vld [tilespmem:s20+$0xFFFFFE60]  }
0x22: {  	v27 =	vld [tilespmem:s20+$0xFFFFFE50]  }
0x23: {  	v28 =	vld [tilespmem:s20+$0xFFFFFE40]  }
0x24: {  	v29 =	vld [tilespmem:s20+$0xFFFFFE30]  }
0x25: {  	v30 =	vld [tilespmem:s20+$0xFFFFFE20]  }
0x26: {  	v31 =	vld [tilespmem:s20+$0xFFFFFE10];
	_ =	sdelay $0x2  }
0x27: {  	v19 =	vmin.f32 v19, v24;
	v22 =	vmin.f32 v28, v22;
	v20 =	vmin.f32 v29, v20  }
0x28: {  	v21 =	vmin.f32 v30, v21;
	v18 =	vmin.f32 v26, v18;
	v16 =	vmin.f32 v25, v16  }
0x29: {  	v50 =	vmin.f32 v31, v23;
	v17 =	vmin.f32 v27, v17;
	v19 =	vmin.f32 v19, v22  }
0x2a: {  	v18 =	vmin.f32 v21, v18;
	v17 =	vmin.f32 v50, v17;
	v16 =	vmin.f32 v20, v16  }
0x2b: {  	v18 =	vmin.f32 v19, v18;
	v16 =	vmin.f32 v17, v16  }
0x2c: {  	s15 =	simm.s32 $0x0;
	v16 =	vmin.f32 v18, v16  }
0x2d: {  	[tilespmem:s15+$0x10000] =	vst v16  }
0x2e: {  	v16 =	vld [tilespmem:s20+$0xFFFFFFF0]  }
0x2f: {  	v17 =	vld [tilespmem:s20+$0xFFFFFF80]  }
0x30: {  	v18 =	vld [tilespmem:s20+$0xFFFFFFD0]  }
0x31: {  	v19 =	vld [tilespmem:s20+$0xFFFFFFB0]  }
0x32: {  	v20 =	vld [tilespmem:s20+$0xFFFFFF70]  }
0x33: {  	v51 =	vld [tilespmem:s20+$0xFFFFFF90]  }
0x34: {  	v52 =	vld [tilespmem:s20+$0xFFFFFF30]  }
0x35: {  	v53 =	vld [tilespmem:s20+$0xFFFFFFC0]  }
0x36: {  	v54 =	vld [tilespmem:s20+$0xFFFFFF40]  }
0x37: {  	v55 =	vld [tilespmem:s20+$0xFFFFFFE0]  }
0x38: {  	v56 =	vld [tilespmem:s20+$0xFFFFFF50]  }
0x39: {  	v57 =	vld [tilespmem:s20+$0xFFFFFF10]  }
0x3a: {  	v58 =	vld [tilespmem:s20+$0xFFFFFFA0]  }
0x3b: {  	v59 =	vld [tilespmem:s20+$0xFFFFFF60]  }
0x3c: {  	v60 =	vld [tilespmem:s20+$0xFFFFFF20]  }
0x3d: {  	v61 =	vld [tilespmem:s20+$0xFFFFFF00];
	_ =	sdelay $0x2  }
0x3e: {  	v16 =	vmin.f32 v20, v16;
	v19 =	vmin.f32 v52, v19;
	v20 =	vmin.f32 v54, v53  }
0x3f: {  	v21 =	vmin.f32 v57, v51;
	v18 =	vmin.f32 v56, v18;
	v62 =	vmin.f32 v59, v55  }
0x40: {  	v63 =	vmin.f32 v60, v58;
	v17 =	vmin.f32 v61, v17;
	v18 =	vmin.f32 v21, v18  }
0x41: {  	v17 =	vmin.f32 v17, v20;
	v20 =	vmin.f32 v63, v62;
	v16 =	vmin.f32 v19, v16  }
0x42: {  	v17 =	vmin.f32 v17, v20;
	v16 =	vmin.f32 v18, v16  }
0x43: {  	v16 =	vmin.f32 v17, v16  }
0x44: {  	[tilespmem:s15+$0x10010] =	vst v16  }
0x45: {  	v16 =	vld [tilespmem:s20+$0x80]  }
0x46: {  	v19 =	vld [tilespmem:s20+$0xE0]  }
0x47: {  	s17 =	simm.s32 $0x100;
	s23 =	sshll.u32 s31, $0xF;
	v17 =	vld [tilespmem:s20+$0xA0]  }
0x48: {  	s30 =	sand.u32 $0x8000, s23;
	s1 =	simm.s32 $0x0;
	s0 =	smov.u32 s20;
	v18 =	vld [tilespmem:s20+$0x90]  }
.LBB2_4:
0x49: {  	p1 =	sne.s32 s17, $0x1F00  }
0x4a: {  	v20 =	vld [tilespmem:s20+$0xB0];
	s0 =	sadd.s32 $0x400, s0;
	s21 =	smov.u32 s17;
	s17 =	sadd.s32 $0x100, s17  }
0x4b: {  	v21 =	vld [tilespmem:s20+$0xC0]  }
0x4c: {  	v22 =	vld [tilespmem:s20+$0x60]  }
0x4d: {  	v23 =	vld [tilespmem:s20+$0xF0]  }
0x4e: {  	v24 =	vld [tilespmem:s20+$0xD0]  }
0x4f: {  	v25 =	vld [tilespmem:s20+$0x50]  }
0x50: {  	v26 =	vld [tilespmem:s20+$0x40]  }
0x51: {  	v27 =	vld [tilespmem:s20+$0x30]  }
0x52: {  	v28 =	vld [tilespmem:s20+$0x70]  }
0x53: {  	v29 =	vld [tilespmem:s20+$0x10]  }
0x54: {  	v19 =	vmin.f32 v22, v19;
	v30 =	vld [tilespmem:s20+$0x0]  }
0x55: {  	v24 =	vmin.f32 v25, v24;
	v22 =	vld [tilespmem:s20+$0x20];
	v21 =	vmin.f32 v26, v21;
	_ =	sdelay $0x1  }
0x56: {  	v23 =	vmin.f32 v28, v23  }
0x57: {  	v20 =	vmin.f32 v27, v20;
	v18 =	vmin.f32 v29, v18  }
0x58: {  	v20 =	vmin.f32 v20, v23;
	v16 =	vmin.f32 v30, v16;
	v18 =	vmin.f32 v18, v24  }
0x59: {  	v17 =	vmin.f32 v22, v17  }
0x5a: {  	v16 =	vmin.f32 v16, v21;
	v17 =	vmin.f32 v17, v19  }
0x5b: {  	v16 =	vmin.f32 v16, v17;
	v17 =	vmin.f32 v18, v20  }
0x5c: {  	v16 =	vmin.f32 v16, v17  }
0x5d: {  	[tilespmem:s15+$0x10020] =	vst v16  }
0x5e: {  	v16 =	vld [tilespmem:s20+$0x100]  }
0x5f: {  	v17 =	vld [tilespmem:s20+$0x110]  }
0x60: {  	v18 =	vld [tilespmem:s20+$0x120]  }
0x61: {  	v19 =	vld [tilespmem:s20+$0x130]  }
0x62: {  	v20 =	vld [tilespmem:s20+$0x140]  }
0x63: {  	v21 =	vld [tilespmem:s20+$0x170]  }
0x64: {  	v22 =	vld [tilespmem:s20+$0x1F0]  }
0x65: {  	v23 =	vld [tilespmem:s20+$0x1C0]  }
0x66: {  	v24 =	vld [tilespmem:s20+$0x1B0]  }
0x67: {  	v25 =	vld [tilespmem:s20+$0x150]  }
0x68: {  	v26 =	vld [tilespmem:s20+$0x160]  }
0x69: {  	v27 =	vld [tilespmem:s20+$0x1D0]  }
0x6a: {  	v28 =	vld [tilespmem:s20+$0x190];
	v20 =	vmin.f32 v20, v23  }
0x6b: {  	v21 =	vmin.f32 v21, v22;
	v23 =	vld [tilespmem:s20+$0x180];
	v19 =	vmin.f32 v19, v24  }
0x6c: {  	v22 =	vld [tilespmem:s20+$0x1E0];
	v19 =	vmin.f32 v19, v21  }
0x6d: {  	v21 =	vld [tilespmem:s20+$0x1A0];
	s20 =	smov.u32 s0;
	_ =	sdelay $0x1  }
0x6e: {  	v24 =	vmin.f32 v25, v27;
	v17 =	vmin.f32 v17, v28  }
0x6f: {  	v16 =	vmin.f32 v16, v23;
	v17 =	vmin.f32 v17, v24  }
0x70: {  	v17 =	vmin.f32 v17, v19  }
0x71: {  	v19 =	vmin.f32 v26, v22;
	v18 =	vmin.f32 v18, v21  }
0x72: {  	v16 =	vmin.f32 v16, v20;
	v18 =	vmin.f32 v18, v19  }
0x73: {  	v16 =	vmin.f32 v16, v18  }
0x74: {  	v16 =	vmin.f32 v16, v17  }
0x75: {  	[tilespmem:s15+$0x10030] =	vst v16  }
0x76: {  	v16 =	vld [tilespmem:s0+$0xFFFFFEF0]  }
0x77: {  	v17 =	vld [tilespmem:s0+$0xFFFFFED0]  }
0x78: {  	v18 =	vld [tilespmem:s0+$0xFFFFFEE0]  }
0x79: {  	v19 =	vld [tilespmem:s0+$0xFFFFFE00]  }
0x7a: {  	v20 =	vld [tilespmem:s0+$0xFFFFFEB0]  }
0x7b: {  	v21 =	vld [tilespmem:s0+$0xFFFFFEA0]  }
0x7c: {  	v22 =	vld [tilespmem:s0+$0xFFFFFEC0]  }
0x7d: {  	v23 =	vld [tilespmem:s0+$0xFFFFFE90]  }
0x7e: {  	v24 =	vld [tilespmem:s0+$0xFFFFFE80]  }
0x7f: {  	v25 =	vld [tilespmem:s0+$0xFFFFFE70]  }
0x80: {  	v26 =	vld [tilespmem:s0+$0xFFFFFE60]  }
0x81: {  	v27 =	vld [tilespmem:s0+$0xFFFFFE50]  }
0x82: {  	v28 =	vld [tilespmem:s0+$0xFFFFFE40]  }
0x83: {  	v29 =	vld [tilespmem:s0+$0xFFFFFE30];
	v19 =	vmin.f32 v19, v24  }
0x84: {  	v24 =	vld [tilespmem:s0+$0xFFFFFE20]  }
0x85: {  	v30 =	vld [tilespmem:s0+$0xFFFFFE10];
	_ =	sdelay $0x1  }
0x86: {  	v22 =	vmin.f32 v28, v22  }
0x87: {  	v20 =	vmin.f32 v29, v20;
	v19 =	vmin.f32 v19, v22  }
0x88: {  	v16 =	vmin.f32 v25, v16;
	v18 =	vmin.f32 v26, v18;
	v21 =	vmin.f32 v24, v21  }
0x89: {  	v17 =	vmin.f32 v27, v17;
	v22 =	vmin.f32 v30, v23;
	v18 =	vmin.f32 v21, v18  }
0x8a: {  	v16 =	vmin.f32 v20, v16;
	v17 =	vmin.f32 v22, v17;
	v18 =	vmin.f32 v19, v18  }
0x8b: {  	v16 =	vmin.f32 v17, v16  }
0x8c: {  	s15 =	sshra.s32 s21, $0x2;
	v16 =	vmin.f32 v18, v16  }
0x8d: {  	[tilespmem:s15+$0x10000] =	vst v16  }
0x8e: {  	v16 =	vld [tilespmem:s0+$0xFFFFFFF0]  }
0x8f: {  	v17 =	vld [tilespmem:s0+$0xFFFFFF80]  }
0x90: {  	v18 =	vld [tilespmem:s0+$0xFFFFFFD0]  }
0x91: {  	v19 =	vld [tilespmem:s0+$0xFFFFFFB0]  }
0x92: {  	v20 =	vld [tilespmem:s0+$0xFFFFFF70]  }
0x93: {  	v21 =	vld [tilespmem:s0+$0xFFFFFF90]  }
0x94: {  	v22 =	vld [tilespmem:s0+$0xFFFFFF30]  }
0x95: {  	v23 =	vld [tilespmem:s0+$0xFFFFFFC0]  }
0x96: {  	v24 =	vld [tilespmem:s0+$0xFFFFFF40]  }
0x97: {  	v25 =	vld [tilespmem:s0+$0xFFFFFFE0];
	v16 =	vmin.f32 v20, v16  }
0x98: {  	v20 =	vld [tilespmem:s0+$0xFFFFFF50]  }
0x99: {  	v26 =	vld [tilespmem:s0+$0xFFFFFF10];
	v19 =	vmin.f32 v22, v19  }
0x9a: {  	v22 =	vld [tilespmem:s0+$0xFFFFFFA0]  }
0x9b: {  	v27 =	vld [tilespmem:s0+$0xFFFFFF60];
	v23 =	vmin.f32 v24, v23  }
0x9c: {  	v24 =	vld [tilespmem:s0+$0xFFFFFF20]  }
0x9d: {  	v28 =	vld [tilespmem:s0+$0xFFFFFF00]  }
0x9e: {  	v21 =	vmin.f32 v26, v21  }
0x9f: {  	v18 =	vmin.f32 v20, v18  }
0xa0: {  	v20 =	vmin.f32 v27, v25  }
0xa1: {  	v22 =	vmin.f32 v24, v22  }
0xa2: {  	v18 =	vmin.f32 v21, v18;
	v17 =	vmin.f32 v28, v17  }
0xa3: {  	v16 =	vmin.f32 v19, v16;
	v20 =	vmin.f32 v22, v20;
	v17 =	vmin.f32 v17, v23  }
0xa4: {  	v16 =	vmin.f32 v18, v16;
	v17 =	vmin.f32 v17, v20  }
0xa5: {  	v16 =	vmin.f32 v17, v16  }
.Ltmp0:
0xa6: {  	[tilespmem:s15+$0x10010] =	vst v16;
	(pc) =	sbr.rel @p1 .LBB2_4-.Ltmp0, $4  }
0xa7: {  	v16 =	vld [tilespmem:s0+$0x80]  }
0xa8: {  	v19 =	vld [tilespmem:s0+$0xE0]  }
0xa9: {  	v17 =	vld [tilespmem:s0+$0xA0]  }
0xaa: {  	v18 =	vld [tilespmem:s0+$0x90]  }
0xab: {  	v20 =	vld [tilespmem:s20+$0xB0]  }
0xac: {  	v21 =	vld [tilespmem:s20+$0xC0]  }
0xad: {  	v22 =	vld [tilespmem:s20+$0x60]  }
0xae: {  	v23 =	vld [tilespmem:s20+$0xF0]  }
0xaf: {  	v24 =	vld [tilespmem:s20+$0xD0]  }
0xb0: {  	v25 =	vld [tilespmem:s20+$0x50]  }
0xb1: {  	v26 =	vld [tilespmem:s20+$0x40]  }
0xb2: {  	v27 =	vld [tilespmem:s20+$0x30]  }
0xb3: {  	v28 =	vld [tilespmem:s20+$0x70]  }
0xb4: {  	v29 =	vld [tilespmem:s20+$0x10]  }
0xb5: {  	v30 =	vld [tilespmem:s20+$0x0]  }
0xb6: {  	v31 =	vld [tilespmem:s20+$0x20];
	_ =	sdelay $0x2  }
0xb7: {  	v19 =	vmin.f32 v22, v19;
	v21 =	vmin.f32 v26, v21;
	v22 =	vmin.f32 v25, v24  }
0xb8: {  	v23 =	vmin.f32 v28, v23;
	v18 =	vmin.f32 v29, v18;
	v20 =	vmin.f32 v27, v20  }
0xb9: {  	v16 =	vmin.f32 v30, v16;
	v17 =	vmin.f32 v31, v17;
	v18 =	vmin.f32 v18, v22  }
0xba: {  	v20 =	vmin.f32 v20, v23;
	v16 =	vmin.f32 v16, v21;
	v17 =	vmin.f32 v17, v19  }
0xbb: {  	v16 =	vmin.f32 v16, v17;
	v17 =	vmin.f32 v18, v20  }
0xbc: {  	v16 =	vmin.f32 v16, v17  }
0xbd: {  	[tilespmem:s15+$0x10020] =	vst v16  }
0xbe: {  	v16 =	vld [tilespmem:s20+$0x100]  }
0xbf: {  	v17 =	vld [tilespmem:s20+$0x110]  }
0xc0: {  	v18 =	vld [tilespmem:s20+$0x120]  }
0xc1: {  	v19 =	vld [tilespmem:s20+$0x130]  }
0xc2: {  	v20 =	vld [tilespmem:s20+$0x140]  }
0xc3: {  	v21 =	vld [tilespmem:s20+$0x170]  }
0xc4: {  	v22 =	vld [tilespmem:s20+$0x1F0]  }
0xc5: {  	v23 =	vld [tilespmem:s20+$0x1C0]  }
0xc6: {  	v24 =	vld [tilespmem:s20+$0x1B0]  }
0xc7: {  	v25 =	vld [tilespmem:s20+$0x150]  }
0xc8: {  	v26 =	vld [tilespmem:s20+$0x160]  }
0xc9: {  	v27 =	vld [tilespmem:s20+$0x1D0]  }
0xca: {  	v28 =	vld [tilespmem:s20+$0x190]  }
0xcb: {  	v29 =	vld [tilespmem:s20+$0x180]  }
0xcc: {  	v31 =	vld [tilespmem:s20+$0x1A0]  }
0xcd: {  	v30 =	vld [tilespmem:s20+$0x1E0];
	_ =	sdelay $0x2  }
0xce: {  	v20 =	vmin.f32 v20, v23;
	v19 =	vmin.f32 v19, v24;
	v21 =	vmin.f32 v21, v22  }
0xcf: {  	v17 =	vmin.f32 v17, v28;
	v16 =	vmin.f32 v16, v29;
	v18 =	vmin.f32 v18, v31  }
0xd0: {  	v22 =	vmin.f32 v26, v30;
	v19 =	vmin.f32 v19, v21;
	v21 =	vmin.f32 v25, v27  }
0xd1: {  	v16 =	vmin.f32 v16, v20;
	v18 =	vmin.f32 v18, v22;
	v17 =	vmin.f32 v17, v21  }
0xd2: {  	v16 =	vmin.f32 v16, v18;
	v17 =	vmin.f32 v17, v19  }
0xd3: {  	v16 =	vmin.f32 v16, v17  }
0xd4: {  	s0 =	simm.s32 $0x10080;
	[tilespmem:s15+$0x10030] =	vst v16  }
0xd5: {  	v16 =	vld [tilespmem:s0+$0x0]  }
0xd6: {  	v18 =	vld [tilespmem:s0+$0xFFFFFF80]  }
0xd7: {  	v19 =	vld [tilespmem:s0+$0xFFFFFFC0]  }
0xd8: {  	v22 =	vld [tilespmem:s0+$0x40]  }
0xd9: {  	v17 =	vld [tilespmem:s0+$0xFFFFFFA0]  }
0xda: {  	v20 =	vld [tilespmem:s0+$0x20]  }
0xdb: {  	v21 =	vld [tilespmem:s0+$0xFFFFFFE0]  }
0xdc: {  	v23 =	vld [tilespmem:s0+$0x60]  }
0xdd: {  	v25 =	vld [tilespmem:s0+$0xFFFFFF90]  }
0xde: {  	v27 =	vld [tilespmem:s0+$0x10]  }
0xdf: {  	v24 =	vld [tilespmem:s0+$0xFFFFFFD0]  }
0xe0: {  	v26 =	vld [tilespmem:s0+$0x50]  }
0xe1: {  	v28 =	vld [tilespmem:s0+$0xFFFFFFB0]  }
0xe2: {  	v30 =	vld [tilespmem:s0+$0x30]  }
0xe3: {  	v29 =	vld [tilespmem:s0+$0xFFFFFFF0]  }
0xe4: {  	s15 =	simm.s32 $0x40;
	v31 =	vld [tilespmem:s0+$0x70]  }
.LBB2_6:
0xe5: {  	p1 =	sne.s32 s15, $0x1C0  }
0xe6: {  	v16 =	vmin.f32 v18, v16;
	v18 =	vmin.f32 v19, v22  }
0xe7: {  	v16 =	vmin.f32 v16, v18  }
0xe8: {  	v17 =	vmin.f32 v17, v20;
	v19 =	vmin.f32 v21, v23;
	v18 =	vmin.f32 v25, v27  }
0xe9: {  	v21 =	vmin.f32 v24, v26;
	v20 =	vmin.f32 v28, v30;
	v22 =	vmin.f32 v29, v31  }
0xea: {  	v17 =	vmin.f32 v17, v19;
	v18 =	vmin.f32 v18, v21;
	v19 =	vmin.f32 v20, v22  }
0xeb: {  	v16 =	vmin.f32 v16, v17;
	v17 =	vmin.f32 v18, v19  }
0xec: {  	s17 =	sshra.s32 s1, $0x2;
	s1 =	smov.u32 s15;
	v16 =	vmin.f32 v16, v17  }
0xed: {  	s0 =	sadd.s32 $0x100, s0;
	[tilespmem:s17+$0x10800] =	vst v16  }
0xee: {  	v16 =	vld [tilespmem:s0+$0x0]  }
0xef: {  	v18 =	vld [tilespmem:s0+$0xFFFFFF80]  }
0xf0: {  	v19 =	vld [tilespmem:s0+$0xFFFFFFC0]  }
0xf1: {  	v22 =	vld [tilespmem:s0+$0x40]  }
0xf2: {  	v17 =	vld [tilespmem:s0+$0xFFFFFFA0]  }
0xf3: {  	v20 =	vld [tilespmem:s0+$0x20]  }
0xf4: {  	v21 =	vld [tilespmem:s0+$0xFFFFFFE0]  }
0xf5: {  	v23 =	vld [tilespmem:s0+$0x60]  }
0xf6: {  	v25 =	vld [tilespmem:s0+$0xFFFFFF90]  }
0xf7: {  	v27 =	vld [tilespmem:s0+$0x10]  }
0xf8: {  	v24 =	vld [tilespmem:s0+$0xFFFFFFD0]  }
.Ltmp1:
0xf9: {  	v26 =	vld [tilespmem:s0+$0x50];
	(pc) =	sbr.rel @p1 .LBB2_6-.Ltmp1, $4  }
0xfa: {  	v28 =	vld [tilespmem:s0+$0xFFFFFFB0]  }
0xfb: {  	v30 =	vld [tilespmem:s0+$0x30]  }
0xfc: {  	v29 =	vld [tilespmem:s0+$0xFFFFFFF0]  }
0xfd: {  	s15 =	sadd.s32 $0x40, s15;
	v31 =	vld [tilespmem:s0+$0x70]  }
0xfe: {  	_ =	sdelay $0x1  }
0xff: {  	v16 =	vmin.f32 v18, v16;
	v18 =	vmin.f32 v19, v22;
	v17 =	vmin.f32 v17, v20  }
0x100: {  	v19 =	vmin.f32 v21, v23;
	v62 =	vmin.f32 v24, v26;
	v16 =	vmin.f32 v16, v18  }
0x101: {  	v18 =	vmin.f32 v25, v27;
	v61 =	vmin.f32 v28, v30;
	v63 =	vmin.f32 v29, v31  }
0x102: {  	v17 =	vmin.f32 v17, v19;
	v18 =	vmin.f32 v18, v62;
	v19 =	vmin.f32 v61, v63  }
0x103: {  	v16 =	vmin.f32 v16, v17;
	v17 =	vmin.f32 v18, v19  }
0x104: {  	s0 =	sshra.s32 s1, $0x2;
	v16 =	vmin.f32 v16, v17  }
0x105: {  	s1 =	simm.s32 $0x0;
	[tilespmem:s0+$0x10800] =	vst v16;
	s0 =	sshll.u32 s31, $0x5;
	v16 =	vmov s30  }
.LBB2_8:
0x106: {  	v18 =	vld [tilespmem:$0x10800]  }
0x107: {  	v19 =	vld [tilespmem:$0x10810]  }
0x108: {  	v20 =	vld [tilespmem:$0x10820]  }
0x109: {  	v21 =	vld [tilespmem:$0x10830]  }
0x10a: {  	v22 =	vld [tilespmem:$0x10840]  }
0x10b: {  	v23 =	vld [tilespmem:$0x10850]  }
0x10c: {  	v24 =	vld [tilespmem:$0x10860]  }
0x10d: {  	v25 =	vld [tilespmem:$0x10870];
	_ =	sdelay $0x3  }
0x10e: {  	v17 =	vmin.f32 v18, v22  }
0x10f: {  	v26 =	vmin.f32 v19, v23;
	v27 =	vmin.f32 v20, v24;
	v28 =	vmin.f32 v21, v25  }
0x110: {  	v17 =	vmin.f32 v17, v27;
	v26 =	vmin.f32 v26, v28  }
0x111: {  	v17 =	vmin.f32 v17, v26  }
0x112: {  	[tilespmem:$0x19080] =	vst v17  }
0x113: {  	[tilespmem:$0x19090] =	vst v17  }
0x114: {  	v49 =	vld [tilespmem:$0x19088];
	_ =	sdelay $0x4  }
0x115: {  	v17 =	vmin.f32 v17, v49  }
0x116: {  	[tilespmem:$0x19080] =	vst v17  }
0x117: {  	[tilespmem:$0x19090] =	vst v17  }
0x118: {  	v50 =	vld [tilespmem:$0x19084];
	_ =	sdelay $0x4  }
0x119: {  	v17 =	vmin.f32 v17, v50  }
0x11a: {  	[tilespmem:$0x19080] =	vst v17  }
0x11b: {  	[tilespmem:$0x19090] =	vst v17  }
0x11c: {  	v51 =	vld [tilespmem:$0x19082];
	_ =	sdelay $0x4  }
0x11d: {  	v17 =	vmin.f32 v17, v51  }
0x11e: {  	[tilespmem:$0x19080] =	vst v17  }
0x11f: {  	[tilespmem:$0x19090] =	vst v17  }
0x120: {  	v52 =	vld [tilespmem:$0x19081];
	_ =	sdelay $0x4  }
0x121: {  	v17 =	vmin.f32 v17, v52  }
0x122: {  	v17 =	vbroadcast v17, $0x0;
	_ =	sdelay $0x1  }
0x123: {  	vm0 =	veq.f32 v18, v17  }
0x124: {  	vm1 =	veq.f32 v20, v17;
	vm2 =	veq.f32 v24, v17;
	vm3 =	veq.f32 v25, v17  }
0x125: {  	vm4 =	veq.f32 v21, v17;
	v18 =	vnsel vm2, $0x270F, v1;
	v53 =	vnsel vm3, $0x270F, v2  }
0x126: {  	vm10 =	veq.f32 v22, v17;
	v18 =	vsel vm1, v3, v18;
	v20 =	vsel vm4, v4, v53  }
0x127: {  	vm11 =	veq.f32 v23, v17;
	v54 =	vmin.u32 v18, v5;
	v55 =	vmin.u32 v20, v6  }
0x128: {  	vm12 =	veq.f32 v19, v17;
	v18 =	vsel vm10, v54, v18;
	v19 =	vsel vm11, v55, v20  }
0x129: {  	v18 =	vsel vm0, v0, v18;
	v19 =	vsel vm12, v7, v19  }
0x12a: {  	v18 =	vmin.u32 v18, v19  }
0x12b: {  	[tilespmem:$0x19100] =	vst v18  }
0x12c: {  	[tilespmem:$0x19110] =	vst v18  }
0x12d: {  	v19 =	vld [tilespmem:$0x19108];
	_ =	sdelay $0x4  }
0x12e: {  	vm13 =	vlt.s32 v18, v19  }
0x12f: {  	v18 =	vsel vm13, v18, v19  }
0x130: {  	[tilespmem:$0x19100] =	vst v18  }
0x131: {  	[tilespmem:$0x19110] =	vst v18  }
0x132: {  	v19 =	vld [tilespmem:$0x19104];
	_ =	sdelay $0x4  }
0x133: {  	vm0 =	vlt.s32 v18, v19  }
0x134: {  	v18 =	vsel vm0, v18, v19  }
0x135: {  	[tilespmem:$0x19100] =	vst v18  }
0x136: {  	[tilespmem:$0x19110] =	vst v18  }
0x137: {  	v19 =	vld [tilespmem:$0x19102];
	_ =	sdelay $0x4  }
0x138: {  	vm0 =	vlt.s32 v18, v19  }
0x139: {  	v18 =	vsel vm0, v18, v19  }
0x13a: {  	[tilespmem:$0x19100] =	vst v18  }
0x13b: {  	[tilespmem:$0x19110] =	vst v18  }
0x13c: {  	v19 =	vld [tilespmem:$0x19101];
	_ =	sdelay $0x4  }
0x13d: {  	vm0 =	vlt.s32 v18, v19  }
0x13e: {  	v18 =	vsel vm0, v18, v19  }
0x13f: {  	(v2sf) =	vpush v18, $0x0;
	_ =	sdelay $0xe  }
0x140: {  	s15 =	spop (v2sf)  }
0x141: {  	s17 =	sand.u32 $0xF, s15  }
0x142: {  	s20 =	sshra.s32 s15, $0x1F;
	p1 =	slt.s32 s15, $0x1;
	p2 =	sne.s32 s17, $0x0  }
0x143: {  	s21 =	sshrl.u32 s20, $0x1C;
	p1 =	por !p1, !p2  }
0x144: {  	s17 =	simm.s32 $0x1;
	s15 =	sadd.s32 s21, s15;
	p1 =	por !p1, !p1  }
0x145: {  	s15 =	sshra.s32 s15, $0x4;
	s17 =	simm.s32 @!p1 $0x0  }
0x146: {  	s17 =	ssub.s32 s15, s17  }
0x147: {  	s15 =	sshll.u32 s17, $0xA  }
0x148: {  	s15 =	sshra.s32 s15, $0x2  }
0x149: {  	v18 =	vld [tilespmem:s15+$0x10000]  }
0x14a: {  	v19 =	vld [tilespmem:s15+$0x10010]  }
0x14b: {  	v56 =	vld [tilespmem:s15+$0x10020]  }
0x14c: {  	v57 =	vld [tilespmem:s15+$0x10030]  }
0x14d: {  	v58 =	vld [tilespmem:s15+$0x10040]  }
0x14e: {  	v59 =	vld [tilespmem:s15+$0x10050]  }
0x14f: {  	v60 =	vld [tilespmem:s15+$0x10060]  }
0x150: {  	v61 =	vld [tilespmem:s15+$0x10070]  }
0x151: {  	v62 =	vld [tilespmem:s15+$0x10080]  }
0x152: {  	v63 =	vld [tilespmem:s15+$0x10090]  }
0x153: {  	v33 =	vld [tilespmem:s15+$0x100A0]  }
0x154: {  	v31 =	vld [tilespmem:s15+$0x100D0]  }
0x155: {  	v29 =	vld [tilespmem:s15+$0x100B0]  }
0x156: {  	v30 =	vld [tilespmem:s15+$0x100C0]  }
0x157: {  	vm3 =	veq.f32 v18, v17;
	vm0 =	veq.f32 v19, v17;
	vm1 =	veq.f32 v56, v17;
	v18 =	vld [tilespmem:s15+$0x100E0]  }
0x158: {  	vm2 =	veq.f32 v57, v17;
	vm4 =	veq.f32 v58, v17;
	vm5 =	veq.f32 v59, v17;
	v19 =	vld [tilespmem:s15+$0x100F0]  }
0x159: {  	vm6 =	veq.f32 v60, v17;
	vm7 =	veq.f32 v61, v17;
	vm14 =	veq.f32 v31, v17  }
0x15a: {  	vm8 =	veq.f32 v62, v17;
	vm9 =	veq.f32 v63, v17;
	v35 =	vnsel vm14, $0x270F, v9  }
0x15b: {  	vm10 =	veq.f32 v33, v17;
	vm11 =	veq.f32 v30, v17;
	v21 =	vsel vm5, v6, v35  }
0x15c: {  	vm12 =	veq.f32 v29, v17;
	v34 =	vnsel vm11, $0x270F, v8;
	v39 =	vmin.u32 v21, v13  }
0x15d: {  	vm15 =	veq.f32 v18, v17;
	v18 =	vsel vm4, v5, v34;
	vm11 =	veq.f32 v19, v17  }
0x15e: {  	v36 =	vnsel vm15, $0x270F, v10;
	v19 =	vmin.u32 v18, v12;
	v37 =	vnsel vm11, $0x270F, v11  }
0x15f: {  	v18 =	vsel vm8, v19, v18;
	v19 =	vsel vm6, v1, v36;
	v38 =	vsel vm7, v2, v37  }
0x160: {  	v21 =	vsel vm9, v39, v21;
	v40 =	vmin.u32 v19, v14;
	v41 =	vmin.u32 v38, v15  }
0x161: {  	v21 =	vsel vm0, v7, v21;
	v19 =	vsel vm10, v40, v19;
	v20 =	vsel vm12, v41, v38  }
0x162: {  	v18 =	vsel vm3, v0, v18;
	v19 =	vsel vm1, v3, v19;
	v20 =	vsel vm2, v4, v20  }
0x163: {  	v18 =	vmin.u32 v18, v19;
	v19 =	vmin.u32 v21, v20  }
0x164: {  	v18 =	vmin.u32 v18, v19  }
0x165: {  	[tilespmem:$0x19100] =	vst v18  }
0x166: {  	[tilespmem:$0x19110] =	vst v18  }
0x167: {  	v19 =	vld [tilespmem:$0x19108];
	_ =	sdelay $0x4  }
0x168: {  	vm13 =	vlt.s32 v18, v19  }
0x169: {  	v18 =	vsel vm13, v18, v19  }
0x16a: {  	[tilespmem:$0x19100] =	vst v18  }
0x16b: {  	[tilespmem:$0x19110] =	vst v18  }
0x16c: {  	v19 =	vld [tilespmem:$0x19104];
	_ =	sdelay $0x4  }
0x16d: {  	vm0 =	vlt.s32 v18, v19  }
0x16e: {  	v18 =	vsel vm0, v18, v19  }
0x16f: {  	[tilespmem:$0x19100] =	vst v18  }
0x170: {  	[tilespmem:$0x19110] =	vst v18  }
0x171: {  	v19 =	vld [tilespmem:$0x19102];
	_ =	sdelay $0x4  }
0x172: {  	vm0 =	vlt.s32 v18, v19  }
0x173: {  	v18 =	vsel vm0, v18, v19  }
0x174: {  	[tilespmem:$0x19100] =	vst v18  }
0x175: {  	[tilespmem:$0x19110] =	vst v18  }
0x176: {  	v19 =	vld [tilespmem:$0x19101];
	_ =	sdelay $0x4  }
0x177: {  	vm0 =	vlt.s32 v18, v19  }
0x178: {  	v18 =	vsel vm0, v18, v19  }
0x179: {  	(v2sf) =	vpush v18, $0x0;
	_ =	sdelay $0xe  }
0x17a: {  	s22 =	spop (v2sf)  }
0x17b: {  	s21 =	sshra.s32 s22, $0x1F;
	s31 =	sand.u32 $0xF, s22  }
0x17c: {  	p5 =	slt.s32 s22, $0x1;
	s21 =	sshrl.u32 s21, $0x1C;
	p6 =	sne.s32 s31, $0x0  }
0x17d: {  	s17 =	sshll.u32 s17, $0x4;
	s20 =	sadd.s32 s21, s22;
	p1 =	por !p5, !p6  }
0x17e: {  	s21 =	simm.s32 $0x1;
	s20 =	sshra.s32 s20, $0x4;
	p1 =	por !p1, !p1  }
0x17f: {  	s20 =	sadd.s32 s17, s20;
	s21 =	simm.s32 @!p1 $0x0  }
0x180: {  	s21 =	ssub.s32 s20, s21  }
0x181: {  	s20 =	sshll.u32 s21, $0x8  }
0x182: {  	v18 =	vld.idx.msk [tilespmem:v16+s20+$0x0 ss:$0x1], $0xffff  }
0x183: {  	v19 =	vld.idx.msk [tilespmem:v16+s20+$0x10 ss:$0x1], $0xffff  }
0x184: {  	v42 =	vld.idx.msk [tilespmem:v16+s20+$0x20 ss:$0x1], $0xffff  }
0x185: {  	v43 =	vld.idx.msk [tilespmem:v16+s20+$0x30 ss:$0x1], $0xffff  }
0x186: {  	v44 =	vld.idx.msk [tilespmem:v16+s20+$0x40 ss:$0x1], $0xffff  }
0x187: {  	v45 =	vld.idx.msk [tilespmem:v16+s20+$0x50 ss:$0x1], $0xffff  }
0x188: {  	v46 =	vld.idx.msk [tilespmem:v16+s20+$0x60 ss:$0x1], $0xffff  }
0x189: {  	v47 =	vld.idx.msk [tilespmem:v16+s20+$0x70 ss:$0x1], $0xffff  }
0x18a: {  	v48 =	vld.idx.msk [tilespmem:v16+s20+$0x80 ss:$0x1], $0xffff  }
0x18b: {  	v49 =	vld.idx.msk [tilespmem:v16+s20+$0x90 ss:$0x1], $0xffff  }
0x18c: {  	v50 =	vld.idx.msk [tilespmem:v16+s20+$0xA0 ss:$0x1], $0xffff  }
0x18d: {  	v53 =	vld.idx.msk [tilespmem:v16+s20+$0xD0 ss:$0x1], $0xffff  }
0x18e: {  	v51 =	vld.idx.msk [tilespmem:v16+s20+$0xB0 ss:$0x1], $0xffff  }
0x18f: {  	v52 =	vld.idx.msk [tilespmem:v16+s20+$0xC0 ss:$0x1], $0xffff  }
0x190: {  	vm3 =	veq.f32 v18, v17;
	vm0 =	veq.f32 v19, v17;
	vm1 =	veq.f32 v42, v17;
	v18 =	vld.idx.msk [tilespmem:v16+s20+$0xE0 ss:$0x1], $0xffff  }
0x191: {  	vm2 =	veq.f32 v43, v17;
	vm4 =	veq.f32 v44, v17;
	vm5 =	veq.f32 v45, v17;
	v19 =	vld.idx.msk [tilespmem:v16+s20+$0xF0 ss:$0x1], $0xffff  }
0x192: {  	vm6 =	veq.f32 v46, v17;
	vm7 =	veq.f32 v47, v17;
	vm14 =	veq.f32 v53, v17  }
0x193: {  	vm8 =	veq.f32 v48, v17;
	vm9 =	veq.f32 v49, v17;
	v55 =	vnsel vm14, $0x270F, v9  }
0x194: {  	vm10 =	veq.f32 v50, v17;
	vm11 =	veq.f32 v52, v17;
	v21 =	vsel vm5, v6, v55  }
0x195: {  	vm12 =	veq.f32 v51, v17;
	v54 =	vnsel vm11, $0x270F, v8;
	v59 =	vmin.u32 v21, v13  }
0x196: {  	vm15 =	veq.f32 v18, v17;
	v18 =	vsel vm4, v5, v54;
	vm11 =	veq.f32 v19, v17  }
0x197: {  	v56 =	vnsel vm15, $0x270F, v10;
	v19 =	vmin.u32 v18, v12;
	v57 =	vnsel vm11, $0x270F, v11  }
0x198: {  	v18 =	vsel vm8, v19, v18;
	v19 =	vsel vm6, v1, v56;
	v58 =	vsel vm7, v2, v57  }
0x199: {  	v21 =	vsel vm9, v59, v21;
	v60 =	vmin.u32 v19, v14;
	v61 =	vmin.u32 v58, v15  }
0x19a: {  	v21 =	vsel vm0, v7, v21;
	v19 =	vsel vm10, v60, v19;
	v20 =	vsel vm12, v61, v58  }
0x19b: {  	v18 =	vsel vm3, v0, v18;
	v19 =	vsel vm1, v3, v19;
	v20 =	vsel vm2, v4, v20  }
0x19c: {  	v18 =	vmin.u32 v18, v19;
	v19 =	vmin.u32 v21, v20  }
0x19d: {  	v18 =	vmin.u32 v18, v19  }
0x19e: {  	[tilespmem:$0x19100] =	vst v18  }
0x19f: {  	[tilespmem:$0x19110] =	vst v18  }
0x1a0: {  	v19 =	vld [tilespmem:$0x19108];
	_ =	sdelay $0x4  }
0x1a1: {  	vm12 =	vlt.s32 v18, v19  }
0x1a2: {  	v18 =	vsel vm12, v18, v19  }
0x1a3: {  	[tilespmem:$0x19100] =	vst v18  }
0x1a4: {  	[tilespmem:$0x19110] =	vst v18  }
0x1a5: {  	v19 =	vld [tilespmem:$0x19104];
	_ =	sdelay $0x4  }
0x1a6: {  	vm0 =	vlt.s32 v18, v19  }
0x1a7: {  	v18 =	vsel vm0, v18, v19  }
0x1a8: {  	[tilespmem:$0x19100] =	vst v18  }
0x1a9: {  	[tilespmem:$0x19110] =	vst v18  }
0x1aa: {  	v19 =	vld [tilespmem:$0x19102];
	_ =	sdelay $0x4  }
0x1ab: {  	vm0 =	vlt.s32 v18, v19  }
0x1ac: {  	v18 =	vsel vm0, v18, v19  }
0x1ad: {  	[tilespmem:$0x19100] =	vst v18  }
0x1ae: {  	[tilespmem:$0x19110] =	vst v18  }
0x1af: {  	v19 =	vld [tilespmem:$0x19101];
	_ =	sdelay $0x4  }
0x1b0: {  	vm0 =	vlt.s32 v18, v19  }
0x1b1: {  	v18 =	vsel vm0, v18, v19  }
0x1b2: {  	(v2sf) =	vpush v18, $0x0;
	_ =	sdelay $0xe  }
0x1b3: {  	s22 =	sadd.s32 s30, s20;
	s31 =	spop (v2sf)  }
0x1b4: {  	s23 =	sand.u32 $0xF, s31;
	s22 =	sadd.s32 s22, s31  }
0x1b5: {  	s22 =	ssub.s32 s22, s23  }
0x1b6: {  	v18 =	vld [tilespmem:s22+$0x0];
	_ =	sdelay $0x2  }
0x1b7: {  	v19 =	vmov s23  }
0x1b8: {  	vm13 =	veq.s32 v19, v0  }
0x1b9: {  	v18 =	vsel vm13, $0x7F61B1E6, v18  }
0x1ba: {  	[tilespmem:s22+$0x0] =	vst v18  }
0x1bb: {  	v18 =	vld.idx.msk [tilespmem:v16+s20+$0x0 ss:$0x1], $0xffff  }
0x1bc: {  	v19 =	vld.idx.msk [tilespmem:v16+s20+$0x10 ss:$0x1], $0xffff  }
0x1bd: {  	v62 =	vld.idx.msk [tilespmem:v16+s20+$0x20 ss:$0x1], $0xffff  }
0x1be: {  	v63 =	vld.idx.msk [tilespmem:v16+s20+$0x30 ss:$0x1], $0xffff  }
0x1bf: {  	v36 =	vld.idx.msk [tilespmem:v16+s20+$0x40 ss:$0x1], $0xffff  }
0x1c0: {  	v37 =	vld.idx.msk [tilespmem:v16+s20+$0x50 ss:$0x1], $0xffff  }
0x1c1: {  	v38 =	vld.idx.msk [tilespmem:v16+s20+$0x60 ss:$0x1], $0xffff  }
0x1c2: {  	v39 =	vld.idx.msk [tilespmem:v16+s20+$0x70 ss:$0x1], $0xffff  }
0x1c3: {  	v40 =	vld.idx.msk [tilespmem:v16+s20+$0x80 ss:$0x1], $0xffff  }
0x1c4: {  	v41 =	vld.idx.msk [tilespmem:v16+s20+$0x90 ss:$0x1], $0xffff  }
0x1c5: {  	v42 =	vld.idx.msk [tilespmem:v16+s20+$0xA0 ss:$0x1], $0xffff  }
0x1c6: {  	v43 =	vld.idx.msk [tilespmem:v16+s20+$0xB0 ss:$0x1], $0xffff  }
0x1c7: {  	v44 =	vld.idx.msk [tilespmem:v16+s20+$0xC0 ss:$0x1], $0xffff  }
0x1c8: {  	v45 =	vld.idx.msk [tilespmem:v16+s20+$0xD0 ss:$0x1], $0xffff  }
0x1c9: {  	v32 =	vld.idx.msk [tilespmem:v16+s20+$0xE0 ss:$0x1], $0xffff  }
0x1ca: {  	v33 =	vld.idx.msk [tilespmem:v16+s20+$0xF0 ss:$0x1], $0xffff;
	_ =	sdelay $0x2  }
0x1cb: {  	v18 =	vmin.f32 v18, v40;
	v19 =	vmin.f32 v19, v41;
	v20 =	vmin.f32 v62, v42  }
0x1cc: {  	v21 =	vmin.f32 v63, v43;
	v22 =	vmin.f32 v36, v44;
	v23 =	vmin.f32 v37, v45  }
0x1cd: {  	v24 =	vmin.f32 v38, v32;
	v25 =	vmin.f32 v39, v33;
	v18 =	vmin.f32 v18, v22  }
0x1ce: {  	v19 =	vmin.f32 v19, v23;
	v20 =	vmin.f32 v20, v24;
	v21 =	vmin.f32 v21, v25  }
0x1cf: {  	s21 =	sshll.u32 s21, $0x6;
	v18 =	vmin.f32 v18, v20;
	v19 =	vmin.f32 v19, v21  }
0x1d0: {  	s21 =	sshra.s32 s21, $0x2;
	v18 =	vmin.f32 v18, v19  }
0x1d1: {  	[tilespmem:s21+$0x10000] =	vst v18  }
0x1d2: {  	v18 =	vld [tilespmem:s15+$0x10000]  }
0x1d3: {  	v19 =	vld [tilespmem:s15+$0x10010]  }
0x1d4: {  	v46 =	vld [tilespmem:s15+$0x10020]  }
0x1d5: {  	v47 =	vld [tilespmem:s15+$0x10030]  }
0x1d6: {  	v48 =	vld [tilespmem:s15+$0x10040]  }
0x1d7: {  	v49 =	vld [tilespmem:s15+$0x10050]  }
0x1d8: {  	v50 =	vld [tilespmem:s15+$0x10060]  }
0x1d9: {  	v51 =	vld [tilespmem:s15+$0x10070]  }
0x1da: {  	v52 =	vld [tilespmem:s15+$0x10080]  }
0x1db: {  	v53 =	vld [tilespmem:s15+$0x10090]  }
0x1dc: {  	v54 =	vld [tilespmem:s15+$0x100A0]  }
0x1dd: {  	v55 =	vld [tilespmem:s15+$0x100B0]  }
0x1de: {  	v56 =	vld [tilespmem:s15+$0x100C0]  }
0x1df: {  	v57 =	vld [tilespmem:s15+$0x100D0]  }
0x1e0: {  	v58 =	vld [tilespmem:s15+$0x100E0]  }
0x1e1: {  	v59 =	vld [tilespmem:s15+$0x100F0];
	_ =	sdelay $0x2  }
0x1e2: {  	v18 =	vmin.f32 v18, v52;
	v19 =	vmin.f32 v19, v53;
	v20 =	vmin.f32 v46, v54  }
0x1e3: {  	v21 =	vmin.f32 v47, v55;
	v22 =	vmin.f32 v48, v56;
	v23 =	vmin.f32 v49, v57  }
0x1e4: {  	v24 =	vmin.f32 v50, v58;
	v25 =	vmin.f32 v51, v59;
	v18 =	vmin.f32 v18, v22  }
0x1e5: {  	v19 =	vmin.f32 v19, v23;
	v20 =	vmin.f32 v20, v24;
	v21 =	vmin.f32 v21, v25  }
0x1e6: {  	v18 =	vmin.f32 v18, v20;
	v19 =	vmin.f32 v19, v21  }
0x1e7: {  	v18 =	vmin.f32 v18, v19  }
0x1e8: {  	[tilespmem:s17+$0x10800] =	vst v18  }
0x1e9: {  	v18 =	vld [tilespmem:s0+$0x10880]  }
0x1ea: {  	v19 =	vld [tilespmem:s0+$0x10890]  }
0x1eb: {  	v60 =	vld [tilespmem:s0+$0x10C80]  }
0x1ec: {  	v61 =	vmov s1;
	s23 =	sadd.s32 $0xFFFFFFF0, s1;
	v62 =	vld [tilespmem:s0+$0x10C90]  }
0x1ed: {  	p1 =	seq.s32 s1, $0x1F;
	vm14 =	veq.s32 v61, v0;
	s31 =	sadd.s32 s20, s31;
	v63 =	vmov s23  }
.Ltmp2:
0x1ee: {  	vm15 =	veq.s32 v63, v0;
	v18 =	vsel vm14, s31, v18;
	(pc) =	sbr.rel @!p1 .LBB2_8-.Ltmp2, $4  }
0x1ef: {  	[tilespmem:s0+$0x10880] =	vst v18;
	v18 =	vsel vm15, s31, v19  }
0x1f0: {  	[tilespmem:s0+$0x10890] =	vst v18;
	v18 =	vsel vm14, v17, v60  }
0x1f1: {  	v17 =	vsel vm15, v17, v62;
	[tilespmem:s0+$0x10C80] =	vst v18  }
0x1f2: {  	s1 =	sadd.s32 $0x1, s1;
	[tilespmem:s0+$0x10C90] =	vst v17  }
0x1f3: {  	p1 =	seq.s32 s29, $0x20  }
.Ltmp3:
0x1f4: {  	_ = 	snop;
	(pc) =	sbr.rel @!p1 .LBB2_3-.Ltmp3, $2  }
0x1f5: {  	_ =	sdelay $0x2  }
0x1f6: {  	p0 =	por !p0, !p0  }
0x1f7: {  	_ =	swait.ge [sflag:s14], $0x8000  }
0x1f8: {  	[sflag:s14] =	ssyncset.done $0x0  }
0x1f9: {  	s0 =	simm.s32 $0x10880;
	[sflag:s14] =	ssyncadd.s32 $0xFFFF8000  }
0x1fa: {  	[tilespmem:s16], [sflag:$0x1] =	stream.indirect.gather [hbm4b:s3+s11], $0x80, s0, s11, $0xb8;
	[tilespmem:$0x19180] =	vst v63  }
0x1fb: {  	s22 =	simm.s32 $0x10900  }
0x1fc: {  	[tilespmem:s18], [sflag:$0x1] =	stream.indirect.gather [hbm4b:s3+s11], $0x80, s22, s11, $0xb8;
	[tilespmem:$0x19180] =	vst v63  }
0x1fd: {  	_ =	swait.ge [sflag:s13], $0x4000  }
0x1fe: {  	[sflag:s13] =	ssyncset.done $0x0  }
0x1ff: {  	[sflag:s13] =	ssyncadd.s32 $0xFFFFC000  }
0x200: {  	_ =	swait.ge [sflag:s13], $0x4000  }
0x201: {  	[sflag:s13] =	ssyncset.done $0x0  }
0x202: {  	[sflag:s13] =	ssyncadd.s32 $0xFFFFC000  }
0x203: {  	[hbm4b:s5+s2] =	stream.linear.scatter [tilespmem:s16], [sflag:$0x3], $0x8000, $0x38;
	[tilespmem:$0x19180] =	vst v63  }
0x204: {  	_ =	swait.ge [sflag:s19], $0x8000  }
0x205: {  	[sflag:s19] =	ssyncset.done $0x0  }
0x206: {  	s23 =	simm.s32 $0x10980;
	[sflag:s19] =	ssyncadd.s32 $0xFFFF8000  }
0x207: {  	[tilespmem:s16], [sflag:$0x1] =	stream.indirect.gather [hbm4b:s3+s11], $0x80, s23, s11, $0xb8;
	[tilespmem:$0x19180] =	vst v63  }
0x208: {  	s29 =	simm.s32 $0x10A00  }
0x209: {  	[tilespmem:s18], [sflag:$0x1] =	stream.indirect.gather [hbm4b:s3+s11], $0x80, s29, s11, $0xb8;
	[tilespmem:$0x19180] =	vst v63  }
0x20a: {  	_ =	swait.ge [sflag:s13], $0x4000  }
0x20b: {  	[sflag:s13] =	ssyncset.done $0x0  }
0x20c: {  	[sflag:s13] =	ssyncadd.s32 $0xFFFFC000  }
0x20d: {  	_ =	swait.ge [sflag:s13], $0x4000  }
0x20e: {  	[sflag:s13] =	ssyncset.done $0x0  }
0x20f: {  	[sflag:s13] =	ssyncadd.s32 $0xFFFFC000  }
0x210: {  	[hbm4b:s6+s2] =	stream.linear.scatter [tilespmem:s16], [sflag:$0x3], $0x8000, $0x38;
	[tilespmem:$0x19180] =	vst v63  }
0x211: {  	_ =	swait.ge [sflag:s19], $0x8000  }
0x212: {  	[sflag:s19] =	ssyncset.done $0x0  }
0x213: {  	s30 =	simm.s32 $0x10A80;
	[sflag:s19] =	ssyncadd.s32 $0xFFFF8000  }
0x214: {  	[tilespmem:s16], [sflag:$0x1] =	stream.indirect.gather [hbm4b:s3+s11], $0x80, s30, s11, $0xb8;
	[tilespmem:$0x19180] =	vst v63  }
0x215: {  	s31 =	simm.s32 $0x10B00  }
0x216: {  	[tilespmem:s18], [sflag:$0x1] =	stream.indirect.gather [hbm4b:s3+s11], $0x80, s31, s11, $0xb8;
	[tilespmem:$0x19180] =	vst v63  }
0x217: {  	_ =	swait.ge [sflag:s13], $0x4000  }
0x218: {  	[sflag:s13] =	ssyncset.done $0x0  }
0x219: {  	[sflag:s13] =	ssyncadd.s32 $0xFFFFC000  }
0x21a: {  	_ =	swait.ge [sflag:s13], $0x4000  }
0x21b: {  	[sflag:s13] =	ssyncset.done $0x0  }
0x21c: {  	[sflag:s13] =	ssyncadd.s32 $0xFFFFC000  }
0x21d: {  	[hbm4b:s7+s2] =	stream.linear.scatter [tilespmem:s16], [sflag:$0x3], $0x8000, $0x38;
	[tilespmem:$0x19180] =	vst v63  }
0x21e: {  	_ =	swait.ge [sflag:s19], $0x8000  }
0x21f: {  	[sflag:s19] =	ssyncset.done $0x0  }
0x220: {  	[sflag:s19] =	ssyncadd.s32 $0xFFFF8000  }
0x221: {  	[tilespmem:s16], [sflag:$0x1] =	stream.indirect.gather [hbm4b:s3+s11], $0x80, s24, s11, $0xb8;
	[tilespmem:$0x19180] =	vst v63  }
0x222: {  	_ = 	snop  }
0x223: {  	[tilespmem:s18], [sflag:$0x1] =	stream.indirect.gather [hbm4b:s3+s11], $0x80, s25, s11, $0xb8;
	[tilespmem:$0x19180] =	vst v63  }
0x224: {  	_ =	swait.ge [sflag:s13], $0x4000  }
0x225: {  	[sflag:s13] =	ssyncset.done $0x0  }
0x226: {  	[sflag:s13] =	ssyncadd.s32 $0xFFFFC000  }
0x227: {  	_ =	swait.ge [sflag:s13], $0x4000  }
0x228: {  	[sflag:s13] =	ssyncset.done $0x0  }
0x229: {  	[sflag:s13] =	ssyncadd.s32 $0xFFFFC000  }
0x22a: {  	[hbm4b:s8+s2] =	stream.linear.scatter [tilespmem:s16], [sflag:$0x3], $0x8000, $0x38;
	[tilespmem:$0x19180] =	vst v63  }
0x22b: {  	s28 =	sadd.s32 $0x1, s28;
	_ =	swait.ge [sflag:s19], $0x8000  }
0x22c: {  	p0 =	sne.s32 s28, s10;
	[sflag:s19] =	ssyncset.done $0x0  }
.Ltmp4:
0x22d: {  	[sflag:s19] =	ssyncadd.s32 $0xFFFF8000;
	(pc) =	sbr.rel @p0 .LBB2_1-.Ltmp4, $4  }
0x22e: {  	[hbm4b:s9+s2] =	stream.linear.scatter [tilespmem:s26], [sflag:$0x3], $0x400, $0x38;
	[tilespmem:$0x19180] =	vst v63  }
0x22f: {  	_ =	swait.ge [sflag:s19], $0x400  }
0x230: {  	[sflag:s19] =	ssyncset.done $0x0  }
0x231: {  	[sflag:s19] =	ssyncadd.s32 $0xFFFFFC00  }
0x232: {  	_ =	sfence.sel $0x180000  }
0x233: {  	[bflag:$0x0] =	sbarrier.arrive $0xFFFF  }
0x234: {  	_ =	strace $0x90000047  }
0x235: {  	s0 =	stileid.u32;
	[bflag:$0x2] =	sbarrier.arrive $0xFFFF  }
0x236: {  	p0 =	sne.s32 s0, $0x0;
	s0 =	rddreg [dreg:$0x2]  }
0x237: {  	s0 =	sadd.s32 @!p0 $0x100000, s0  }
0x238: {  	[sflag:s0] =	ssyncadd.tile.s32 @!p0 $0x1;
	_ =	shalt  }
.Lfunc_end2:
_tile_overlayer_lowered:
.L_overlay_start_2:
0x239: {  	(tag) =	ssettag $0x2  }
0x23a: {  	s0 =	rddreg [dreg:$0x0];
	s2 =	stileid.u32  }
0x23b: {  	s1 =	rddreg [dreg:$0x1];
	p0 =	sne.s32 s2, $0x0  }
0x23c: {  	s3 =	rddreg [dreg:$0x2];
	[bflag:$0x3] =	sbarrier.arrive $0xFFFF;
	s2 =	simm.s32 @!p0 $0x1C03  }
0x23d: {  	[timem:s3], [sflag:s2] =	dma.local @!p0 [hbm:s0], s1  }
0x23e: {  	s0 =	simm.s32 @!p0 $0x3  }
0x23f: {  	_ =	swait.ge @!p0 [sflag:s0], s1  }
0x240: {  	s1 =	ssub.s32 @!p0 $0x0, s1;
	[sflag:s0] =	ssyncset.done @!p0 $0x0  }
0x241: {  	[sflag:s0] =	ssyncadd.s32 @!p0 s1  }
0x242: {  	[bflag:$0x3] =	sbarrier.arrive $0xFFFF  }
0x243: {  	_ =	shalt  }

</sc_bundles>
